<compile_context>
chip_gen: v7x
topology: tpu7x:2x2x1
jax: 0.10.2.dev20260603
libtpu: 0.0.44.dev20260713+nightly
codegen_flags: <defaults>
</compile_context>

<pallas_src>
import jax
import jax.numpy as jnp
from jax import lax
from jax.experimental import pallas as pl
from jax.experimental.pallas import tpu as pltpu
from jax.experimental.pallas import tpu_sc as plsc

_RADIUS = 0.2
_NSAMPLE = 64
_NC, _NS, _L = 2, 16, 16
_NW = _NC * _NS
_BLK = 4


def _round_bf16(v):
    u = plsc.bitcast(v, jnp.int32)
    r = lax.shift_right_logical(u, 16) & 1
    u2 = (u + 32767 + r) & jnp.int32(-65536)
    return plsc.bitcast(u2, jnp.float32)


def _make_sc_kernel(B, N, P, C):
    assert (B * P) % _NW == 0
    cpw = (B * P) // _NW
    wpb = _NW // B
    assert N % (_L * _BLK) == 0 and _NSAMPLE % _L == 0 and cpw % 2 == 0
    n_blocks = N // (_L * _BLK)
    r2 = jnp.float32(_RADIUS * _RADIUS)
    NS4 = _NSAMPLE // _L
    NCH = 3 + C
    PC = cpw // _L

    def body(xyzt, cxs, cys, czs, feat, out,
             t1, t2, t3, t4, cball, cbufA, cbufB, idx_all, sA, sB,
             semTA, semTB, semWA, semWB):
        wid = lax.axis_index("s") * _NC + lax.axis_index("c")
        b = wid // wpb
        p0 = (wid % wpb) * cpw

        pltpu.sync_copy(xyzt.at[3 * b + 0], t1)
        pltpu.sync_copy(xyzt.at[3 * b + 1], t2)
        pltpu.sync_copy(xyzt.at[3 * b + 2], t3)
        pltpu.sync_copy(cxs.at[b, pl.ds(p0, cpw)], cball.at[pl.ds(0, cpw)])
        pltpu.sync_copy(cys.at[b, pl.ds(p0, cpw)], cball.at[pl.ds(cpw, cpw)])
        pltpu.sync_copy(czs.at[b, pl.ds(p0, cpw)],
                        cball.at[pl.ds(2 * cpw, cpw)])

        iota = lax.iota(jnp.int32, _L)
        zero16 = jnp.zeros((_L,), jnp.int32)

        @plsc.parallel_loop(0, N, step=_L, unroll=2)
        def _(off):
            xv = t1[pl.ds(off, _L)]
            yv = t2[pl.ds(off, _L)]
            zv = t3[pl.ds(off, _L)]
            t4[pl.ds(off, _L)] = (xv * xv + yv * yv) + zv * zv
            t1[pl.ds(off, _L)] = _round_bf16(xv)
            t2[pl.ds(off, _L)] = _round_bf16(yv)
            t3[pl.ds(off, _L)] = _round_bf16(zv)

        scope_bq = jax.named_scope("bq")
        scope_bq.__enter__()

        def load_center(p):
            cxv = plsc.load_gather(cball, [jnp.full((_L,), p, jnp.int32)])
            cyv = plsc.load_gather(cball,
                                   [jnp.full((_L,), cpw + p, jnp.int32)])
            czv = plsc.load_gather(cball,
                                   [jnp.full((_L,), 2 * cpw + p, jnp.int32)])
            n2v = (cxv * cxv + cyv * cyv) + czv * czv
            return _round_bf16(cxv), _round_bf16(cyv), _round_bf16(czv), n2v

        def pad_one(p, cbuf, cnt):
            total = jnp.minimum(cnt, _NSAMPLE)
            tsplat = jnp.full((_L,), total, jnp.int32)
            firstv = plsc.load_gather(cbuf, [zero16])
            firstv = jnp.where(tsplat > 0, firstv, 0)
            for k in range(NS4):
                sl = iota + k * _L
                v = cbuf[pl.ds(k * _L, _L)]
                v = jnp.where(sl < tsplat, v, firstv)
                plsc.store_scatter(idx_all, [sl * cpw + p], v)

        def center_body(pp, _):
            pa = 2 * pp
            pb = pa + 1
            axb, ayb, azb, an2 = load_center(pa)
            bxb, byb, bzb, bn2 = load_center(pb)

            def cond(carry):
                j, ca, cb = carry
                return jnp.logical_and(
                    jnp.logical_or(ca < _NSAMPLE, cb < _NSAMPLE),
                    j < n_blocks)

            def wbody(carry):
                j, ca, cb = carry
                base = j * (_L * _BLK)
                masks_a, sums_a, masks_b, sums_b = [], [], [], []
                for k in range(_BLK):
                    off = base + k * _L
                    xv = t1[pl.ds(off, _L)]
                    yv = t2[pl.ds(off, _L)]
                    zv = t3[pl.ds(off, _L)]
                    x2v = t4[pl.ds(off, _L)]
                    da = (axb * xv + ayb * yv) + azb * zv
                    ma = ((an2 + x2v) - 2.0 * da) < r2
                    db = (bxb * xv + byb * yv) + bzb * zv
                    mb = ((bn2 + x2v) - 2.0 * db) < r2
                    masks_a.append(ma)
                    sums_a.append(jnp.sum(ma.astype(jnp.int32)))
                    masks_b.append(mb)
                    sums_b.append(jnp.sum(mb.astype(jnp.int32)))
                oa = jnp.minimum(ca, _NSAMPLE)
                ob = jnp.minimum(cb, _NSAMPLE)
                for k in range(_BLK):
                    off = base + k * _L
                    plsc.store_compressed(cbufA.at[pl.ds(oa, _L)],
                                          iota + off, mask=masks_a[k])
                    plsc.store_compressed(cbufB.at[pl.ds(ob, _L)],
                                          iota + off, mask=masks_b[k])
                    oa = oa + sums_a[k]
                    ob = ob + sums_b[k]
                ca = ca + sums_a[0] + sums_a[1] + sums_a[2] + sums_a[3]
                cb = cb + sums_b[0] + sums_b[1] + sums_b[2] + sums_b[3]
                return (j + 1, ca, cb)

            _, ca, cb = lax.while_loop(
                cond, wbody, (jnp.int32(0), jnp.int32(0), jnp.int32(0)))
            pad_one(pa, cbufA, ca)
            pad_one(pb, cbufB, cb)
            return 0
        lax.fori_loop(0, cpw // 2, center_body, 0)
        scope_bq.__exit__(None, None, None)
        scope_g = jax.named_scope("gather")
        scope_g.__enter__()

        def start_table(c, tab, sem):
            @pl.when(c < 3)
            def _():
                pltpu.async_copy(xyzt.at[3 * b + c], tab, sem)

            @pl.when(jnp.logical_and(c >= 3, c < NCH))
            def _():
                pltpu.async_copy(feat.at[b, c - 3], tab, sem)

        def wait_table(tab, sem):
            pltpu.make_async_copy(feat.at[b, 0], tab, sem).wait()

        def wait_wb(stg, c, sem):
            pltpu.make_async_copy(
                stg, out.at[b, c, :, pl.ds(p0, cpw)], sem).wait()

        def start_wb(stg, c, sem):
            pltpu.async_copy(stg, out.at[b, c, :, pl.ds(p0, cpw)], sem)

        def gather_chan(c, tab, stg):
            @pl.when(c < 3)
            def _():
                @plsc.parallel_loop(0, _NSAMPLE, unroll=2)
                def _(s):
                    for pc in range(PC):
                        o = s * cpw + pc * _L
                        idxv = idx_all[pl.ds(o, _L)]
                        vals = plsc.load_gather(tab, [idxv])
                        cv = cball[pl.ds(c * cpw + pc * _L, _L)]
                        stg[s, pl.ds(pc * _L, _L)] = vals - cv

            @pl.when(c >= 3)
            def _():
                @plsc.parallel_loop(0, _NSAMPLE, unroll=2)
                def _(s):
                    for pc in range(PC):
                        o = s * cpw + pc * _L
                        idxv = idx_all[pl.ds(o, _L)]
                        stg[s, pl.ds(pc * _L, _L)] = plsc.load_gather(
                            tab, [idxv])

        def half(i, c, tab, stg, semT, semW):
            wait_table(tab, semT)

            @pl.when(i > 0)
            def _():
                wait_wb(stg, c - 2, semW)
            gather_chan(c, tab, stg)
            start_table(c + 2, tab, semT)
            start_wb(stg, c, semW)

        start_table(jnp.int32(0), t1, semTA)
        start_table(jnp.int32(1), t2, semTB)

        def chan_pair(i, _):
            half(i, 2 * i, t1, sA, semTA, semWA)
            half(i, 2 * i + 1, t2, sB, semTB, semWB)
            return 0
        lax.fori_loop(0, NCH // 2, chan_pair, 0)

        if NCH % 2:
            cR = jnp.int32(NCH - 1)
            wait_table(t1, semTA)
            wait_wb(sA, cR - 2, semWA)
            gather_chan(cR, t1, sA)
            start_wb(sA, cR, semWA)
            wait_wb(sB, cR - 1, semWB)
            wait_wb(sA, cR, semWA)
        else:
            wait_wb(sA, jnp.int32(NCH - 2), semWA)
            wait_wb(sB, jnp.int32(NCH - 1), semWB)
        scope_g.__exit__(None, None, None)

    mesh = plsc.VectorSubcoreMesh(core_axis_name="c", subcore_axis_name="s",
                                  num_cores=_NC, num_subcores=_NS)
    return pl.kernel(
        body,
        out_type=jax.ShapeDtypeStruct((B, NCH, _NSAMPLE, P), jnp.float32),
        mesh=mesh,
        compiler_params=pltpu.CompilerParams(needs_layout_passes=False),
        scratch_types=[
            pltpu.VMEM((N,), jnp.float32),
            pltpu.VMEM((N,), jnp.float32),
            pltpu.VMEM((N,), jnp.float32),
            pltpu.VMEM((N,), jnp.float32),
            pltpu.VMEM((3 * cpw,), jnp.float32),
            pltpu.VMEM((2 * _NSAMPLE + _L * _BLK,), jnp.int32),
            pltpu.VMEM((2 * _NSAMPLE + _L * _BLK,), jnp.int32),
            pltpu.VMEM((_NSAMPLE * cpw,), jnp.int32),
            pltpu.VMEM((_NSAMPLE, cpw), jnp.float32),
            pltpu.VMEM((_NSAMPLE, cpw), jnp.float32),
            pltpu.SemaphoreType.DMA,
            pltpu.SemaphoreType.DMA,
            pltpu.SemaphoreType.DMA,
            pltpu.SemaphoreType.DMA,
        ],
    )


def kernel(xyz, new_xyz, features):
    B, N, _ = xyz.shape
    P = new_xyz.shape[1]
    C = features.shape[1]
    xyzt = jnp.transpose(xyz, (0, 2, 1)).reshape(B * 3, N)
    cxs = new_xyz[:, :, 0]
    cys = new_xyz[:, :, 1]
    czs = new_xyz[:, :, 2]
    run = _make_sc_kernel(B, N, P, C)
    o = run(xyzt, cxs, cys, czs, features)
    return jnp.transpose(o, (0, 1, 3, 2))

# --- scband reference (transcript-rebuilt; emitter-appended) ---
"""Pipeline reference for scband-query-and-group-28707561406745 (READ-ONLY COPY).

The authoritative reference and input builder live on the scoring server;
editing this copy changes nothing except your own understanding.
"""

import jax, jax.numpy as jnp
import numpy as np

RADIUS = 0.2
NSAMPLE = 64


def setup_inputs(seed: int = 0) -> dict:
    key = jax.random.key(seed)
    k1, k2, k3 = jax.random.split(key, 3)
    xyz = jax.random.uniform(k1, (4, 16384, 3), dtype=jnp.float32)
    new_xyz = jax.random.uniform(k2, (4, 1024, 3), dtype=jnp.float32)
    features = jax.random.normal(k3, (4, 128, 16384), dtype=jnp.float32)
    return {"xyz": xyz, "new_xyz": new_xyz, "features": features}


def _ball_query(radius, nsample, xyz, new_xyz):
    # idx: (B, npoint, nsample) int32, first `nsample` points (in index order)
    # within `radius` of each center; slots past the count are padded with the
    # first found index (matching pointnet2 ball_query_wrapper CUDA semantics).
    xyz_sg = jax.lax.stop_gradient(xyz)
    new_sg = jax.lax.stop_gradient(new_xyz)
    x2 = jnp.sum(xyz_sg * xyz_sg, axis=-1)          # (B, N)
    n2 = jnp.sum(new_sg * new_sg, axis=-1)          # (B, npoint)
    d2 = n2[:, :, None] + x2[:, None, :] - 2.0 * jnp.einsum('bpc,bnc->bpn', new_sg, xyz_sg)
    mask = d2 < (radius * radius)                   # (B, npoint, N)
    N = xyz.shape[1]
    ar = jnp.arange(N, dtype=jnp.int32)
    cand = jnp.where(mask, ar[None, None, :], jnp.int32(N))
    sorted_idx = jnp.sort(cand, axis=-1)[..., :nsample]  # smallest indices first
    first = sorted_idx[..., :1]
    idx = jnp.where(sorted_idx >= N, first, sorted_idx)
    idx = jnp.where(idx >= N, 0, idx)               # no point in ball -> 0 (CUDA leaves 0)
    return idx


def _group(feat, idx):
    # feat: (B, C, N), idx: (B, npoint, nsample) -> (B, C, npoint, nsample)
    B, C, N = feat.shape
    npnt, ns = idx.shape[1], idx.shape[2]
    flat = idx.reshape(B, 1, npnt * ns).astype(jnp.int32)
    g = jnp.take_along_axis(feat, flat, axis=2)
    return g.reshape(B, C, npnt, ns)


def reference(xyz, new_xyz, features):
    idx = _ball_query(RADIUS, NSAMPLE, xyz, new_xyz)
    xyz_t = jnp.transpose(xyz, (0, 2, 1))                     # (B, 3, N)
    grouped_xyz = _group(xyz_t, idx)                          # (B, 3, npoint, nsample)
    grouped_xyz = grouped_xyz - jnp.transpose(new_xyz, (0, 2, 1))[..., None]
    grouped_features = _group(features, idx)                  # (B, C, npoint, nsample)
    new_features = jnp.concatenate([grouped_xyz, grouped_features], axis=1)  # use_xyz=True
    return new_features

if __name__ == "__main__":
    import jax
    _d = setup_inputs()
    print(jax.jit(kernel)(*tuple(_d.values())))

</pallas_src>

<mosaic_0001>
#map = affine_map<(d0, d1) -> (0, 0)>
#map1 = affine_map<(d0, d1) -> (0, 0, 0)>
#map2 = affine_map<(d0, d1) -> (0)>
#map3 = affine_map<(d0, d1) -> (0, 0, 0, 0)>
module attributes {stable_mosaic.version = 14 : i64} {
  func.func @_rewritten_body(%arg0: i32, %arg1: i32, %arg2: memref<12x16384xf32, #tpu.memory_space<hbm>>, %arg3: memref<4x1024xf32, #tpu.memory_space<hbm>>, %arg4: memref<4x1024xf32, #tpu.memory_space<hbm>>, %arg5: memref<4x1024xf32, #tpu.memory_space<hbm>>, %arg6: memref<4x128x16384xf32, #tpu.memory_space<hbm>>, %arg7: memref<1xf32, #tpu.memory_space<hbm>>, %arg8: memref<4x131x64x1024xf32, #tpu.memory_space<hbm>>, %arg9: memref<16384xf32, #tpu.memory_space<vmem>>, %arg10: memref<16384xf32, #tpu.memory_space<vmem>>, %arg11: memref<16384xf32, #tpu.memory_space<vmem>>, %arg12: memref<16384xf32, #tpu.memory_space<vmem>>, %arg13: memref<384xf32, #tpu.memory_space<vmem>>, %arg14: memref<192xi32, #tpu.memory_space<vmem>>, %arg15: memref<192xi32, #tpu.memory_space<vmem>>, %arg16: memref<8192xi32, #tpu.memory_space<vmem>>, %arg17: memref<64x128xf32, #tpu.memory_space<vmem>>, %arg18: memref<64x128xf32, #tpu.memory_space<vmem>>, %arg19: memref<!tpu.dma_semaphore, #tpu.memory_space<semaphore_mem>>, %arg20: memref<!tpu.dma_semaphore, #tpu.memory_space<semaphore_mem>>, %arg21: memref<!tpu.dma_semaphore, #tpu.memory_space<semaphore_mem>>, %arg22: memref<!tpu.dma_semaphore, #tpu.memory_space<semaphore_mem>>) attributes {dimension_semantics = [#tpu.dimension_semantics<core_parallel>, #tpu.dimension_semantics<subcore_parallel>], iteration_bounds = array<i64: 2, 16>, scalar_prefetch = 0 : i64, scratch_operands = 14 : i64, tpu.core_type = #tpu.core_type<sc_vector_subcore>, window_params = [{transform_indices = #map}, {transform_indices = #map}, {transform_indices = #map}, {transform_indices = #map}, {transform_indices = #map1}, {transform_indices = #map2}, {transform_indices = #map3}]} {
    %empty_ref3A = memref.alloca() : memref<16xf32, #tpu.memory_space<vmem>>
    "tpu.region"() ({
      %run_scoped3A = tpu.sem_alloc : memref<!tpu.dma_semaphore, #tpu.memory_space<semaphore_mem>>
      %dma_start3A_145 = arith.constant 0 : i32
      %dma_start3A_146 = tpu.memref_slice %empty_ref3A[%dma_start3A_145] : memref<16xf32, #tpu.memory_space<vmem>> -> memref<1xf32, #tpu.memory_space<vmem>>
      %dma_start3A_147 = arith.constant 0 : i32
      %dma_start3A_148 = tpu.memref_slice %empty_ref3A[%dma_start3A_147] : memref<16xf32, #tpu.memory_space<vmem>> -> memref<1xf32, #tpu.memory_space<vmem>>
      tpu.enqueue_dma source(%arg7 : memref<1xf32, #tpu.memory_space<hbm>>) target(%dma_start3A_148 : memref<1xf32, #tpu.memory_space<vmem>>) target_semaphore(%run_scoped3A : memref<!tpu.dma_semaphore, #tpu.memory_space<semaphore_mem>>)
      %dma_wait3A_149 = arith.constant 0 : i32
      %dma_wait3A_150 = tpu.memref_slice %empty_ref3A[%dma_wait3A_149] : memref<16xf32, #tpu.memory_space<vmem>> -> memref<1xf32, #tpu.memory_space<vmem>>
      %dma_wait3A_151 = arith.constant 0 : i32
      %dma_wait3A_152 = tpu.memref_slice %empty_ref3A[%dma_wait3A_151] : memref<16xf32, #tpu.memory_space<vmem>> -> memref<1xf32, #tpu.memory_space<vmem>>
      tpu.wait_dma2 semaphore(%run_scoped3A : memref<!tpu.dma_semaphore, #tpu.memory_space<semaphore_mem>>) src(%arg7 : memref<1xf32, #tpu.memory_space<hbm>>) dst(%dma_wait3A_152 : memref<1xf32, #tpu.memory_space<vmem>>)
      tpu.yield
    }) : () -> ()
    %get3A = arith.constant 0 : index
    %get3A_0 = tpu.vector_load %empty_ref3A[%get3A] {strides = array<i32>} : memref<16xf32, #tpu.memory_space<vmem>>, vector<16xf32>,
    %slice3A = vector.extract_strided_slice %get3A_0 {offsets = [0], sizes = [1], strides = [1]} : vector<16xf32> to vector<1xf32>
    %squeeze3A = vector.extract %slice3A[0] : f32 from vector<1xf32>
    %mul3A = arith.constant 2 : i32
    %mul3A_1 = arith.muli %arg1, %mul3A : i32
    %add3A = arith.addi %mul3A_1, %arg0 : i32
    %jit3A = arith.constant 8 : i32
    %div3A = arith.divsi %add3A, %jit3A : i32
    %sign3A = arith.constant 0 : i32
    %sign3A_2 = arith.cmpi sgt, %add3A, %sign3A : i32
    %sign3A_3 = arith.extui %sign3A_2 : i1 to i32
    %sign3A_4 = arith.constant 0 : i32
    %sign3A_5 = arith.cmpi slt, %add3A, %sign3A_4 : i32
    %sign3A_6 = arith.extui %sign3A_5 : i1 to i32
    %sign3A_7 = arith.subi %sign3A_3, %sign3A_6 : i32
    %sign3A_8 = arith.constant 0 : i32
    %sign3A_9 = arith.cmpi sgt, %jit3A, %sign3A_8 : i32
    %sign3A_10 = arith.extui %sign3A_9 : i1 to i32
    %sign3A_11 = arith.constant 0 : i32
    %sign3A_12 = arith.cmpi slt, %jit3A, %sign3A_11 : i32
    %sign3A_13 = arith.extui %sign3A_12 : i1 to i32
    %sign3A_14 = arith.subi %sign3A_10, %sign3A_13 : i32
    %ne3A = arith.cmpi ne, %sign3A_7, %sign3A_14 : i32
    %rem3A = arith.remsi %add3A, %jit3A : i32
    %ne3A_15 = arith.constant 0 : i32
    %ne3A_16 = arith.cmpi ne, %rem3A, %ne3A_15 : i32
    %and3A = arith.andi %ne3A, %ne3A_16 : i1
    %sub3A = arith.constant 1 : i32
    %sub3A_17 = arith.subi %div3A, %sub3A : i32
    %select_n3A = arith.select %and3A, %sub3A_17, %div3A : i32
    %jit3A_18 = arith.constant 8 : i32
    %eq3A = arith.constant 0 : i32
    %eq3A_19 = arith.cmpi eq, %jit3A_18, %eq3A : i32
    %jit3A_20 = arith.constant 1 : i32
    %select_n3A_21 = arith.select %eq3A_19, %jit3A_20, %jit3A_18 : i32
    %rem3A_22 = arith.remsi %add3A, %select_n3A_21 : i32
    %ne3A_23 = arith.constant 0 : i32
    %ne3A_24 = arith.cmpi ne, %rem3A_22, %ne3A_23 : i32
    %lt3A = arith.constant 0 : i32
    %lt3A_25 = arith.cmpi slt, %rem3A_22, %lt3A : i32
    %lt3A_26 = arith.constant 0 : i32
    %lt3A_27 = arith.cmpi slt, %select_n3A_21, %lt3A_26 : i32
    %ne3A_28 = arith.xori %lt3A_25, %lt3A_27 : i1
    %and3A_29 = arith.andi %ne3A_28, %ne3A_24 : i1
    %add3A_30 = arith.addi %rem3A_22, %select_n3A_21 : i32
    %select_n3A_31 = arith.select %and3A_29, %add3A_30, %rem3A_22 : i32
    %mul3A_32 = arith.constant 128 : i32
    %mul3A_33 = arith.muli %select_n3A_31, %mul3A_32 : i32
    %mul3A_34 = arith.constant 3 : i32
    %mul3A_35 = arith.muli %mul3A_34, %select_n3A : i32
    %add3A_36 = arith.constant 0 : i32
    %add3A_37 = arith.addi %mul3A_35, %add3A_36 : i32
    "tpu.region"() ({
      %run_scoped3A = tpu.sem_alloc : memref<!tpu.dma_semaphore, #tpu.memory_space<semaphore_mem>>
      %dma_start3A_145 = arith.constant 0 : i32
      %dma_start3A_146 = tpu.memref_slice %arg2[%add3A_37, %dma_start3A_145] : memref<12x16384xf32, #tpu.memory_space<hbm>> -> memref<1x16384xf32, #tpu.memory_space<hbm>>
      %dma_start3A_147 = tpu.memref_squeeze %dma_start3A_146 : memref<1x16384xf32, #tpu.memory_space<hbm>> -> memref<16384xf32, #tpu.memory_space<hbm>>
      %dma_start3A_148 = arith.constant 0 : i32
      %dma_start3A_149 = tpu.memref_slice %arg2[%add3A_37, %dma_start3A_148] : memref<12x16384xf32, #tpu.memory_space<hbm>> -> memref<1x16384xf32, #tpu.memory_space<hbm>>
      %dma_start3A_150 = tpu.memref_squeeze %dma_start3A_149 : memref<1x16384xf32, #tpu.memory_space<hbm>> -> memref<16384xf32, #tpu.memory_space<hbm>>
      tpu.enqueue_dma source(%dma_start3A_150 : memref<16384xf32, #tpu.memory_space<hbm>>) target(%arg9 : memref<16384xf32, #tpu.memory_space<vmem>>) target_semaphore(%run_scoped3A : memref<!tpu.dma_semaphore, #tpu.memory_space<semaphore_mem>>)
      %dma_wait3A_151 = arith.constant 0 : i32
      %dma_wait3A_152 = tpu.memref_slice %arg2[%add3A_37, %dma_wait3A_151] : memref<12x16384xf32, #tpu.memory_space<hbm>> -> memref<1x16384xf32, #tpu.memory_space<hbm>>
      %dma_wait3A_153 = tpu.memref_squeeze %dma_wait3A_152 : memref<1x16384xf32, #tpu.memory_space<hbm>> -> memref<16384xf32, #tpu.memory_space<hbm>>
      %dma_wait3A_154 = arith.constant 0 : i32
      %dma_wait3A_155 = tpu.memref_slice %arg2[%add3A_37, %dma_wait3A_154] : memref<12x16384xf32, #tpu.memory_space<hbm>> -> memref<1x16384xf32, #tpu.memory_space<hbm>>
      %dma_wait3A_156 = tpu.memref_squeeze %dma_wait3A_155 : memref<1x16384xf32, #tpu.memory_space<hbm>> -> memref<16384xf32, #tpu.memory_space<hbm>>
      tpu.wait_dma2 semaphore(%run_scoped3A : memref<!tpu.dma_semaphore, #tpu.memory_space<semaphore_mem>>) src(%dma_wait3A_156 : memref<16384xf32, #tpu.memory_space<hbm>>) dst(%arg9 : memref<16384xf32, #tpu.memory_space<vmem>>)
      tpu.yield
    }) : () -> ()
    %mul3A_38 = arith.constant 3 : i32
    %mul3A_39 = arith.muli %mul3A_38, %select_n3A : i32
    %add3A_40 = arith.constant 1 : i32
    %add3A_41 = arith.addi %mul3A_39, %add3A_40 : i32
    "tpu.region"() ({
      %run_scoped3A = tpu.sem_alloc : memref<!tpu.dma_semaphore, #tpu.memory_space<semaphore_mem>>
      %dma_start3A_145 = arith.constant 0 : i32
      %dma_start3A_146 = tpu.memref_slice %arg2[%add3A_41, %dma_start3A_145] : memref<12x16384xf32, #tpu.memory_space<hbm>> -> memref<1x16384xf32, #tpu.memory_space<hbm>>
      %dma_start3A_147 = tpu.memref_squeeze %dma_start3A_146 : memref<1x16384xf32, #tpu.memory_space<hbm>> -> memref<16384xf32, #tpu.memory_space<hbm>>
      %dma_start3A_148 = arith.constant 0 : i32
      %dma_start3A_149 = tpu.memref_slice %arg2[%add3A_41, %dma_start3A_148] : memref<12x16384xf32, #tpu.memory_space<hbm>> -> memref<1x16384xf32, #tpu.memory_space<hbm>>
      %dma_start3A_150 = tpu.memref_squeeze %dma_start3A_149 : memref<1x16384xf32, #tpu.memory_space<hbm>> -> memref<16384xf32, #tpu.memory_space<hbm>>
      tpu.enqueue_dma source(%dma_start3A_150 : memref<16384xf32, #tpu.memory_space<hbm>>) target(%arg10 : memref<16384xf32, #tpu.memory_space<vmem>>) target_semaphore(%run_scoped3A : memref<!tpu.dma_semaphore, #tpu.memory_space<semaphore_mem>>)
      %dma_wait3A_151 = arith.constant 0 : i32
      %dma_wait3A_152 = tpu.memref_slice %arg2[%add3A_41, %dma_wait3A_151] : memref<12x16384xf32, #tpu.memory_space<hbm>> -> memref<1x16384xf32, #tpu.memory_space<hbm>>
      %dma_wait3A_153 = tpu.memref_squeeze %dma_wait3A_152 : memref<1x16384xf32, #tpu.memory_space<hbm>> -> memref<16384xf32, #tpu.memory_space<hbm>>
      %dma_wait3A_154 = arith.constant 0 : i32
      %dma_wait3A_155 = tpu.memref_slice %arg2[%add3A_41, %dma_wait3A_154] : memref<12x16384xf32, #tpu.memory_space<hbm>> -> memref<1x16384xf32, #tpu.memory_space<hbm>>
      %dma_wait3A_156 = tpu.memref_squeeze %dma_wait3A_155 : memref<1x16384xf32, #tpu.memory_space<hbm>> -> memref<16384xf32, #tpu.memory_space<hbm>>
      tpu.wait_dma2 semaphore(%run_scoped3A : memref<!tpu.dma_semaphore, #tpu.memory_space<semaphore_mem>>) src(%dma_wait3A_156 : memref<16384xf32, #tpu.memory_space<hbm>>) dst(%arg10 : memref<16384xf32, #tpu.memory_space<vmem>>)
      tpu.yield
    }) : () -> ()
    %mul3A_42 = arith.constant 3 : i32
    %mul3A_43 = arith.muli %mul3A_42, %select_n3A : i32
    %add3A_44 = arith.constant 2 : i32
    %add3A_45 = arith.addi %mul3A_43, %add3A_44 : i32
    "tpu.region"() ({
      %run_scoped3A = tpu.sem_alloc : memref<!tpu.dma_semaphore, #tpu.memory_space<semaphore_mem>>
      %dma_start3A_145 = arith.constant 0 : i32
      %dma_start3A_146 = tpu.memref_slice %arg2[%add3A_45, %dma_start3A_145] : memref<12x16384xf32, #tpu.memory_space<hbm>> -> memref<1x16384xf32, #tpu.memory_space<hbm>>
      %dma_start3A_147 = tpu.memref_squeeze %dma_start3A_146 : memref<1x16384xf32, #tpu.memory_space<hbm>> -> memref<16384xf32, #tpu.memory_space<hbm>>
      %dma_start3A_148 = arith.constant 0 : i32
      %dma_start3A_149 = tpu.memref_slice %arg2[%add3A_45, %dma_start3A_148] : memref<12x16384xf32, #tpu.memory_space<hbm>> -> memref<1x16384xf32, #tpu.memory_space<hbm>>
      %dma_start3A_150 = tpu.memref_squeeze %dma_start3A_149 : memref<1x16384xf32, #tpu.memory_space<hbm>> -> memref<16384xf32, #tpu.memory_space<hbm>>
      tpu.enqueue_dma source(%dma_start3A_150 : memref<16384xf32, #tpu.memory_space<hbm>>) target(%arg11 : memref<16384xf32, #tpu.memory_space<vmem>>) target_semaphore(%run_scoped3A : memref<!tpu.dma_semaphore, #tpu.memory_space<semaphore_mem>>)
      %dma_wait3A_151 = arith.constant 0 : i32
      %dma_wait3A_152 = tpu.memref_slice %arg2[%add3A_45, %dma_wait3A_151] : memref<12x16384xf32, #tpu.memory_space<hbm>> -> memref<1x16384xf32, #tpu.memory_space<hbm>>
      %dma_wait3A_153 = tpu.memref_squeeze %dma_wait3A_152 : memref<1x16384xf32, #tpu.memory_space<hbm>> -> memref<16384xf32, #tpu.memory_space<hbm>>
      %dma_wait3A_154 = arith.constant 0 : i32
      %dma_wait3A_155 = tpu.memref_slice %arg2[%add3A_45, %dma_wait3A_154] : memref<12x16384xf32, #tpu.memory_space<hbm>> -> memref<1x16384xf32, #tpu.memory_space<hbm>>
      %dma_wait3A_156 = tpu.memref_squeeze %dma_wait3A_155 : memref<1x16384xf32, #tpu.memory_space<hbm>> -> memref<16384xf32, #tpu.memory_space<hbm>>
      tpu.wait_dma2 semaphore(%run_scoped3A : memref<!tpu.dma_semaphore, #tpu.memory_space<semaphore_mem>>) src(%dma_wait3A_156 : memref<16384xf32, #tpu.memory_space<hbm>>) dst(%arg11 : memref<16384xf32, #tpu.memory_space<vmem>>)
      tpu.yield
    }) : () -> ()
    "tpu.region"() ({
      %run_scoped3A = tpu.sem_alloc : memref<!tpu.dma_semaphore, #tpu.memory_space<semaphore_mem>>
      %dma_start3A_145 = arith.constant 0 : i32
      %dma_start3A_146 = tpu.memref_slice %arg13[%dma_start3A_145] : memref<384xf32, #tpu.memory_space<vmem>> -> memref<128xf32, #tpu.memory_space<vmem>>
      %dma_start3A_147 = tpu.memref_slice %arg3[%select_n3A, %mul3A_33] : memref<4x1024xf32, #tpu.memory_space<hbm>> -> memref<1x128xf32, #tpu.memory_space<hbm>>
      %dma_start3A_148 = tpu.memref_squeeze %dma_start3A_147 : memref<1x128xf32, #tpu.memory_space<hbm>> -> memref<128xf32, #tpu.memory_space<hbm>>
      %dma_start3A_149 = arith.constant 0 : i32
      %dma_start3A_150 = tpu.memref_slice %arg13[%dma_start3A_149] : memref<384xf32, #tpu.memory_space<vmem>> -> memref<128xf32, #tpu.memory_space<vmem>>
      %dma_start3A_151 = tpu.memref_slice %arg3[%select_n3A, %mul3A_33] : memref<4x1024xf32, #tpu.memory_space<hbm>> -> memref<1x128xf32, #tpu.memory_space<hbm>>
      %dma_start3A_152 = tpu.memref_squeeze %dma_start3A_151 : memref<1x128xf32, #tpu.memory_space<hbm>> -> memref<128xf32, #tpu.memory_space<hbm>>
      tpu.enqueue_dma source(%dma_start3A_152 : memref<128xf32, #tpu.memory_space<hbm>>) target(%dma_start3A_150 : memref<128xf32, #tpu.memory_space<vmem>>) target_semaphore(%run_scoped3A : memref<!tpu.dma_semaphore, #tpu.memory_space<semaphore_mem>>)
      %dma_wait3A_153 = arith.constant 0 : i32
      %dma_wait3A_154 = tpu.memref_slice %arg13[%dma_wait3A_153] : memref<384xf32, #tpu.memory_space<vmem>> -> memref<128xf32, #tpu.memory_space<vmem>>
      %dma_wait3A_155 = tpu.memref_slice %arg3[%select_n3A, %mul3A_33] : memref<4x1024xf32, #tpu.memory_space<hbm>> -> memref<1x128xf32, #tpu.memory_space<hbm>>
      %dma_wait3A_156 = tpu.memref_squeeze %dma_wait3A_155 : memref<1x128xf32, #tpu.memory_space<hbm>> -> memref<128xf32, #tpu.memory_space<hbm>>
      %dma_wait3A_157 = arith.constant 0 : i32
      %dma_wait3A_158 = tpu.memref_slice %arg13[%dma_wait3A_157] : memref<384xf32, #tpu.memory_space<vmem>> -> memref<128xf32, #tpu.memory_space<vmem>>
      %dma_wait3A_159 = tpu.memref_slice %arg3[%select_n3A, %mul3A_33] : memref<4x1024xf32, #tpu.memory_space<hbm>> -> memref<1x128xf32, #tpu.memory_space<hbm>>
      %dma_wait3A_160 = tpu.memref_squeeze %dma_wait3A_159 : memref<1x128xf32, #tpu.memory_space<hbm>> -> memref<128xf32, #tpu.memory_space<hbm>>
      tpu.wait_dma2 semaphore(%run_scoped3A : memref<!tpu.dma_semaphore, #tpu.memory_space<semaphore_mem>>) src(%dma_wait3A_160 : memref<128xf32, #tpu.memory_space<hbm>>) dst(%dma_wait3A_158 : memref<128xf32, #tpu.memory_space<vmem>>)
      tpu.yield
    }) : () -> ()
    "tpu.region"() ({
      %run_scoped3A = tpu.sem_alloc : memref<!tpu.dma_semaphore, #tpu.memory_space<semaphore_mem>>
      %dma_start3A_145 = arith.constant 128 : i32
      %dma_start3A_146 = tpu.memref_slice %arg13[%dma_start3A_145] : memref<384xf32, #tpu.memory_space<vmem>> -> memref<128xf32, #tpu.memory_space<vmem>>
      %dma_start3A_147 = tpu.memref_slice %arg4[%select_n3A, %mul3A_33] : memref<4x1024xf32, #tpu.memory_space<hbm>> -> memref<1x128xf32, #tpu.memory_space<hbm>>
      %dma_start3A_148 = tpu.memref_squeeze %dma_start3A_147 : memref<1x128xf32, #tpu.memory_space<hbm>> -> memref<128xf32, #tpu.memory_space<hbm>>
      %dma_start3A_149 = arith.constant 128 : i32
      %dma_start3A_150 = tpu.memref_slice %arg13[%dma_start3A_149] : memref<384xf32, #tpu.memory_space<vmem>> -> memref<128xf32, #tpu.memory_space<vmem>>
      %dma_start3A_151 = tpu.memref_slice %arg4[%select_n3A, %mul3A_33] : memref<4x1024xf32, #tpu.memory_space<hbm>> -> memref<1x128xf32, #tpu.memory_space<hbm>>
      %dma_start3A_152 = tpu.memref_squeeze %dma_start3A_151 : memref<1x128xf32, #tpu.memory_space<hbm>> -> memref<128xf32, #tpu.memory_space<hbm>>
      tpu.enqueue_dma source(%dma_start3A_152 : memref<128xf32, #tpu.memory_space<hbm>>) target(%dma_start3A_150 : memref<128xf32, #tpu.memory_space<vmem>>) target_semaphore(%run_scoped3A : memref<!tpu.dma_semaphore, #tpu.memory_space<semaphore_mem>>)
      %dma_wait3A_153 = arith.constant 128 : i32
      %dma_wait3A_154 = tpu.memref_slice %arg13[%dma_wait3A_153] : memref<384xf32, #tpu.memory_space<vmem>> -> memref<128xf32, #tpu.memory_space<vmem>>
      %dma_wait3A_155 = tpu.memref_slice %arg4[%select_n3A, %mul3A_33] : memref<4x1024xf32, #tpu.memory_space<hbm>> -> memref<1x128xf32, #tpu.memory_space<hbm>>
      %dma_wait3A_156 = tpu.memref_squeeze %dma_wait3A_155 : memref<1x128xf32, #tpu.memory_space<hbm>> -> memref<128xf32, #tpu.memory_space<hbm>>
      %dma_wait3A_157 = arith.constant 128 : i32
      %dma_wait3A_158 = tpu.memref_slice %arg13[%dma_wait3A_157] : memref<384xf32, #tpu.memory_space<vmem>> -> memref<128xf32, #tpu.memory_space<vmem>>
      %dma_wait3A_159 = tpu.memref_slice %arg4[%select_n3A, %mul3A_33] : memref<4x1024xf32, #tpu.memory_space<hbm>> -> memref<1x128xf32, #tpu.memory_space<hbm>>
      %dma_wait3A_160 = tpu.memref_squeeze %dma_wait3A_159 : memref<1x128xf32, #tpu.memory_space<hbm>> -> memref<128xf32, #tpu.memory_space<hbm>>
      tpu.wait_dma2 semaphore(%run_scoped3A : memref<!tpu.dma_semaphore, #tpu.memory_space<semaphore_mem>>) src(%dma_wait3A_160 : memref<128xf32, #tpu.memory_space<hbm>>) dst(%dma_wait3A_158 : memref<128xf32, #tpu.memory_space<vmem>>)
      tpu.yield
    }) : () -> ()
    "tpu.region"() ({
      %run_scoped3A = tpu.sem_alloc : memref<!tpu.dma_semaphore, #tpu.memory_space<semaphore_mem>>
      %dma_start3A_145 = arith.constant 256 : i32
      %dma_start3A_146 = tpu.memref_slice %arg13[%dma_start3A_145] : memref<384xf32, #tpu.memory_space<vmem>> -> memref<128xf32, #tpu.memory_space<vmem>>
      %dma_start3A_147 = tpu.memref_slice %arg5[%select_n3A, %mul3A_33] : memref<4x1024xf32, #tpu.memory_space<hbm>> -> memref<1x128xf32, #tpu.memory_space<hbm>>
      %dma_start3A_148 = tpu.memref_squeeze %dma_start3A_147 : memref<1x128xf32, #tpu.memory_space<hbm>> -> memref<128xf32, #tpu.memory_space<hbm>>
      %dma_start3A_149 = arith.constant 256 : i32
      %dma_start3A_150 = tpu.memref_slice %arg13[%dma_start3A_149] : memref<384xf32, #tpu.memory_space<vmem>> -> memref<128xf32, #tpu.memory_space<vmem>>
      %dma_start3A_151 = tpu.memref_slice %arg5[%select_n3A, %mul3A_33] : memref<4x1024xf32, #tpu.memory_space<hbm>> -> memref<1x128xf32, #tpu.memory_space<hbm>>
      %dma_start3A_152 = tpu.memref_squeeze %dma_start3A_151 : memref<1x128xf32, #tpu.memory_space<hbm>> -> memref<128xf32, #tpu.memory_space<hbm>>
      tpu.enqueue_dma source(%dma_start3A_152 : memref<128xf32, #tpu.memory_space<hbm>>) target(%dma_start3A_150 : memref<128xf32, #tpu.memory_space<vmem>>) target_semaphore(%run_scoped3A : memref<!tpu.dma_semaphore, #tpu.memory_space<semaphore_mem>>)
      %dma_wait3A_153 = arith.constant 256 : i32
      %dma_wait3A_154 = tpu.memref_slice %arg13[%dma_wait3A_153] : memref<384xf32, #tpu.memory_space<vmem>> -> memref<128xf32, #tpu.memory_space<vmem>>
      %dma_wait3A_155 = tpu.memref_slice %arg5[%select_n3A, %mul3A_33] : memref<4x1024xf32, #tpu.memory_space<hbm>> -> memref<1x128xf32, #tpu.memory_space<hbm>>
      %dma_wait3A_156 = tpu.memref_squeeze %dma_wait3A_155 : memref<1x128xf32, #tpu.memory_space<hbm>> -> memref<128xf32, #tpu.memory_space<hbm>>
      %dma_wait3A_157 = arith.constant 256 : i32
      %dma_wait3A_158 = tpu.memref_slice %arg13[%dma_wait3A_157] : memref<384xf32, #tpu.memory_space<vmem>> -> memref<128xf32, #tpu.memory_space<vmem>>
      %dma_wait3A_159 = tpu.memref_slice %arg5[%select_n3A, %mul3A_33] : memref<4x1024xf32, #tpu.memory_space<hbm>> -> memref<1x128xf32, #tpu.memory_space<hbm>>
      %dma_wait3A_160 = tpu.memref_squeeze %dma_wait3A_159 : memref<1x128xf32, #tpu.memory_space<hbm>> -> memref<128xf32, #tpu.memory_space<hbm>>
      tpu.wait_dma2 semaphore(%run_scoped3A : memref<!tpu.dma_semaphore, #tpu.memory_space<semaphore_mem>>) src(%dma_wait3A_160 : memref<128xf32, #tpu.memory_space<hbm>>) dst(%dma_wait3A_158 : memref<128xf32, #tpu.memory_space<vmem>>)
      tpu.yield
    }) : () -> ()
    %iota3A = tpu.iota {dimensions = array<i32: 0>} : vector<16xi32>
    %broadcast_in_dim3A = arith.constant 0 : i32
    %broadcast_in_dim3A_46 = vector.broadcast %broadcast_in_dim3A : i32 to vector<16xi32>
    %parallel_loop3A = arith.constant 0 : i32
    %parallel_loop3A_47 = arith.constant 16384 : i32
    %parallel_loop3A_48 = arith.constant 16 : i32
    scf.for %parallel_loop3A_145 = %parallel_loop3A to %parallel_loop3A_47 step %parallel_loop3A_48  : i32 {
      %parallel_loop3A_146 = arith.index_cast %parallel_loop3A_145 : i32 to index
      %parallel_loop3A_147 = tpu.vector_load %arg9[%parallel_loop3A_146] {strides = array<i32>} : memref<16384xf32, #tpu.memory_space<vmem>>, vector<16xf32>,
      %parallel_loop3A_148 = arith.index_cast %parallel_loop3A_145 : i32 to index
      %parallel_loop3A_149 = tpu.vector_load %arg10[%parallel_loop3A_148] {strides = array<i32>} : memref<16384xf32, #tpu.memory_space<vmem>>, vector<16xf32>,
      %parallel_loop3A_150 = arith.index_cast %parallel_loop3A_145 : i32 to index
      %parallel_loop3A_151 = tpu.vector_load %arg11[%parallel_loop3A_150] {strides = array<i32>} : memref<16384xf32, #tpu.memory_space<vmem>>, vector<16xf32>,
      %parallel_loop3A_152 = arith.mulf %parallel_loop3A_147, %parallel_loop3A_147 : vector<16xf32>
      %parallel_loop3A_153 = arith.mulf %parallel_loop3A_149, %parallel_loop3A_149 : vector<16xf32>
      %parallel_loop3A_154 = arith.addf %parallel_loop3A_152, %parallel_loop3A_153 : vector<16xf32>
      %parallel_loop3A_155 = arith.mulf %parallel_loop3A_151, %parallel_loop3A_151 : vector<16xf32>
      %parallel_loop3A_156 = arith.addf %parallel_loop3A_154, %parallel_loop3A_155 : vector<16xf32>
      %parallel_loop3A_157 = arith.index_cast %parallel_loop3A_145 : i32 to index
      %parallel_loop3A_158 = tpu.vector_load %arg12[%parallel_loop3A_157] {strides = array<i32>} : memref<16384xf32, #tpu.memory_space<vmem>>, vector<16xf32>,
      tpu.vector_store %arg12[%parallel_loop3A_157], %parallel_loop3A_156 {strides = array<i32>} : memref<16384xf32, #tpu.memory_space<vmem>>, vector<16xf32>,
      %parallel_loop3A_159 = vector.bitcast %parallel_loop3A_147 : vector<16xf32> to vector<16xi32>
      %parallel_loop3A_160 = arith.constant 16 : i32
      %parallel_loop3A_161 = vector.broadcast %parallel_loop3A_160 : i32 to vector<16xi32>
      %parallel_loop3A_162 = arith.shrui %parallel_loop3A_159, %parallel_loop3A_161 : vector<16xi32>
      %parallel_loop3A_163 = arith.constant 1 : i32
      %parallel_loop3A_164 = vector.broadcast %parallel_loop3A_163 : i32 to vector<16xi32>
      %parallel_loop3A_165 = arith.andi %parallel_loop3A_162, %parallel_loop3A_164 : vector<16xi32>
      %parallel_loop3A_166 = arith.constant 32767 : i32
      %parallel_loop3A_167 = vector.broadcast %parallel_loop3A_166 : i32 to vector<16xi32>
      %parallel_loop3A_168 = arith.addi %parallel_loop3A_159, %parallel_loop3A_167 : vector<16xi32>
      %parallel_loop3A_169 = arith.addi %parallel_loop3A_168, %parallel_loop3A_165 : vector<16xi32>
      %parallel_loop3A_170 = arith.constant -65536 : i32
      %parallel_loop3A_171 = vector.broadcast %parallel_loop3A_170 : i32 to vector<16xi32>
      %parallel_loop3A_172 = arith.andi %parallel_loop3A_169, %parallel_loop3A_171 : vector<16xi32>
      %parallel_loop3A_173 = vector.bitcast %parallel_loop3A_172 : vector<16xi32> to vector<16xf32>
      %parallel_loop3A_174 = arith.index_cast %parallel_loop3A_145 : i32 to index
      %parallel_loop3A_175 = tpu.vector_load %arg9[%parallel_loop3A_174] {strides = array<i32>} : memref<16384xf32, #tpu.memory_space<vmem>>, vector<16xf32>,
      tpu.vector_store %arg9[%parallel_loop3A_174], %parallel_loop3A_173 {strides = array<i32>} : memref<16384xf32, #tpu.memory_space<vmem>>, vector<16xf32>,
      %parallel_loop3A_176 = vector.bitcast %parallel_loop3A_149 : vector<16xf32> to vector<16xi32>
      %parallel_loop3A_177 = arith.constant 16 : i32
      %parallel_loop3A_178 = vector.broadcast %parallel_loop3A_177 : i32 to vector<16xi32>
      %parallel_loop3A_179 = arith.shrui %parallel_loop3A_176, %parallel_loop3A_178 : vector<16xi32>
      %parallel_loop3A_180 = arith.constant 1 : i32
      %parallel_loop3A_181 = vector.broadcast %parallel_loop3A_180 : i32 to vector<16xi32>
      %parallel_loop3A_182 = arith.andi %parallel_loop3A_179, %parallel_loop3A_181 : vector<16xi32>
      %parallel_loop3A_183 = arith.constant 32767 : i32
      %parallel_loop3A_184 = vector.broadcast %parallel_loop3A_183 : i32 to vector<16xi32>
      %parallel_loop3A_185 = arith.addi %parallel_loop3A_176, %parallel_loop3A_184 : vector<16xi32>
      %parallel_loop3A_186 = arith.addi %parallel_loop3A_185, %parallel_loop3A_182 : vector<16xi32>
      %parallel_loop3A_187 = arith.constant -65536 : i32
      %parallel_loop3A_188 = vector.broadcast %parallel_loop3A_187 : i32 to vector<16xi32>
      %parallel_loop3A_189 = arith.andi %parallel_loop3A_186, %parallel_loop3A_188 : vector<16xi32>
      %parallel_loop3A_190 = vector.bitcast %parallel_loop3A_189 : vector<16xi32> to vector<16xf32>
      %parallel_loop3A_191 = arith.index_cast %parallel_loop3A_145 : i32 to index
      %parallel_loop3A_192 = tpu.vector_load %arg10[%parallel_loop3A_191] {strides = array<i32>} : memref<16384xf32, #tpu.memory_space<vmem>>, vector<16xf32>,
      tpu.vector_store %arg10[%parallel_loop3A_191], %parallel_loop3A_190 {strides = array<i32>} : memref<16384xf32, #tpu.memory_space<vmem>>, vector<16xf32>,
      %parallel_loop3A_193 = vector.bitcast %parallel_loop3A_151 : vector<16xf32> to vector<16xi32>
      %parallel_loop3A_194 = arith.constant 16 : i32
      %parallel_loop3A_195 = vector.broadcast %parallel_loop3A_194 : i32 to vector<16xi32>
      %parallel_loop3A_196 = arith.shrui %parallel_loop3A_193, %parallel_loop3A_195 : vector<16xi32>
      %parallel_loop3A_197 = arith.constant 1 : i32
      %parallel_loop3A_198 = vector.broadcast %parallel_loop3A_197 : i32 to vector<16xi32>
      %parallel_loop3A_199 = arith.andi %parallel_loop3A_196, %parallel_loop3A_198 : vector<16xi32>
      %parallel_loop3A_200 = arith.constant 32767 : i32
      %parallel_loop3A_201 = vector.broadcast %parallel_loop3A_200 : i32 to vector<16xi32>
      %parallel_loop3A_202 = arith.addi %parallel_loop3A_193, %parallel_loop3A_201 : vector<16xi32>
      %parallel_loop3A_203 = arith.addi %parallel_loop3A_202, %parallel_loop3A_199 : vector<16xi32>
      %parallel_loop3A_204 = arith.constant -65536 : i32
      %parallel_loop3A_205 = vector.broadcast %parallel_loop3A_204 : i32 to vector<16xi32>
      %parallel_loop3A_206 = arith.andi %parallel_loop3A_203, %parallel_loop3A_205 : vector<16xi32>
      %parallel_loop3A_207 = vector.bitcast %parallel_loop3A_206 : vector<16xi32> to vector<16xf32>
      %parallel_loop3A_208 = arith.index_cast %parallel_loop3A_145 : i32 to index
      %parallel_loop3A_209 = tpu.vector_load %arg11[%parallel_loop3A_208] {strides = array<i32>} : memref<16384xf32, #tpu.memory_space<vmem>>, vector<16xf32>,
      tpu.vector_store %arg11[%parallel_loop3A_208], %parallel_loop3A_207 {strides = array<i32>} : memref<16384xf32, #tpu.memory_space<vmem>>, vector<16xf32>,
    } {sc.loop_unroll_factor = 2 : i64, sc.parallel_access}
    "tpu.trace_start"() <{level = 10 : i32, message = "bq"}> : () -> ()
    %scan3A = arith.constant 0 : i32
    %scan3A_49 = arith.constant 0 : i32
    %scan3A_50 = arith.constant 64 : i32
    %scan3A_51 = arith.addi %scan3A_49, %scan3A_50 : i32
    %scan3A_52 = arith.constant 1 : i32
    %scan3A_53 = scf.for %scan3A_145 = %scan3A_49 to %scan3A_51 step %scan3A_52 iter_args(%scan3A_146 = %scan3A) -> (i32)  : i32 {
      %mul3A_147 = arith.constant 2 : i32
      %mul3A_148 = arith.muli %mul3A_147, %scan3A_145 : i32
      %add3A_149 = arith.constant 1 : i32
      %add3A_150 = arith.addi %mul3A_148, %add3A_149 : i32
      %broadcast_in_dim3A_151 = vector.broadcast %mul3A_148 : i32 to vector<16xi32>
      %gather3A = tpu.vector_load_idx %arg13[%broadcast_in_dim3A_151] : memref<384xf32, #tpu.memory_space<vmem>>[vector<16xi32>], vector<16xf32>,
      %add3A_152 = arith.constant 128 : i32
      %add3A_153 = arith.addi %add3A_152, %mul3A_148 : i32
      %broadcast_in_dim3A_154 = vector.broadcast %add3A_153 : i32 to vector<16xi32>
      %gather3A_155 = tpu.vector_load_idx %arg13[%broadcast_in_dim3A_154] : memref<384xf32, #tpu.memory_space<vmem>>[vector<16xi32>], vector<16xf32>,
      %add3A_156 = arith.constant 256 : i32
      %add3A_157 = arith.addi %add3A_156, %mul3A_148 : i32
      %broadcast_in_dim3A_158 = vector.broadcast %add3A_157 : i32 to vector<16xi32>
      %gather3A_159 = tpu.vector_load_idx %arg13[%broadcast_in_dim3A_158] : memref<384xf32, #tpu.memory_space<vmem>>[vector<16xi32>], vector<16xf32>,
      %mul3A_160 = arith.mulf %gather3A, %gather3A : vector<16xf32>
      %mul3A_161 = arith.mulf %gather3A_155, %gather3A_155 : vector<16xf32>
      %add3A_162 = arith.addf %mul3A_160, %mul3A_161 : vector<16xf32>
      %mul3A_163 = arith.mulf %gather3A_159, %gather3A_159 : vector<16xf32>
      %add3A_164 = arith.addf %add3A_162, %mul3A_163 : vector<16xf32>
      %bitcast3A = vector.bitcast %gather3A : vector<16xf32> to vector<16xi32>
      %shift_right_logical3A = arith.constant 16 : i32
      %shift_right_logical3A_165 = vector.broadcast %shift_right_logical3A : i32 to vector<16xi32>
      %shift_right_logical3A_166 = arith.shrui %bitcast3A, %shift_right_logical3A_165 : vector<16xi32>
      %and3A_167 = arith.constant 1 : i32
      %and3A_168 = vector.broadcast %and3A_167 : i32 to vector<16xi32>
      %and3A_169 = arith.andi %shift_right_logical3A_166, %and3A_168 : vector<16xi32>
      %add3A_170 = arith.constant 32767 : i32
      %add3A_171 = vector.broadcast %add3A_170 : i32 to vector<16xi32>
      %add3A_172 = arith.addi %bitcast3A, %add3A_171 : vector<16xi32>
      %add3A_173 = arith.addi %add3A_172, %and3A_169 : vector<16xi32>
      %and3A_174 = arith.constant -65536 : i32
      %and3A_175 = vector.broadcast %and3A_174 : i32 to vector<16xi32>
      %and3A_176 = arith.andi %add3A_173, %and3A_175 : vector<16xi32>
      %bitcast3A_177 = vector.bitcast %and3A_176 : vector<16xi32> to vector<16xf32>
      %bitcast3A_178 = vector.bitcast %gather3A_155 : vector<16xf32> to vector<16xi32>
      %shift_right_logical3A_179 = arith.constant 16 : i32
      %shift_right_logical3A_180 = vector.broadcast %shift_right_logical3A_179 : i32 to vector<16xi32>
      %shift_right_logical3A_181 = arith.shrui %bitcast3A_178, %shift_right_logical3A_180 : vector<16xi32>
      %and3A_182 = arith.constant 1 : i32
      %and3A_183 = vector.broadcast %and3A_182 : i32 to vector<16xi32>
      %and3A_184 = arith.andi %shift_right_logical3A_181, %and3A_183 : vector<16xi32>
      %add3A_185 = arith.constant 32767 : i32
      %add3A_186 = vector.broadcast %add3A_185 : i32 to vector<16xi32>
      %add3A_187 = arith.addi %bitcast3A_178, %add3A_186 : vector<16xi32>
      %add3A_188 = arith.addi %add3A_187, %and3A_184 : vector<16xi32>
      %and3A_189 = arith.constant -65536 : i32
      %and3A_190 = vector.broadcast %and3A_189 : i32 to vector<16xi32>
      %and3A_191 = arith.andi %add3A_188, %and3A_190 : vector<16xi32>
      %bitcast3A_192 = vector.bitcast %and3A_191 : vector<16xi32> to vector<16xf32>
      %bitcast3A_193 = vector.bitcast %gather3A_159 : vector<16xf32> to vector<16xi32>
      %shift_right_logical3A_194 = arith.constant 16 : i32
      %shift_right_logical3A_195 = vector.broadcast %shift_right_logical3A_194 : i32 to vector<16xi32>
      %shift_right_logical3A_196 = arith.shrui %bitcast3A_193, %shift_right_logical3A_195 : vector<16xi32>
      %and3A_197 = arith.constant 1 : i32
      %and3A_198 = vector.broadcast %and3A_197 : i32 to vector<16xi32>
      %and3A_199 = arith.andi %shift_right_logical3A_196, %and3A_198 : vector<16xi32>
      %add3A_200 = arith.constant 32767 : i32
      %add3A_201 = vector.broadcast %add3A_200 : i32 to vector<16xi32>
      %add3A_202 = arith.addi %bitcast3A_193, %add3A_201 : vector<16xi32>
      %add3A_203 = arith.addi %add3A_202, %and3A_199 : vector<16xi32>
      %and3A_204 = arith.constant -65536 : i32
      %and3A_205 = vector.broadcast %and3A_204 : i32 to vector<16xi32>
      %and3A_206 = arith.andi %add3A_203, %and3A_205 : vector<16xi32>
      %bitcast3A_207 = vector.bitcast %and3A_206 : vector<16xi32> to vector<16xf32>
      %broadcast_in_dim3A_208 = vector.broadcast %add3A_150 : i32 to vector<16xi32>
      %gather3A_209 = tpu.vector_load_idx %arg13[%broadcast_in_dim3A_208] : memref<384xf32, #tpu.memory_space<vmem>>[vector<16xi32>], vector<16xf32>,
      %add3A_210 = arith.constant 128 : i32
      %add3A_211 = arith.addi %add3A_210, %add3A_150 : i32
      %broadcast_in_dim3A_212 = vector.broadcast %add3A_211 : i32 to vector<16xi32>
      %gather3A_213 = tpu.vector_load_idx %arg13[%broadcast_in_dim3A_212] : memref<384xf32, #tpu.memory_space<vmem>>[vector<16xi32>], vector<16xf32>,
      %add3A_214 = arith.constant 256 : i32
      %add3A_215 = arith.addi %add3A_214, %add3A_150 : i32
      %broadcast_in_dim3A_216 = vector.broadcast %add3A_215 : i32 to vector<16xi32>
      %gather3A_217 = tpu.vector_load_idx %arg13[%broadcast_in_dim3A_216] : memref<384xf32, #tpu.memory_space<vmem>>[vector<16xi32>], vector<16xf32>,
      %mul3A_218 = arith.mulf %gather3A_209, %gather3A_209 : vector<16xf32>
      %mul3A_219 = arith.mulf %gather3A_213, %gather3A_213 : vector<16xf32>
      %add3A_220 = arith.addf %mul3A_218, %mul3A_219 : vector<16xf32>
      %mul3A_221 = arith.mulf %gather3A_217, %gather3A_217 : vector<16xf32>
      %add3A_222 = arith.addf %add3A_220, %mul3A_221 : vector<16xf32>
      %bitcast3A_223 = vector.bitcast %gather3A_209 : vector<16xf32> to vector<16xi32>
      %shift_right_logical3A_224 = arith.constant 16 : i32
      %shift_right_logical3A_225 = vector.broadcast %shift_right_logical3A_224 : i32 to vector<16xi32>
      %shift_right_logical3A_226 = arith.shrui %bitcast3A_223, %shift_right_logical3A_225 : vector<16xi32>
      %and3A_227 = arith.constant 1 : i32
      %and3A_228 = vector.broadcast %and3A_227 : i32 to vector<16xi32>
      %and3A_229 = arith.andi %shift_right_logical3A_226, %and3A_228 : vector<16xi32>
      %add3A_230 = arith.constant 32767 : i32
      %add3A_231 = vector.broadcast %add3A_230 : i32 to vector<16xi32>
      %add3A_232 = arith.addi %bitcast3A_223, %add3A_231 : vector<16xi32>
      %add3A_233 = arith.addi %add3A_232, %and3A_229 : vector<16xi32>
      %and3A_234 = arith.constant -65536 : i32
      %and3A_235 = vector.broadcast %and3A_234 : i32 to vector<16xi32>
      %and3A_236 = arith.andi %add3A_233, %and3A_235 : vector<16xi32>
      %bitcast3A_237 = vector.bitcast %and3A_236 : vector<16xi32> to vector<16xf32>
      %bitcast3A_238 = vector.bitcast %gather3A_213 : vector<16xf32> to vector<16xi32>
      %shift_right_logical3A_239 = arith.constant 16 : i32
      %shift_right_logical3A_240 = vector.broadcast %shift_right_logical3A_239 : i32 to vector<16xi32>
      %shift_right_logical3A_241 = arith.shrui %bitcast3A_238, %shift_right_logical3A_240 : vector<16xi32>
      %and3A_242 = arith.constant 1 : i32
      %and3A_243 = vector.broadcast %and3A_242 : i32 to vector<16xi32>
      %and3A_244 = arith.andi %shift_right_logical3A_241, %and3A_243 : vector<16xi32>
      %add3A_245 = arith.constant 32767 : i32
      %add3A_246 = vector.broadcast %add3A_245 : i32 to vector<16xi32>
      %add3A_247 = arith.addi %bitcast3A_238, %add3A_246 : vector<16xi32>
      %add3A_248 = arith.addi %add3A_247, %and3A_244 : vector<16xi32>
      %and3A_249 = arith.constant -65536 : i32
      %and3A_250 = vector.broadcast %and3A_249 : i32 to vector<16xi32>
      %and3A_251 = arith.andi %add3A_248, %and3A_250 : vector<16xi32>
      %bitcast3A_252 = vector.bitcast %and3A_251 : vector<16xi32> to vector<16xf32>
      %bitcast3A_253 = vector.bitcast %gather3A_217 : vector<16xf32> to vector<16xi32>
      %shift_right_logical3A_254 = arith.constant 16 : i32
      %shift_right_logical3A_255 = vector.broadcast %shift_right_logical3A_254 : i32 to vector<16xi32>
      %shift_right_logical3A_256 = arith.shrui %bitcast3A_253, %shift_right_logical3A_255 : vector<16xi32>
      %and3A_257 = arith.constant 1 : i32
      %and3A_258 = vector.broadcast %and3A_257 : i32 to vector<16xi32>
      %and3A_259 = arith.andi %shift_right_logical3A_256, %and3A_258 : vector<16xi32>
      %add3A_260 = arith.constant 32767 : i32
      %add3A_261 = vector.broadcast %add3A_260 : i32 to vector<16xi32>
      %add3A_262 = arith.addi %bitcast3A_253, %add3A_261 : vector<16xi32>
      %add3A_263 = arith.addi %add3A_262, %and3A_259 : vector<16xi32>
      %and3A_264 = arith.constant -65536 : i32
      %and3A_265 = vector.broadcast %and3A_264 : i32 to vector<16xi32>
      %and3A_266 = arith.andi %add3A_263, %and3A_265 : vector<16xi32>
      %bitcast3A_267 = vector.bitcast %and3A_266 : vector<16xi32> to vector<16xf32>
      %while3A = arith.constant 0 : i32
      %while3A_268 = arith.constant 0 : i32
      %while3A_269 = arith.constant 0 : i32
      %while3A_270:3 = scf.while (%while3A_386 = %while3A, %while3A_387 = %while3A_268, %while3A_388 = %while3A_269) : (i32, i32, i32) -> (i32, i32, i32) {
        %lt3A_389 = arith.constant 64 : i32
        %lt3A_390 = arith.cmpi slt, %while3A_387, %lt3A_389 : i32
        %lt3A_391 = arith.constant 64 : i32
        %lt3A_392 = arith.cmpi slt, %while3A_388, %lt3A_391 : i32
        %or3A = arith.ori %lt3A_390, %lt3A_392 : i1
        %lt3A_393 = arith.constant 256 : i32
        %lt3A_394 = arith.cmpi slt, %while3A_386, %lt3A_393 : i32
        %and3A_395 = arith.andi %or3A, %lt3A_394 : i1
        scf.condition(%and3A_395) %while3A_386, %while3A_387, %while3A_388 : i32, i32, i32
      } do {
      ^bb0(%while3A_386: i32, %while3A_387: i32, %while3A_388: i32):
        %mul3A_389 = arith.constant 64 : i32
        %mul3A_390 = arith.muli %while3A_386, %mul3A_389 : i32
        %add3A_391 = arith.constant 0 : i32
        %add3A_392 = arith.addi %mul3A_390, %add3A_391 : i32
        %get3A_393 = arith.index_cast %add3A_392 : i32 to index
        %get3A_394 = tpu.vector_load %arg9[%get3A_393] {strides = array<i32>} : memref<16384xf32, #tpu.memory_space<vmem>>, vector<16xf32>,
        %get3A_395 = arith.index_cast %add3A_392 : i32 to index
        %get3A_396 = tpu.vector_load %arg10[%get3A_395] {strides = array<i32>} : memref<16384xf32, #tpu.memory_space<vmem>>, vector<16xf32>,
        %get3A_397 = arith.index_cast %add3A_392 : i32 to index
        %get3A_398 = tpu.vector_load %arg11[%get3A_397] {strides = array<i32>} : memref<16384xf32, #tpu.memory_space<vmem>>, vector<16xf32>,
        %get3A_399 = arith.index_cast %add3A_392 : i32 to index
        %get3A_400 = tpu.vector_load %arg12[%get3A_399] {strides = array<i32>} : memref<16384xf32, #tpu.memory_space<vmem>>, vector<16xf32>,
        %mul3A_401 = arith.mulf %bitcast3A_177, %get3A_394 : vector<16xf32>
        %mul3A_402 = arith.mulf %bitcast3A_192, %get3A_396 : vector<16xf32>
        %add3A_403 = arith.addf %mul3A_401, %mul3A_402 : vector<16xf32>
        %mul3A_404 = arith.mulf %bitcast3A_207, %get3A_398 : vector<16xf32>
        %add3A_405 = arith.addf %add3A_403, %mul3A_404 : vector<16xf32>
        %add3A_406 = arith.addf %add3A_164, %get3A_400 : vector<16xf32>
        %mul3A_407 = arith.constant 2.000000e+00 : f32
        %mul3A_408 = vector.broadcast %mul3A_407 : f32 to vector<16xf32>
        %mul3A_409 = arith.mulf %mul3A_408, %add3A_405 : vector<16xf32>
        %sub3A_410 = arith.subf %add3A_406, %mul3A_409 : vector<16xf32>
        %lt3A_411 = vector.broadcast %squeeze3A : f32 to vector<16xf32>
        %lt3A_412 = arith.cmpf olt, %sub3A_410, %lt3A_411 : vector<16xf32>
        %mul3A_413 = arith.mulf %bitcast3A_237, %get3A_394 : vector<16xf32>
        %mul3A_414 = arith.mulf %bitcast3A_252, %get3A_396 : vector<16xf32>
        %add3A_415 = arith.addf %mul3A_413, %mul3A_414 : vector<16xf32>
        %mul3A_416 = arith.mulf %bitcast3A_267, %get3A_398 : vector<16xf32>
        %add3A_417 = arith.addf %add3A_415, %mul3A_416 : vector<16xf32>
        %add3A_418 = arith.addf %add3A_222, %get3A_400 : vector<16xf32>
        %mul3A_419 = arith.constant 2.000000e+00 : f32
        %mul3A_420 = vector.broadcast %mul3A_419 : f32 to vector<16xf32>
        %mul3A_421 = arith.mulf %mul3A_420, %add3A_417 : vector<16xf32>
        %sub3A_422 = arith.subf %add3A_418, %mul3A_421 : vector<16xf32>
        %lt3A_423 = vector.broadcast %squeeze3A : f32 to vector<16xf32>
        %lt3A_424 = arith.cmpf olt, %sub3A_422, %lt3A_423 : vector<16xf32>
        %convert_element_type3A_425 = arith.extui %lt3A_412 : vector<16xi1> to vector<16xi32>
        %reduce_sum3A = arith.constant true
        %reduce_sum3A_426 = vector.broadcast %reduce_sum3A : i1 to vector<16xi1>
        %reduce_sum3A_427 = tpu.scan <sum>, %convert_element_type3A_425 masked %reduce_sum3A_426 : vector<16xi32>, vector<16xi1> -> vector<16xi32>
        %reduce_sum3A_428 = vector.extract %reduce_sum3A_427[15] : i32 from vector<16xi32>
        %convert_element_type3A_429 = arith.extui %lt3A_424 : vector<16xi1> to vector<16xi32>
        %reduce_sum3A_430 = arith.constant true
        %reduce_sum3A_431 = vector.broadcast %reduce_sum3A_430 : i1 to vector<16xi1>
        %reduce_sum3A_432 = tpu.scan <sum>, %convert_element_type3A_429 masked %reduce_sum3A_431 : vector<16xi32>, vector<16xi1> -> vector<16xi32>
        %reduce_sum3A_433 = vector.extract %reduce_sum3A_432[15] : i32 from vector<16xi32>
        %add3A_434 = arith.constant 16 : i32
        %add3A_435 = arith.addi %mul3A_390, %add3A_434 : i32
        %get3A_436 = arith.index_cast %add3A_435 : i32 to index
        %get3A_437 = tpu.vector_load %arg9[%get3A_436] {strides = array<i32>} : memref<16384xf32, #tpu.memory_space<vmem>>, vector<16xf32>,
        %get3A_438 = arith.index_cast %add3A_435 : i32 to index
        %get3A_439 = tpu.vector_load %arg10[%get3A_438] {strides = array<i32>} : memref<16384xf32, #tpu.memory_space<vmem>>, vector<16xf32>,
        %get3A_440 = arith.index_cast %add3A_435 : i32 to index
        %get3A_441 = tpu.vector_load %arg11[%get3A_440] {strides = array<i32>} : memref<16384xf32, #tpu.memory_space<vmem>>, vector<16xf32>,
        %get3A_442 = arith.index_cast %add3A_435 : i32 to index
        %get3A_443 = tpu.vector_load %arg12[%get3A_442] {strides = array<i32>} : memref<16384xf32, #tpu.memory_space<vmem>>, vector<16xf32>,
        %mul3A_444 = arith.mulf %bitcast3A_177, %get3A_437 : vector<16xf32>
        %mul3A_445 = arith.mulf %bitcast3A_192, %get3A_439 : vector<16xf32>
        %add3A_446 = arith.addf %mul3A_444, %mul3A_445 : vector<16xf32>
        %mul3A_447 = arith.mulf %bitcast3A_207, %get3A_441 : vector<16xf32>
        %add3A_448 = arith.addf %add3A_446, %mul3A_447 : vector<16xf32>
        %add3A_449 = arith.addf %add3A_164, %get3A_443 : vector<16xf32>
        %mul3A_450 = arith.constant 2.000000e+00 : f32
        %mul3A_451 = vector.broadcast %mul3A_450 : f32 to vector<16xf32>
        %mul3A_452 = arith.mulf %mul3A_451, %add3A_448 : vector<16xf32>
        %sub3A_453 = arith.subf %add3A_449, %mul3A_452 : vector<16xf32>
        %lt3A_454 = vector.broadcast %squeeze3A : f32 to vector<16xf32>
        %lt3A_455 = arith.cmpf olt, %sub3A_453, %lt3A_454 : vector<16xf32>
        %mul3A_456 = arith.mulf %bitcast3A_237, %get3A_437 : vector<16xf32>
        %mul3A_457 = arith.mulf %bitcast3A_252, %get3A_439 : vector<16xf32>
        %add3A_458 = arith.addf %mul3A_456, %mul3A_457 : vector<16xf32>
        %mul3A_459 = arith.mulf %bitcast3A_267, %get3A_441 : vector<16xf32>
        %add3A_460 = arith.addf %add3A_458, %mul3A_459 : vector<16xf32>
        %add3A_461 = arith.addf %add3A_222, %get3A_443 : vector<16xf32>
        %mul3A_462 = arith.constant 2.000000e+00 : f32
        %mul3A_463 = vector.broadcast %mul3A_462 : f32 to vector<16xf32>
        %mul3A_464 = arith.mulf %mul3A_463, %add3A_460 : vector<16xf32>
        %sub3A_465 = arith.subf %add3A_461, %mul3A_464 : vector<16xf32>
        %lt3A_466 = vector.broadcast %squeeze3A : f32 to vector<16xf32>
        %lt3A_467 = arith.cmpf olt, %sub3A_465, %lt3A_466 : vector<16xf32>
        %convert_element_type3A_468 = arith.extui %lt3A_455 : vector<16xi1> to vector<16xi32>
        %reduce_sum3A_469 = arith.constant true
        %reduce_sum3A_470 = vector.broadcast %reduce_sum3A_469 : i1 to vector<16xi1>
        %reduce_sum3A_471 = tpu.scan <sum>, %convert_element_type3A_468 masked %reduce_sum3A_470 : vector<16xi32>, vector<16xi1> -> vector<16xi32>
        %reduce_sum3A_472 = vector.extract %reduce_sum3A_471[15] : i32 from vector<16xi32>
        %convert_element_type3A_473 = arith.extui %lt3A_467 : vector<16xi1> to vector<16xi32>
        %reduce_sum3A_474 = arith.constant true
        %reduce_sum3A_475 = vector.broadcast %reduce_sum3A_474 : i1 to vector<16xi1>
        %reduce_sum3A_476 = tpu.scan <sum>, %convert_element_type3A_473 masked %reduce_sum3A_475 : vector<16xi32>, vector<16xi1> -> vector<16xi32>
        %reduce_sum3A_477 = vector.extract %reduce_sum3A_476[15] : i32 from vector<16xi32>
        %add3A_478 = arith.constant 32 : i32
        %add3A_479 = arith.addi %mul3A_390, %add3A_478 : i32
        %get3A_480 = arith.index_cast %add3A_479 : i32 to index
        %get3A_481 = tpu.vector_load %arg9[%get3A_480] {strides = array<i32>} : memref<16384xf32, #tpu.memory_space<vmem>>, vector<16xf32>,
        %get3A_482 = arith.index_cast %add3A_479 : i32 to index
        %get3A_483 = tpu.vector_load %arg10[%get3A_482] {strides = array<i32>} : memref<16384xf32, #tpu.memory_space<vmem>>, vector<16xf32>,
        %get3A_484 = arith.index_cast %add3A_479 : i32 to index
        %get3A_485 = tpu.vector_load %arg11[%get3A_484] {strides = array<i32>} : memref<16384xf32, #tpu.memory_space<vmem>>, vector<16xf32>,
        %get3A_486 = arith.index_cast %add3A_479 : i32 to index
        %get3A_487 = tpu.vector_load %arg12[%get3A_486] {strides = array<i32>} : memref<16384xf32, #tpu.memory_space<vmem>>, vector<16xf32>,
        %mul3A_488 = arith.mulf %bitcast3A_177, %get3A_481 : vector<16xf32>
        %mul3A_489 = arith.mulf %bitcast3A_192, %get3A_483 : vector<16xf32>
        %add3A_490 = arith.addf %mul3A_488, %mul3A_489 : vector<16xf32>
        %mul3A_491 = arith.mulf %bitcast3A_207, %get3A_485 : vector<16xf32>
        %add3A_492 = arith.addf %add3A_490, %mul3A_491 : vector<16xf32>
        %add3A_493 = arith.addf %add3A_164, %get3A_487 : vector<16xf32>
        %mul3A_494 = arith.constant 2.000000e+00 : f32
        %mul3A_495 = vector.broadcast %mul3A_494 : f32 to vector<16xf32>
        %mul3A_496 = arith.mulf %mul3A_495, %add3A_492 : vector<16xf32>
        %sub3A_497 = arith.subf %add3A_493, %mul3A_496 : vector<16xf32>
        %lt3A_498 = vector.broadcast %squeeze3A : f32 to vector<16xf32>
        %lt3A_499 = arith.cmpf olt, %sub3A_497, %lt3A_498 : vector<16xf32>
        %mul3A_500 = arith.mulf %bitcast3A_237, %get3A_481 : vector<16xf32>
        %mul3A_501 = arith.mulf %bitcast3A_252, %get3A_483 : vector<16xf32>
        %add3A_502 = arith.addf %mul3A_500, %mul3A_501 : vector<16xf32>
        %mul3A_503 = arith.mulf %bitcast3A_267, %get3A_485 : vector<16xf32>
        %add3A_504 = arith.addf %add3A_502, %mul3A_503 : vector<16xf32>
        %add3A_505 = arith.addf %add3A_222, %get3A_487 : vector<16xf32>
        %mul3A_506 = arith.constant 2.000000e+00 : f32
        %mul3A_507 = vector.broadcast %mul3A_506 : f32 to vector<16xf32>
        %mul3A_508 = arith.mulf %mul3A_507, %add3A_504 : vector<16xf32>
        %sub3A_509 = arith.subf %add3A_505, %mul3A_508 : vector<16xf32>
        %lt3A_510 = vector.broadcast %squeeze3A : f32 to vector<16xf32>
        %lt3A_511 = arith.cmpf olt, %sub3A_509, %lt3A_510 : vector<16xf32>
        %convert_element_type3A_512 = arith.extui %lt3A_499 : vector<16xi1> to vector<16xi32>
        %reduce_sum3A_513 = arith.constant true
        %reduce_sum3A_514 = vector.broadcast %reduce_sum3A_513 : i1 to vector<16xi1>
        %reduce_sum3A_515 = tpu.scan <sum>, %convert_element_type3A_512 masked %reduce_sum3A_514 : vector<16xi32>, vector<16xi1> -> vector<16xi32>
        %reduce_sum3A_516 = vector.extract %reduce_sum3A_515[15] : i32 from vector<16xi32>
        %convert_element_type3A_517 = arith.extui %lt3A_511 : vector<16xi1> to vector<16xi32>
        %reduce_sum3A_518 = arith.constant true
        %reduce_sum3A_519 = vector.broadcast %reduce_sum3A_518 : i1 to vector<16xi1>
        %reduce_sum3A_520 = tpu.scan <sum>, %convert_element_type3A_517 masked %reduce_sum3A_519 : vector<16xi32>, vector<16xi1> -> vector<16xi32>
        %reduce_sum3A_521 = vector.extract %reduce_sum3A_520[15] : i32 from vector<16xi32>
        %add3A_522 = arith.constant 48 : i32
        %add3A_523 = arith.addi %mul3A_390, %add3A_522 : i32
        %get3A_524 = arith.index_cast %add3A_523 : i32 to index
        %get3A_525 = tpu.vector_load %arg9[%get3A_524] {strides = array<i32>} : memref<16384xf32, #tpu.memory_space<vmem>>, vector<16xf32>,
        %get3A_526 = arith.index_cast %add3A_523 : i32 to index
        %get3A_527 = tpu.vector_load %arg10[%get3A_526] {strides = array<i32>} : memref<16384xf32, #tpu.memory_space<vmem>>, vector<16xf32>,
        %get3A_528 = arith.index_cast %add3A_523 : i32 to index
        %get3A_529 = tpu.vector_load %arg11[%get3A_528] {strides = array<i32>} : memref<16384xf32, #tpu.memory_space<vmem>>, vector<16xf32>,
        %get3A_530 = arith.index_cast %add3A_523 : i32 to index
        %get3A_531 = tpu.vector_load %arg12[%get3A_530] {strides = array<i32>} : memref<16384xf32, #tpu.memory_space<vmem>>, vector<16xf32>,
        %mul3A_532 = arith.mulf %bitcast3A_177, %get3A_525 : vector<16xf32>
        %mul3A_533 = arith.mulf %bitcast3A_192, %get3A_527 : vector<16xf32>
        %add3A_534 = arith.addf %mul3A_532, %mul3A_533 : vector<16xf32>
        %mul3A_535 = arith.mulf %bitcast3A_207, %get3A_529 : vector<16xf32>
        %add3A_536 = arith.addf %add3A_534, %mul3A_535 : vector<16xf32>
        %add3A_537 = arith.addf %add3A_164, %get3A_531 : vector<16xf32>
        %mul3A_538 = arith.constant 2.000000e+00 : f32
        %mul3A_539 = vector.broadcast %mul3A_538 : f32 to vector<16xf32>
        %mul3A_540 = arith.mulf %mul3A_539, %add3A_536 : vector<16xf32>
        %sub3A_541 = arith.subf %add3A_537, %mul3A_540 : vector<16xf32>
        %lt3A_542 = vector.broadcast %squeeze3A : f32 to vector<16xf32>
        %lt3A_543 = arith.cmpf olt, %sub3A_541, %lt3A_542 : vector<16xf32>
        %mul3A_544 = arith.mulf %bitcast3A_237, %get3A_525 : vector<16xf32>
        %mul3A_545 = arith.mulf %bitcast3A_252, %get3A_527 : vector<16xf32>
        %add3A_546 = arith.addf %mul3A_544, %mul3A_545 : vector<16xf32>
        %mul3A_547 = arith.mulf %bitcast3A_267, %get3A_529 : vector<16xf32>
        %add3A_548 = arith.addf %add3A_546, %mul3A_547 : vector<16xf32>
        %add3A_549 = arith.addf %add3A_222, %get3A_531 : vector<16xf32>
        %mul3A_550 = arith.constant 2.000000e+00 : f32
        %mul3A_551 = vector.broadcast %mul3A_550 : f32 to vector<16xf32>
        %mul3A_552 = arith.mulf %mul3A_551, %add3A_548 : vector<16xf32>
        %sub3A_553 = arith.subf %add3A_549, %mul3A_552 : vector<16xf32>
        %lt3A_554 = vector.broadcast %squeeze3A : f32 to vector<16xf32>
        %lt3A_555 = arith.cmpf olt, %sub3A_553, %lt3A_554 : vector<16xf32>
        %convert_element_type3A_556 = arith.extui %lt3A_543 : vector<16xi1> to vector<16xi32>
        %reduce_sum3A_557 = arith.constant true
        %reduce_sum3A_558 = vector.broadcast %reduce_sum3A_557 : i1 to vector<16xi1>
        %reduce_sum3A_559 = tpu.scan <sum>, %convert_element_type3A_556 masked %reduce_sum3A_558 : vector<16xi32>, vector<16xi1> -> vector<16xi32>
        %reduce_sum3A_560 = vector.extract %reduce_sum3A_559[15] : i32 from vector<16xi32>
        %convert_element_type3A_561 = arith.extui %lt3A_555 : vector<16xi1> to vector<16xi32>
        %reduce_sum3A_562 = arith.constant true
        %reduce_sum3A_563 = vector.broadcast %reduce_sum3A_562 : i1 to vector<16xi1>
        %reduce_sum3A_564 = tpu.scan <sum>, %convert_element_type3A_561 masked %reduce_sum3A_563 : vector<16xi32>, vector<16xi1> -> vector<16xi32>
        %reduce_sum3A_565 = vector.extract %reduce_sum3A_564[15] : i32 from vector<16xi32>
        %min3A_566 = arith.constant 64 : i32
        %min3A_567 = arith.minsi %while3A_387, %min3A_566 : i32
        %min3A_568 = arith.constant 64 : i32
        %min3A_569 = arith.minsi %while3A_388, %min3A_568 : i32
        %add3A_570 = arith.constant 0 : i32
        %add3A_571 = arith.addi %mul3A_390, %add3A_570 : i32
        %add3A_572 = vector.broadcast %add3A_571 : i32 to vector<16xi32>
        %add3A_573 = arith.addi %iota3A, %add3A_572 : vector<16xi32>
        %swap3A = arith.index_cast %min3A_567 : i32 to index
        %swap3A_574 = tpu.vector_load %arg14[%swap3A] masked %lt3A_412 {strides = array<i32>} : memref<192xi32, #tpu.memory_space<vmem>>, vector<16xi32>, vector<16xi1>
        tpu.vector_store %arg14[%swap3A], %add3A_573 masked %lt3A_412 {strides = array<i32>} : memref<192xi32, #tpu.memory_space<vmem>>, vector<16xi32>, vector<16xi1>
        %add3A_575 = vector.broadcast %add3A_571 : i32 to vector<16xi32>
        %add3A_576 = arith.addi %iota3A, %add3A_575 : vector<16xi32>
        %swap3A_577 = arith.index_cast %min3A_569 : i32 to index
        %swap3A_578 = tpu.vector_load %arg15[%swap3A_577] masked %lt3A_424 {strides = array<i32>} : memref<192xi32, #tpu.memory_space<vmem>>, vector<16xi32>, vector<16xi1>
        tpu.vector_store %arg15[%swap3A_577], %add3A_576 masked %lt3A_424 {strides = array<i32>} : memref<192xi32, #tpu.memory_space<vmem>>, vector<16xi32>, vector<16xi1>
        %add3A_579 = arith.addi %min3A_567, %reduce_sum3A_428 : i32
        %add3A_580 = arith.addi %min3A_569, %reduce_sum3A_433 : i32
        %add3A_581 = arith.constant 16 : i32
        %add3A_582 = arith.addi %mul3A_390, %add3A_581 : i32
        %add3A_583 = vector.broadcast %add3A_582 : i32 to vector<16xi32>
        %add3A_584 = arith.addi %iota3A, %add3A_583 : vector<16xi32>
        %swap3A_585 = arith.index_cast %add3A_579 : i32 to index
        %swap3A_586 = tpu.vector_load %arg14[%swap3A_585] masked %lt3A_455 {strides = array<i32>} : memref<192xi32, #tpu.memory_space<vmem>>, vector<16xi32>, vector<16xi1>
        tpu.vector_store %arg14[%swap3A_585], %add3A_584 masked %lt3A_455 {strides = array<i32>} : memref<192xi32, #tpu.memory_space<vmem>>, vector<16xi32>, vector<16xi1>
        %add3A_587 = vector.broadcast %add3A_582 : i32 to vector<16xi32>
        %add3A_588 = arith.addi %iota3A, %add3A_587 : vector<16xi32>
        %swap3A_589 = arith.index_cast %add3A_580 : i32 to index
        %swap3A_590 = tpu.vector_load %arg15[%swap3A_589] masked %lt3A_467 {strides = array<i32>} : memref<192xi32, #tpu.memory_space<vmem>>, vector<16xi32>, vector<16xi1>
        tpu.vector_store %arg15[%swap3A_589], %add3A_588 masked %lt3A_467 {strides = array<i32>} : memref<192xi32, #tpu.memory_space<vmem>>, vector<16xi32>, vector<16xi1>
        %add3A_591 = arith.addi %add3A_579, %reduce_sum3A_472 : i32
        %add3A_592 = arith.addi %add3A_580, %reduce_sum3A_477 : i32
        %add3A_593 = arith.constant 32 : i32
        %add3A_594 = arith.addi %mul3A_390, %add3A_593 : i32
        %add3A_595 = vector.broadcast %add3A_594 : i32 to vector<16xi32>
        %add3A_596 = arith.addi %iota3A, %add3A_595 : vector<16xi32>
        %swap3A_597 = arith.index_cast %add3A_591 : i32 to index
        %swap3A_598 = tpu.vector_load %arg14[%swap3A_597] masked %lt3A_499 {strides = array<i32>} : memref<192xi32, #tpu.memory_space<vmem>>, vector<16xi32>, vector<16xi1>
        tpu.vector_store %arg14[%swap3A_597], %add3A_596 masked %lt3A_499 {strides = array<i32>} : memref<192xi32, #tpu.memory_space<vmem>>, vector<16xi32>, vector<16xi1>
        %add3A_599 = vector.broadcast %add3A_594 : i32 to vector<16xi32>
        %add3A_600 = arith.addi %iota3A, %add3A_599 : vector<16xi32>
        %swap3A_601 = arith.index_cast %add3A_592 : i32 to index
        %swap3A_602 = tpu.vector_load %arg15[%swap3A_601] masked %lt3A_511 {strides = array<i32>} : memref<192xi32, #tpu.memory_space<vmem>>, vector<16xi32>, vector<16xi1>
        tpu.vector_store %arg15[%swap3A_601], %add3A_600 masked %lt3A_511 {strides = array<i32>} : memref<192xi32, #tpu.memory_space<vmem>>, vector<16xi32>, vector<16xi1>
        %add3A_603 = arith.addi %add3A_591, %reduce_sum3A_516 : i32
        %add3A_604 = arith.addi %add3A_592, %reduce_sum3A_521 : i32
        %add3A_605 = arith.constant 48 : i32
        %add3A_606 = arith.addi %mul3A_390, %add3A_605 : i32
        %add3A_607 = vector.broadcast %add3A_606 : i32 to vector<16xi32>
        %add3A_608 = arith.addi %iota3A, %add3A_607 : vector<16xi32>
        %swap3A_609 = arith.index_cast %add3A_603 : i32 to index
        %swap3A_610 = tpu.vector_load %arg14[%swap3A_609] masked %lt3A_543 {strides = array<i32>} : memref<192xi32, #tpu.memory_space<vmem>>, vector<16xi32>, vector<16xi1>
        tpu.vector_store %arg14[%swap3A_609], %add3A_608 masked %lt3A_543 {strides = array<i32>} : memref<192xi32, #tpu.memory_space<vmem>>, vector<16xi32>, vector<16xi1>
        %add3A_611 = vector.broadcast %add3A_606 : i32 to vector<16xi32>
        %add3A_612 = arith.addi %iota3A, %add3A_611 : vector<16xi32>
        %swap3A_613 = arith.index_cast %add3A_604 : i32 to index
        %swap3A_614 = tpu.vector_load %arg15[%swap3A_613] masked %lt3A_555 {strides = array<i32>} : memref<192xi32, #tpu.memory_space<vmem>>, vector<16xi32>, vector<16xi1>
        tpu.vector_store %arg15[%swap3A_613], %add3A_612 masked %lt3A_555 {strides = array<i32>} : memref<192xi32, #tpu.memory_space<vmem>>, vector<16xi32>, vector<16xi1>
        %add3A_615 = arith.addi %add3A_603, %reduce_sum3A_560 : i32
        %add3A_616 = arith.addi %add3A_604, %reduce_sum3A_565 : i32
        %add3A_617 = arith.addi %while3A_387, %reduce_sum3A_428 : i32
        %add3A_618 = arith.addi %add3A_617, %reduce_sum3A_472 : i32
        %add3A_619 = arith.addi %add3A_618, %reduce_sum3A_516 : i32
        %add3A_620 = arith.addi %add3A_619, %reduce_sum3A_560 : i32
        %add3A_621 = arith.addi %while3A_388, %reduce_sum3A_433 : i32
        %add3A_622 = arith.addi %add3A_621, %reduce_sum3A_477 : i32
        %add3A_623 = arith.addi %add3A_622, %reduce_sum3A_521 : i32
        %add3A_624 = arith.addi %add3A_623, %reduce_sum3A_565 : i32
        %add3A_625 = arith.constant 1 : i32
        %add3A_626 = arith.addi %while3A_386, %add3A_625 : i32
        scf.yield %add3A_626, %add3A_620, %add3A_624 : i32, i32, i32
      }
      %min3A = arith.constant 64 : i32
      %min3A_271 = arith.minsi %while3A_270#1, %min3A : i32
      %broadcast_in_dim3A_272 = vector.broadcast %min3A_271 : i32 to vector<16xi32>
      %gather3A_273 = tpu.vector_load_idx %arg14[%broadcast_in_dim3A_46] : memref<192xi32, #tpu.memory_space<vmem>>[vector<16xi32>], vector<16xi32>,
      %gt3A = arith.constant 0 : i32
      %gt3A_274 = vector.broadcast %gt3A : i32 to vector<16xi32>
      %gt3A_275 = arith.cmpi sgt, %broadcast_in_dim3A_272, %gt3A_274 : vector<16xi32>
      %jit3A_276 = arith.constant 0 : i32
      %broadcast_in_dim3A_277 = vector.broadcast %jit3A_276 : i32 to vector<16xi32>
      %select_n3A_278 = arith.select %gt3A_275, %gather3A_273, %broadcast_in_dim3A_277 : vector<16xi1>, vector<16xi32>
      %add3A_279 = arith.constant 0 : i32
      %add3A_280 = vector.broadcast %add3A_279 : i32 to vector<16xi32>
      %add3A_281 = arith.addi %iota3A, %add3A_280 : vector<16xi32>
      %get3A_282 = arith.constant 0 : index
      %get3A_283 = tpu.vector_load %arg14[%get3A_282] {strides = array<i32>} : memref<192xi32, #tpu.memory_space<vmem>>, vector<16xi32>,
      %lt3A_284 = arith.cmpi slt, %add3A_281, %broadcast_in_dim3A_272 : vector<16xi32>
      %select_n3A_285 = arith.select %lt3A_284, %get3A_283, %select_n3A_278 : vector<16xi1>, vector<16xi32>
      %mul3A_286 = arith.constant 128 : i32
      %mul3A_287 = vector.broadcast %mul3A_286 : i32 to vector<16xi32>
      %mul3A_288 = arith.muli %add3A_281, %mul3A_287 : vector<16xi32>
      %add3A_289 = vector.broadcast %mul3A_148 : i32 to vector<16xi32>
      %add3A_290 = arith.addi %mul3A_288, %add3A_289 : vector<16xi32>
      tpu.vector_store_idx %arg16[%add3A_290], %select_n3A_285 : memref<8192xi32, #tpu.memory_space<vmem>>[vector<16xi32>], vector<16xi32>,
      %add3A_291 = arith.constant 16 : i32
      %add3A_292 = vector.broadcast %add3A_291 : i32 to vector<16xi32>
      %add3A_293 = arith.addi %iota3A, %add3A_292 : vector<16xi32>
      %get3A_294 = arith.constant 16 : index
      %get3A_295 = tpu.vector_load %arg14[%get3A_294] {strides = array<i32>} : memref<192xi32, #tpu.memory_space<vmem>>, vector<16xi32>,
      %lt3A_296 = arith.cmpi slt, %add3A_293, %broadcast_in_dim3A_272 : vector<16xi32>
      %select_n3A_297 = arith.select %lt3A_296, %get3A_295, %select_n3A_278 : vector<16xi1>, vector<16xi32>
      %mul3A_298 = arith.constant 128 : i32
      %mul3A_299 = vector.broadcast %mul3A_298 : i32 to vector<16xi32>
      %mul3A_300 = arith.muli %add3A_293, %mul3A_299 : vector<16xi32>
      %add3A_301 = vector.broadcast %mul3A_148 : i32 to vector<16xi32>
      %add3A_302 = arith.addi %mul3A_300, %add3A_301 : vector<16xi32>
      tpu.vector_store_idx %arg16[%add3A_302], %select_n3A_297 : memref<8192xi32, #tpu.memory_space<vmem>>[vector<16xi32>], vector<16xi32>,
      %add3A_303 = arith.constant 32 : i32
      %add3A_304 = vector.broadcast %add3A_303 : i32 to vector<16xi32>
      %add3A_305 = arith.addi %iota3A, %add3A_304 : vector<16xi32>
      %get3A_306 = arith.constant 32 : index
      %get3A_307 = tpu.vector_load %arg14[%get3A_306] {strides = array<i32>} : memref<192xi32, #tpu.memory_space<vmem>>, vector<16xi32>,
      %lt3A_308 = arith.cmpi slt, %add3A_305, %broadcast_in_dim3A_272 : vector<16xi32>
      %select_n3A_309 = arith.select %lt3A_308, %get3A_307, %select_n3A_278 : vector<16xi1>, vector<16xi32>
      %mul3A_310 = arith.constant 128 : i32
      %mul3A_311 = vector.broadcast %mul3A_310 : i32 to vector<16xi32>
      %mul3A_312 = arith.muli %add3A_305, %mul3A_311 : vector<16xi32>
      %add3A_313 = vector.broadcast %mul3A_148 : i32 to vector<16xi32>
      %add3A_314 = arith.addi %mul3A_312, %add3A_313 : vector<16xi32>
      tpu.vector_store_idx %arg16[%add3A_314], %select_n3A_309 : memref<8192xi32, #tpu.memory_space<vmem>>[vector<16xi32>], vector<16xi32>,
      %add3A_315 = arith.constant 48 : i32
      %add3A_316 = vector.broadcast %add3A_315 : i32 to vector<16xi32>
      %add3A_317 = arith.addi %iota3A, %add3A_316 : vector<16xi32>
      %get3A_318 = arith.constant 48 : index
      %get3A_319 = tpu.vector_load %arg14[%get3A_318] {strides = array<i32>} : memref<192xi32, #tpu.memory_space<vmem>>, vector<16xi32>,
      %lt3A_320 = arith.cmpi slt, %add3A_317, %broadcast_in_dim3A_272 : vector<16xi32>
      %select_n3A_321 = arith.select %lt3A_320, %get3A_319, %select_n3A_278 : vector<16xi1>, vector<16xi32>
      %mul3A_322 = arith.constant 128 : i32
      %mul3A_323 = vector.broadcast %mul3A_322 : i32 to vector<16xi32>
      %mul3A_324 = arith.muli %add3A_317, %mul3A_323 : vector<16xi32>
      %add3A_325 = vector.broadcast %mul3A_148 : i32 to vector<16xi32>
      %add3A_326 = arith.addi %mul3A_324, %add3A_325 : vector<16xi32>
      tpu.vector_store_idx %arg16[%add3A_326], %select_n3A_321 : memref<8192xi32, #tpu.memory_space<vmem>>[vector<16xi32>], vector<16xi32>,
      %min3A_327 = arith.constant 64 : i32
      %min3A_328 = arith.minsi %while3A_270#2, %min3A_327 : i32
      %broadcast_in_dim3A_329 = vector.broadcast %min3A_328 : i32 to vector<16xi32>
      %gather3A_330 = tpu.vector_load_idx %arg15[%broadcast_in_dim3A_46] : memref<192xi32, #tpu.memory_space<vmem>>[vector<16xi32>], vector<16xi32>,
      %gt3A_331 = arith.constant 0 : i32
      %gt3A_332 = vector.broadcast %gt3A_331 : i32 to vector<16xi32>
      %gt3A_333 = arith.cmpi sgt, %broadcast_in_dim3A_329, %gt3A_332 : vector<16xi32>
      %jit3A_334 = arith.constant 0 : i32
      %broadcast_in_dim3A_335 = vector.broadcast %jit3A_334 : i32 to vector<16xi32>
      %select_n3A_336 = arith.select %gt3A_333, %gather3A_330, %broadcast_in_dim3A_335 : vector<16xi1>, vector<16xi32>
      %add3A_337 = arith.constant 0 : i32
      %add3A_338 = vector.broadcast %add3A_337 : i32 to vector<16xi32>
      %add3A_339 = arith.addi %iota3A, %add3A_338 : vector<16xi32>
      %get3A_340 = arith.constant 0 : index
      %get3A_341 = tpu.vector_load %arg15[%get3A_340] {strides = array<i32>} : memref<192xi32, #tpu.memory_space<vmem>>, vector<16xi32>,
      %lt3A_342 = arith.cmpi slt, %add3A_339, %broadcast_in_dim3A_329 : vector<16xi32>
      %select_n3A_343 = arith.select %lt3A_342, %get3A_341, %select_n3A_336 : vector<16xi1>, vector<16xi32>
      %mul3A_344 = arith.constant 128 : i32
      %mul3A_345 = vector.broadcast %mul3A_344 : i32 to vector<16xi32>
      %mul3A_346 = arith.muli %add3A_339, %mul3A_345 : vector<16xi32>
      %add3A_347 = vector.broadcast %add3A_150 : i32 to vector<16xi32>
      %add3A_348 = arith.addi %mul3A_346, %add3A_347 : vector<16xi32>
      tpu.vector_store_idx %arg16[%add3A_348], %select_n3A_343 : memref<8192xi32, #tpu.memory_space<vmem>>[vector<16xi32>], vector<16xi32>,
      %add3A_349 = arith.constant 16 : i32
      %add3A_350 = vector.broadcast %add3A_349 : i32 to vector<16xi32>
      %add3A_351 = arith.addi %iota3A, %add3A_350 : vector<16xi32>
      %get3A_352 = arith.constant 16 : index
      %get3A_353 = tpu.vector_load %arg15[%get3A_352] {strides = array<i32>} : memref<192xi32, #tpu.memory_space<vmem>>, vector<16xi32>,
      %lt3A_354 = arith.cmpi slt, %add3A_351, %broadcast_in_dim3A_329 : vector<16xi32>
      %select_n3A_355 = arith.select %lt3A_354, %get3A_353, %select_n3A_336 : vector<16xi1>, vector<16xi32>
      %mul3A_356 = arith.constant 128 : i32
      %mul3A_357 = vector.broadcast %mul3A_356 : i32 to vector<16xi32>
      %mul3A_358 = arith.muli %add3A_351, %mul3A_357 : vector<16xi32>
      %add3A_359 = vector.broadcast %add3A_150 : i32 to vector<16xi32>
      %add3A_360 = arith.addi %mul3A_358, %add3A_359 : vector<16xi32>
      tpu.vector_store_idx %arg16[%add3A_360], %select_n3A_355 : memref<8192xi32, #tpu.memory_space<vmem>>[vector<16xi32>], vector<16xi32>,
      %add3A_361 = arith.constant 32 : i32
      %add3A_362 = vector.broadcast %add3A_361 : i32 to vector<16xi32>
      %add3A_363 = arith.addi %iota3A, %add3A_362 : vector<16xi32>
      %get3A_364 = arith.constant 32 : index
      %get3A_365 = tpu.vector_load %arg15[%get3A_364] {strides = array<i32>} : memref<192xi32, #tpu.memory_space<vmem>>, vector<16xi32>,
      %lt3A_366 = arith.cmpi slt, %add3A_363, %broadcast_in_dim3A_329 : vector<16xi32>
      %select_n3A_367 = arith.select %lt3A_366, %get3A_365, %select_n3A_336 : vector<16xi1>, vector<16xi32>
      %mul3A_368 = arith.constant 128 : i32
      %mul3A_369 = vector.broadcast %mul3A_368 : i32 to vector<16xi32>
      %mul3A_370 = arith.muli %add3A_363, %mul3A_369 : vector<16xi32>
      %add3A_371 = vector.broadcast %add3A_150 : i32 to vector<16xi32>
      %add3A_372 = arith.addi %mul3A_370, %add3A_371 : vector<16xi32>
      tpu.vector_store_idx %arg16[%add3A_372], %select_n3A_367 : memref<8192xi32, #tpu.memory_space<vmem>>[vector<16xi32>], vector<16xi32>,
      %add3A_373 = arith.constant 48 : i32
      %add3A_374 = vector.broadcast %add3A_373 : i32 to vector<16xi32>
      %add3A_375 = arith.addi %iota3A, %add3A_374 : vector<16xi32>
      %get3A_376 = arith.constant 48 : index
      %get3A_377 = tpu.vector_load %arg15[%get3A_376] {strides = array<i32>} : memref<192xi32, #tpu.memory_space<vmem>>, vector<16xi32>,
      %lt3A_378 = arith.cmpi slt, %add3A_375, %broadcast_in_dim3A_329 : vector<16xi32>
      %select_n3A_379 = arith.select %lt3A_378, %get3A_377, %select_n3A_336 : vector<16xi1>, vector<16xi32>
      %mul3A_380 = arith.constant 128 : i32
      %mul3A_381 = vector.broadcast %mul3A_380 : i32 to vector<16xi32>
      %mul3A_382 = arith.muli %add3A_375, %mul3A_381 : vector<16xi32>
      %add3A_383 = vector.broadcast %add3A_150 : i32 to vector<16xi32>
      %add3A_384 = arith.addi %mul3A_382, %add3A_383 : vector<16xi32>
      tpu.vector_store_idx %arg16[%add3A_384], %select_n3A_379 : memref<8192xi32, #tpu.memory_space<vmem>>[vector<16xi32>], vector<16xi32>,
      %scan3A_385 = arith.constant 0 : i32
      scf.yield %scan3A_385 : i32
    }
    %scan3A_54 = arith.constant 64 : i32
    %lt3A_55 = arith.constant 0 : i32
    %lt3A_56 = arith.constant 3 : i32
    "tpu.trace_stop"() : () -> ()
    "tpu.trace_start"() <{level = 10 : i32, message = "gather"}> : () -> ()
    %lt3A_57 = arith.cmpi slt, %lt3A_55, %lt3A_56 : i32
    %convert_element_type3A = arith.extui %lt3A_57 : i1 to i32
    %cond3A = arith.constant 0 : i32
    %cond3A_58 = arith.constant 0 : i32
    %cond3A_59 = arith.cmpi ne, %convert_element_type3A, %cond3A_58 : i32
    scf.if %cond3A_59 {
      %mul3A_145 = arith.constant 3 : i32
      %mul3A_146 = arith.muli %mul3A_145, %select_n3A : i32
      %add3A_147 = arith.addi %mul3A_146, %cond3A : i32
      %dma_start3A_148 = arith.constant 0 : i32
      %dma_start3A_149 = tpu.memref_slice %arg2[%add3A_147, %dma_start3A_148] : memref<12x16384xf32, #tpu.memory_space<hbm>> -> memref<1x16384xf32, #tpu.memory_space<hbm>>
      %dma_start3A_150 = tpu.memref_squeeze %dma_start3A_149 : memref<1x16384xf32, #tpu.memory_space<hbm>> -> memref<16384xf32, #tpu.memory_space<hbm>>
      %dma_start3A_151 = arith.constant 0 : i32
      %dma_start3A_152 = tpu.memref_slice %arg2[%add3A_147, %dma_start3A_151] : memref<12x16384xf32, #tpu.memory_space<hbm>> -> memref<1x16384xf32, #tpu.memory_space<hbm>>
      %dma_start3A_153 = tpu.memref_squeeze %dma_start3A_152 : memref<1x16384xf32, #tpu.memory_space<hbm>> -> memref<16384xf32, #tpu.memory_space<hbm>>
      tpu.enqueue_dma source(%dma_start3A_153 : memref<16384xf32, #tpu.memory_space<hbm>>) target(%arg9 : memref<16384xf32, #tpu.memory_space<vmem>>) target_semaphore(%arg19 : memref<!tpu.dma_semaphore, #tpu.memory_space<semaphore_mem>>)
    } else {
    }
    %ge3A = arith.constant 0 : i32
    %ge3A_60 = arith.constant 3 : i32
    %ge3A_61 = arith.cmpi sge, %ge3A, %ge3A_60 : i32
    %lt3A_62 = arith.constant 0 : i32
    %lt3A_63 = arith.constant 131 : i32
    %lt3A_64 = arith.cmpi slt, %lt3A_62, %lt3A_63 : i32
    %and3A_65 = arith.andi %ge3A_61, %lt3A_64 : i1
    %convert_element_type3A_66 = arith.extui %and3A_65 : i1 to i32
    %cond3A_67 = arith.constant 0 : i32
    %cond3A_68 = arith.constant 0 : i32
    %cond3A_69 = arith.cmpi ne, %convert_element_type3A_66, %cond3A_68 : i32
    scf.if %cond3A_69 {
      %sub3A_145 = arith.constant 3 : i32
      %sub3A_146 = arith.subi %cond3A_67, %sub3A_145 : i32
      %dma_start3A_147 = arith.constant 0 : i32
      %dma_start3A_148 = tpu.memref_slice %arg6[%select_n3A, %sub3A_146, %dma_start3A_147] : memref<4x128x16384xf32, #tpu.memory_space<hbm>> -> memref<1x1x16384xf32, #tpu.memory_space<hbm>>
      %dma_start3A_149 = tpu.memref_squeeze %dma_start3A_148 : memref<1x1x16384xf32, #tpu.memory_space<hbm>> -> memref<16384xf32, #tpu.memory_space<hbm>>
      %dma_start3A_150 = arith.constant 0 : i32
      %dma_start3A_151 = tpu.memref_slice %arg6[%select_n3A, %sub3A_146, %dma_start3A_150] : memref<4x128x16384xf32, #tpu.memory_space<hbm>> -> memref<1x1x16384xf32, #tpu.memory_space<hbm>>
      %dma_start3A_152 = tpu.memref_squeeze %dma_start3A_151 : memref<1x1x16384xf32, #tpu.memory_space<hbm>> -> memref<16384xf32, #tpu.memory_space<hbm>>
      tpu.enqueue_dma source(%dma_start3A_152 : memref<16384xf32, #tpu.memory_space<hbm>>) target(%arg9 : memref<16384xf32, #tpu.memory_space<vmem>>) target_semaphore(%arg19 : memref<!tpu.dma_semaphore, #tpu.memory_space<semaphore_mem>>)
    } else {
    }
    %lt3A_70 = arith.constant 1 : i32
    %lt3A_71 = arith.constant 3 : i32
    %lt3A_72 = arith.cmpi slt, %lt3A_70, %lt3A_71 : i32
    %convert_element_type3A_73 = arith.extui %lt3A_72 : i1 to i32
    %cond3A_74 = arith.constant 1 : i32
    %cond3A_75 = arith.constant 0 : i32
    %cond3A_76 = arith.cmpi ne, %convert_element_type3A_73, %cond3A_75 : i32
    scf.if %cond3A_76 {
      %mul3A_145 = arith.constant 3 : i32
      %mul3A_146 = arith.muli %mul3A_145, %select_n3A : i32
      %add3A_147 = arith.addi %mul3A_146, %cond3A_74 : i32
      %dma_start3A_148 = arith.constant 0 : i32
      %dma_start3A_149 = tpu.memref_slice %arg2[%add3A_147, %dma_start3A_148] : memref<12x16384xf32, #tpu.memory_space<hbm>> -> memref<1x16384xf32, #tpu.memory_space<hbm>>
      %dma_start3A_150 = tpu.memref_squeeze %dma_start3A_149 : memref<1x16384xf32, #tpu.memory_space<hbm>> -> memref<16384xf32, #tpu.memory_space<hbm>>
      %dma_start3A_151 = arith.constant 0 : i32
      %dma_start3A_152 = tpu.memref_slice %arg2[%add3A_147, %dma_start3A_151] : memref<12x16384xf32, #tpu.memory_space<hbm>> -> memref<1x16384xf32, #tpu.memory_space<hbm>>
      %dma_start3A_153 = tpu.memref_squeeze %dma_start3A_152 : memref<1x16384xf32, #tpu.memory_space<hbm>> -> memref<16384xf32, #tpu.memory_space<hbm>>
      tpu.enqueue_dma source(%dma_start3A_153 : memref<16384xf32, #tpu.memory_space<hbm>>) target(%arg10 : memref<16384xf32, #tpu.memory_space<vmem>>) target_semaphore(%arg20 : memref<!tpu.dma_semaphore, #tpu.memory_space<semaphore_mem>>)
    } else {
    }
    %ge3A_77 = arith.constant 1 : i32
    %ge3A_78 = arith.constant 3 : i32
    %ge3A_79 = arith.cmpi sge, %ge3A_77, %ge3A_78 : i32
    %lt3A_80 = arith.constant 1 : i32
    %lt3A_81 = arith.constant 131 : i32
    %lt3A_82 = arith.cmpi slt, %lt3A_80, %lt3A_81 : i32
    %and3A_83 = arith.andi %ge3A_79, %lt3A_82 : i1
    %convert_element_type3A_84 = arith.extui %and3A_83 : i1 to i32
    %cond3A_85 = arith.constant 1 : i32
    %cond3A_86 = arith.constant 0 : i32
    %cond3A_87 = arith.cmpi ne, %convert_element_type3A_84, %cond3A_86 : i32
    scf.if %cond3A_87 {
      %sub3A_145 = arith.constant 3 : i32
      %sub3A_146 = arith.subi %cond3A_85, %sub3A_145 : i32
      %dma_start3A_147 = arith.constant 0 : i32
      %dma_start3A_148 = tpu.memref_slice %arg6[%select_n3A, %sub3A_146, %dma_start3A_147] : memref<4x128x16384xf32, #tpu.memory_space<hbm>> -> memref<1x1x16384xf32, #tpu.memory_space<hbm>>
      %dma_start3A_149 = tpu.memref_squeeze %dma_start3A_148 : memref<1x1x16384xf32, #tpu.memory_space<hbm>> -> memref<16384xf32, #tpu.memory_space<hbm>>
      %dma_start3A_150 = arith.constant 0 : i32
      %dma_start3A_151 = tpu.memref_slice %arg6[%select_n3A, %sub3A_146, %dma_start3A_150] : memref<4x128x16384xf32, #tpu.memory_space<hbm>> -> memref<1x1x16384xf32, #tpu.memory_space<hbm>>
      %dma_start3A_152 = tpu.memref_squeeze %dma_start3A_151 : memref<1x1x16384xf32, #tpu.memory_space<hbm>> -> memref<16384xf32, #tpu.memory_space<hbm>>
      tpu.enqueue_dma source(%dma_start3A_152 : memref<16384xf32, #tpu.memory_space<hbm>>) target(%arg10 : memref<16384xf32, #tpu.memory_space<vmem>>) target_semaphore(%arg20 : memref<!tpu.dma_semaphore, #tpu.memory_space<semaphore_mem>>)
    } else {
    }
    %scan3A_88 = arith.constant 0 : i32
    %scan3A_89 = arith.constant 0 : i32
    %scan3A_90 = arith.constant 65 : i32
    %scan3A_91 = arith.addi %scan3A_89, %scan3A_90 : i32
    %scan3A_92 = arith.constant 1 : i32
    %scan3A_93 = scf.for %scan3A_145 = %scan3A_89 to %scan3A_91 step %scan3A_92 iter_args(%scan3A_146 = %scan3A_88) -> (i32)  : i32 {
      %mul3A_147 = arith.constant 2 : i32
      %mul3A_148 = arith.muli %mul3A_147, %scan3A_145 : i32
      %dma_wait3A_149 = arith.constant 0 : i32
      %dma_wait3A_150 = arith.constant 0 : i32
      %dma_wait3A_151 = tpu.memref_slice %arg6[%select_n3A, %dma_wait3A_149, %dma_wait3A_150] : memref<4x128x16384xf32, #tpu.memory_space<hbm>> -> memref<1x1x16384xf32, #tpu.memory_space<hbm>>
      %dma_wait3A_152 = tpu.memref_squeeze %dma_wait3A_151 : memref<1x1x16384xf32, #tpu.memory_space<hbm>> -> memref<16384xf32, #tpu.memory_space<hbm>>
      %dma_wait3A_153 = arith.constant 0 : i32
      %dma_wait3A_154 = tpu.memref_slice %arg6[%select_n3A, %dma_wait3A_149, %dma_wait3A_153] : memref<4x128x16384xf32, #tpu.memory_space<hbm>> -> memref<1x1x16384xf32, #tpu.memory_space<hbm>>
      %dma_wait3A_155 = tpu.memref_squeeze %dma_wait3A_154 : memref<1x1x16384xf32, #tpu.memory_space<hbm>> -> memref<16384xf32, #tpu.memory_space<hbm>>
      tpu.wait_dma2 semaphore(%arg19 : memref<!tpu.dma_semaphore, #tpu.memory_space<semaphore_mem>>) src(%dma_wait3A_155 : memref<16384xf32, #tpu.memory_space<hbm>>) dst(%arg9 : memref<16384xf32, #tpu.memory_space<vmem>>)
      %gt3A = arith.constant 0 : i32
      %gt3A_156 = arith.cmpi sgt, %scan3A_145, %gt3A : i32
      %convert_element_type3A_157 = arith.extui %gt3A_156 : i1 to i32
      %cond3A_158 = arith.constant 0 : i32
      %cond3A_159 = arith.cmpi ne, %convert_element_type3A_157, %cond3A_158 : i32
      scf.if %cond3A_159 {
        %sub3A_239 = arith.constant 2 : i32
        %sub3A_240 = arith.subi %mul3A_148, %sub3A_239 : i32
        %dma_wait3A_241 = arith.constant 0 : i32
        %dma_wait3A_242 = tpu.memref_slice %arg8[%select_n3A, %sub3A_240, %dma_wait3A_241, %mul3A_33] : memref<4x131x64x1024xf32, #tpu.memory_space<hbm>> -> memref<1x1x64x128xf32, #tpu.memory_space<hbm>>
        %dma_wait3A_243 = tpu.memref_squeeze %dma_wait3A_242 : memref<1x1x64x128xf32, #tpu.memory_space<hbm>> -> memref<64x128xf32, #tpu.memory_space<hbm>>
        %dma_wait3A_244 = arith.constant 0 : i32
        %dma_wait3A_245 = tpu.memref_slice %arg8[%select_n3A, %sub3A_240, %dma_wait3A_244, %mul3A_33] : memref<4x131x64x1024xf32, #tpu.memory_space<hbm>> -> memref<1x1x64x128xf32, #tpu.memory_space<hbm>>
        %dma_wait3A_246 = tpu.memref_squeeze %dma_wait3A_245 : memref<1x1x64x128xf32, #tpu.memory_space<hbm>> -> memref<64x128xf32, #tpu.memory_space<hbm>>
        tpu.wait_dma2 semaphore(%arg21 : memref<!tpu.dma_semaphore, #tpu.memory_space<semaphore_mem>>) src(%arg17 : memref<64x128xf32, #tpu.memory_space<vmem>>) dst(%dma_wait3A_246 : memref<64x128xf32, #tpu.memory_space<hbm>>)
      } else {
      }
      %lt3A_160 = arith.constant 3 : i32
      %lt3A_161 = arith.cmpi slt, %mul3A_148, %lt3A_160 : i32
      %convert_element_type3A_162 = arith.extui %lt3A_161 : i1 to i32
      %cond3A_163 = arith.constant 0 : i32
      %cond3A_164 = arith.cmpi ne, %convert_element_type3A_162, %cond3A_163 : i32
      scf.if %cond3A_164 {
        %parallel_loop3A_239 = arith.constant 0 : i32
        %parallel_loop3A_240 = arith.constant 64 : i32
        %parallel_loop3A_241 = arith.constant 1 : i32
        scf.for %parallel_loop3A_242 = %parallel_loop3A_239 to %parallel_loop3A_240 step %parallel_loop3A_241  : i32 {
          %parallel_loop3A_243 = arith.constant 128 : i32
          %parallel_loop3A_244 = arith.muli %parallel_loop3A_242, %parallel_loop3A_243 : i32
          %parallel_loop3A_245 = arith.constant 0 : i32
          %parallel_loop3A_246 = arith.addi %parallel_loop3A_244, %parallel_loop3A_245 : i32
          %parallel_loop3A_247 = arith.index_cast %parallel_loop3A_246 : i32 to index
          %parallel_loop3A_248 = tpu.vector_load %arg16[%parallel_loop3A_247] {strides = array<i32>} : memref<8192xi32, #tpu.memory_space<vmem>>, vector<16xi32>,
          %parallel_loop3A_249 = tpu.vector_load_idx %arg9[%parallel_loop3A_248] : memref<16384xf32, #tpu.memory_space<vmem>>[vector<16xi32>], vector<16xf32>,
          %parallel_loop3A_250 = arith.constant 128 : i32
          %parallel_loop3A_251 = arith.muli %mul3A_148, %parallel_loop3A_250 : i32
          %parallel_loop3A_252 = arith.constant 0 : i32
          %parallel_loop3A_253 = arith.addi %parallel_loop3A_251, %parallel_loop3A_252 : i32
          %parallel_loop3A_254 = arith.index_cast %parallel_loop3A_253 : i32 to index
          %parallel_loop3A_255 = tpu.vector_load %arg13[%parallel_loop3A_254] {strides = array<i32>} : memref<384xf32, #tpu.memory_space<vmem>>, vector<16xf32>,
          %parallel_loop3A_256 = arith.subf %parallel_loop3A_249, %parallel_loop3A_255 : vector<16xf32>
          %parallel_loop3A_257 = arith.index_cast %parallel_loop3A_242 : i32 to index
          %parallel_loop3A_258 = arith.constant 0 : index
          %parallel_loop3A_259 = tpu.vector_load %arg17[%parallel_loop3A_257, %parallel_loop3A_258] {strides = array<i32>} : memref<64x128xf32, #tpu.memory_space<vmem>>, vector<16xf32>,
          tpu.vector_store %arg17[%parallel_loop3A_257, %parallel_loop3A_258], %parallel_loop3A_256 {strides = array<i32>} : memref<64x128xf32, #tpu.memory_space<vmem>>, vector<16xf32>,
          %parallel_loop3A_260 = arith.constant 128 : i32
          %parallel_loop3A_261 = arith.muli %parallel_loop3A_242, %parallel_loop3A_260 : i32
          %parallel_loop3A_262 = arith.constant 16 : i32
          %parallel_loop3A_263 = arith.addi %parallel_loop3A_261, %parallel_loop3A_262 : i32
          %parallel_loop3A_264 = arith.index_cast %parallel_loop3A_263 : i32 to index
          %parallel_loop3A_265 = tpu.vector_load %arg16[%parallel_loop3A_264] {strides = array<i32>} : memref<8192xi32, #tpu.memory_space<vmem>>, vector<16xi32>,
          %parallel_loop3A_266 = tpu.vector_load_idx %arg9[%parallel_loop3A_265] : memref<16384xf32, #tpu.memory_space<vmem>>[vector<16xi32>], vector<16xf32>,
          %parallel_loop3A_267 = arith.constant 128 : i32
          %parallel_loop3A_268 = arith.muli %mul3A_148, %parallel_loop3A_267 : i32
          %parallel_loop3A_269 = arith.constant 16 : i32
          %parallel_loop3A_270 = arith.addi %parallel_loop3A_268, %parallel_loop3A_269 : i32
          %parallel_loop3A_271 = arith.index_cast %parallel_loop3A_270 : i32 to index
          %parallel_loop3A_272 = tpu.vector_load %arg13[%parallel_loop3A_271] {strides = array<i32>} : memref<384xf32, #tpu.memory_space<vmem>>, vector<16xf32>,
          %parallel_loop3A_273 = arith.subf %parallel_loop3A_266, %parallel_loop3A_272 : vector<16xf32>
          %parallel_loop3A_274 = arith.index_cast %parallel_loop3A_242 : i32 to index
          %parallel_loop3A_275 = arith.constant 16 : index
          %parallel_loop3A_276 = tpu.vector_load %arg17[%parallel_loop3A_274, %parallel_loop3A_275] {strides = array<i32>} : memref<64x128xf32, #tpu.memory_space<vmem>>, vector<16xf32>,
          tpu.vector_store %arg17[%parallel_loop3A_274, %parallel_loop3A_275], %parallel_loop3A_273 {strides = array<i32>} : memref<64x128xf32, #tpu.memory_space<vmem>>, vector<16xf32>,
          %parallel_loop3A_277 = arith.constant 128 : i32
          %parallel_loop3A_278 = arith.muli %parallel_loop3A_242, %parallel_loop3A_277 : i32
          %parallel_loop3A_279 = arith.constant 32 : i32
          %parallel_loop3A_280 = arith.addi %parallel_loop3A_278, %parallel_loop3A_279 : i32
          %parallel_loop3A_281 = arith.index_cast %parallel_loop3A_280 : i32 to index
          %parallel_loop3A_282 = tpu.vector_load %arg16[%parallel_loop3A_281] {strides = array<i32>} : memref<8192xi32, #tpu.memory_space<vmem>>, vector<16xi32>,
          %parallel_loop3A_283 = tpu.vector_load_idx %arg9[%parallel_loop3A_282] : memref<16384xf32, #tpu.memory_space<vmem>>[vector<16xi32>], vector<16xf32>,
          %parallel_loop3A_284 = arith.constant 128 : i32
          %parallel_loop3A_285 = arith.muli %mul3A_148, %parallel_loop3A_284 : i32
          %parallel_loop3A_286 = arith.constant 32 : i32
          %parallel_loop3A_287 = arith.addi %parallel_loop3A_285, %parallel_loop3A_286 : i32
          %parallel_loop3A_288 = arith.index_cast %parallel_loop3A_287 : i32 to index
          %parallel_loop3A_289 = tpu.vector_load %arg13[%parallel_loop3A_288] {strides = array<i32>} : memref<384xf32, #tpu.memory_space<vmem>>, vector<16xf32>,
          %parallel_loop3A_290 = arith.subf %parallel_loop3A_283, %parallel_loop3A_289 : vector<16xf32>
          %parallel_loop3A_291 = arith.index_cast %parallel_loop3A_242 : i32 to index
          %parallel_loop3A_292 = arith.constant 32 : index
          %parallel_loop3A_293 = tpu.vector_load %arg17[%parallel_loop3A_291, %parallel_loop3A_292] {strides = array<i32>} : memref<64x128xf32, #tpu.memory_space<vmem>>, vector<16xf32>,
          tpu.vector_store %arg17[%parallel_loop3A_291, %parallel_loop3A_292], %parallel_loop3A_290 {strides = array<i32>} : memref<64x128xf32, #tpu.memory_space<vmem>>, vector<16xf32>,
          %parallel_loop3A_294 = arith.constant 128 : i32
          %parallel_loop3A_295 = arith.muli %parallel_loop3A_242, %parallel_loop3A_294 : i32
          %parallel_loop3A_296 = arith.constant 48 : i32
          %parallel_loop3A_297 = arith.addi %parallel_loop3A_295, %parallel_loop3A_296 : i32
          %parallel_loop3A_298 = arith.index_cast %parallel_loop3A_297 : i32 to index
          %parallel_loop3A_299 = tpu.vector_load %arg16[%parallel_loop3A_298] {strides = array<i32>} : memref<8192xi32, #tpu.memory_space<vmem>>, vector<16xi32>,
          %parallel_loop3A_300 = tpu.vector_load_idx %arg9[%parallel_loop3A_299] : memref<16384xf32, #tpu.memory_space<vmem>>[vector<16xi32>], vector<16xf32>,
          %parallel_loop3A_301 = arith.constant 128 : i32
          %parallel_loop3A_302 = arith.muli %mul3A_148, %parallel_loop3A_301 : i32
          %parallel_loop3A_303 = arith.constant 48 : i32
          %parallel_loop3A_304 = arith.addi %parallel_loop3A_302, %parallel_loop3A_303 : i32
          %parallel_loop3A_305 = arith.index_cast %parallel_loop3A_304 : i32 to index
          %parallel_loop3A_306 = tpu.vector_load %arg13[%parallel_loop3A_305] {strides = array<i32>} : memref<384xf32, #tpu.memory_space<vmem>>, vector<16xf32>,
          %parallel_loop3A_307 = arith.subf %parallel_loop3A_300, %parallel_loop3A_306 : vector<16xf32>
          %parallel_loop3A_308 = arith.index_cast %parallel_loop3A_242 : i32 to index
          %parallel_loop3A_309 = arith.constant 48 : index
          %parallel_loop3A_310 = tpu.vector_load %arg17[%parallel_loop3A_308, %parallel_loop3A_309] {strides = array<i32>} : memref<64x128xf32, #tpu.memory_space<vmem>>, vector<16xf32>,
          tpu.vector_store %arg17[%parallel_loop3A_308, %parallel_loop3A_309], %parallel_loop3A_307 {strides = array<i32>} : memref<64x128xf32, #tpu.memory_space<vmem>>, vector<16xf32>,
          %parallel_loop3A_311 = arith.constant 128 : i32
          %parallel_loop3A_312 = arith.muli %parallel_loop3A_242, %parallel_loop3A_311 : i32
          %parallel_loop3A_313 = arith.constant 64 : i32
          %parallel_loop3A_314 = arith.addi %parallel_loop3A_312, %parallel_loop3A_313 : i32
          %parallel_loop3A_315 = arith.index_cast %parallel_loop3A_314 : i32 to index
          %parallel_loop3A_316 = tpu.vector_load %arg16[%parallel_loop3A_315] {strides = array<i32>} : memref<8192xi32, #tpu.memory_space<vmem>>, vector<16xi32>,
          %parallel_loop3A_317 = tpu.vector_load_idx %arg9[%parallel_loop3A_316] : memref<16384xf32, #tpu.memory_space<vmem>>[vector<16xi32>], vector<16xf32>,
          %parallel_loop3A_318 = arith.constant 128 : i32
          %parallel_loop3A_319 = arith.muli %mul3A_148, %parallel_loop3A_318 : i32
          %parallel_loop3A_320 = arith.constant 64 : i32
          %parallel_loop3A_321 = arith.addi %parallel_loop3A_319, %parallel_loop3A_320 : i32
          %parallel_loop3A_322 = arith.index_cast %parallel_loop3A_321 : i32 to index
          %parallel_loop3A_323 = tpu.vector_load %arg13[%parallel_loop3A_322] {strides = array<i32>} : memref<384xf32, #tpu.memory_space<vmem>>, vector<16xf32>,
          %parallel_loop3A_324 = arith.subf %parallel_loop3A_317, %parallel_loop3A_323 : vector<16xf32>
          %parallel_loop3A_325 = arith.index_cast %parallel_loop3A_242 : i32 to index
          %parallel_loop3A_326 = arith.constant 64 : index
          %parallel_loop3A_327 = tpu.vector_load %arg17[%parallel_loop3A_325, %parallel_loop3A_326] {strides = array<i32>} : memref<64x128xf32, #tpu.memory_space<vmem>>, vector<16xf32>,
          tpu.vector_store %arg17[%parallel_loop3A_325, %parallel_loop3A_326], %parallel_loop3A_324 {strides = array<i32>} : memref<64x128xf32, #tpu.memory_space<vmem>>, vector<16xf32>,
          %parallel_loop3A_328 = arith.constant 128 : i32
          %parallel_loop3A_329 = arith.muli %parallel_loop3A_242, %parallel_loop3A_328 : i32
          %parallel_loop3A_330 = arith.constant 80 : i32
          %parallel_loop3A_331 = arith.addi %parallel_loop3A_329, %parallel_loop3A_330 : i32
          %parallel_loop3A_332 = arith.index_cast %parallel_loop3A_331 : i32 to index
          %parallel_loop3A_333 = tpu.vector_load %arg16[%parallel_loop3A_332] {strides = array<i32>} : memref<8192xi32, #tpu.memory_space<vmem>>, vector<16xi32>,
          %parallel_loop3A_334 = tpu.vector_load_idx %arg9[%parallel_loop3A_333] : memref<16384xf32, #tpu.memory_space<vmem>>[vector<16xi32>], vector<16xf32>,
          %parallel_loop3A_335 = arith.constant 128 : i32
          %parallel_loop3A_336 = arith.muli %mul3A_148, %parallel_loop3A_335 : i32
          %parallel_loop3A_337 = arith.constant 80 : i32
          %parallel_loop3A_338 = arith.addi %parallel_loop3A_336, %parallel_loop3A_337 : i32
          %parallel_loop3A_339 = arith.index_cast %parallel_loop3A_338 : i32 to index
          %parallel_loop3A_340 = tpu.vector_load %arg13[%parallel_loop3A_339] {strides = array<i32>} : memref<384xf32, #tpu.memory_space<vmem>>, vector<16xf32>,
          %parallel_loop3A_341 = arith.subf %parallel_loop3A_334, %parallel_loop3A_340 : vector<16xf32>
          %parallel_loop3A_342 = arith.index_cast %parallel_loop3A_242 : i32 to index
          %parallel_loop3A_343 = arith.constant 80 : index
          %parallel_loop3A_344 = tpu.vector_load %arg17[%parallel_loop3A_342, %parallel_loop3A_343] {strides = array<i32>} : memref<64x128xf32, #tpu.memory_space<vmem>>, vector<16xf32>,
          tpu.vector_store %arg17[%parallel_loop3A_342, %parallel_loop3A_343], %parallel_loop3A_341 {strides = array<i32>} : memref<64x128xf32, #tpu.memory_space<vmem>>, vector<16xf32>,
          %parallel_loop3A_345 = arith.constant 128 : i32
          %parallel_loop3A_346 = arith.muli %parallel_loop3A_242, %parallel_loop3A_345 : i32
          %parallel_loop3A_347 = arith.constant 96 : i32
          %parallel_loop3A_348 = arith.addi %parallel_loop3A_346, %parallel_loop3A_347 : i32
          %parallel_loop3A_349 = arith.index_cast %parallel_loop3A_348 : i32 to index
          %parallel_loop3A_350 = tpu.vector_load %arg16[%parallel_loop3A_349] {strides = array<i32>} : memref<8192xi32, #tpu.memory_space<vmem>>, vector<16xi32>,
          %parallel_loop3A_351 = tpu.vector_load_idx %arg9[%parallel_loop3A_350] : memref<16384xf32, #tpu.memory_space<vmem>>[vector<16xi32>], vector<16xf32>,
          %parallel_loop3A_352 = arith.constant 128 : i32
          %parallel_loop3A_353 = arith.muli %mul3A_148, %parallel_loop3A_352 : i32
          %parallel_loop3A_354 = arith.constant 96 : i32
          %parallel_loop3A_355 = arith.addi %parallel_loop3A_353, %parallel_loop3A_354 : i32
          %parallel_loop3A_356 = arith.index_cast %parallel_loop3A_355 : i32 to index
          %parallel_loop3A_357 = tpu.vector_load %arg13[%parallel_loop3A_356] {strides = array<i32>} : memref<384xf32, #tpu.memory_space<vmem>>, vector<16xf32>,
          %parallel_loop3A_358 = arith.subf %parallel_loop3A_351, %parallel_loop3A_357 : vector<16xf32>
          %parallel_loop3A_359 = arith.index_cast %parallel_loop3A_242 : i32 to index
          %parallel_loop3A_360 = arith.constant 96 : index
          %parallel_loop3A_361 = tpu.vector_load %arg17[%parallel_loop3A_359, %parallel_loop3A_360] {strides = array<i32>} : memref<64x128xf32, #tpu.memory_space<vmem>>, vector<16xf32>,
          tpu.vector_store %arg17[%parallel_loop3A_359, %parallel_loop3A_360], %parallel_loop3A_358 {strides = array<i32>} : memref<64x128xf32, #tpu.memory_space<vmem>>, vector<16xf32>,
          %parallel_loop3A_362 = arith.constant 128 : i32
          %parallel_loop3A_363 = arith.muli %parallel_loop3A_242, %parallel_loop3A_362 : i32
          %parallel_loop3A_364 = arith.constant 112 : i32
          %parallel_loop3A_365 = arith.addi %parallel_loop3A_363, %parallel_loop3A_364 : i32
          %parallel_loop3A_366 = arith.index_cast %parallel_loop3A_365 : i32 to index
          %parallel_loop3A_367 = tpu.vector_load %arg16[%parallel_loop3A_366] {strides = array<i32>} : memref<8192xi32, #tpu.memory_space<vmem>>, vector<16xi32>,
          %parallel_loop3A_368 = tpu.vector_load_idx %arg9[%parallel_loop3A_367] : memref<16384xf32, #tpu.memory_space<vmem>>[vector<16xi32>], vector<16xf32>,
          %parallel_loop3A_369 = arith.constant 128 : i32
          %parallel_loop3A_370 = arith.muli %mul3A_148, %parallel_loop3A_369 : i32
          %parallel_loop3A_371 = arith.constant 112 : i32
          %parallel_loop3A_372 = arith.addi %parallel_loop3A_370, %parallel_loop3A_371 : i32
          %parallel_loop3A_373 = arith.index_cast %parallel_loop3A_372 : i32 to index
          %parallel_loop3A_374 = tpu.vector_load %arg13[%parallel_loop3A_373] {strides = array<i32>} : memref<384xf32, #tpu.memory_space<vmem>>, vector<16xf32>,
          %parallel_loop3A_375 = arith.subf %parallel_loop3A_368, %parallel_loop3A_374 : vector<16xf32>
          %parallel_loop3A_376 = arith.index_cast %parallel_loop3A_242 : i32 to index
          %parallel_loop3A_377 = arith.constant 112 : index
          %parallel_loop3A_378 = tpu.vector_load %arg17[%parallel_loop3A_376, %parallel_loop3A_377] {strides = array<i32>} : memref<64x128xf32, #tpu.memory_space<vmem>>, vector<16xf32>,
          tpu.vector_store %arg17[%parallel_loop3A_376, %parallel_loop3A_377], %parallel_loop3A_375 {strides = array<i32>} : memref<64x128xf32, #tpu.memory_space<vmem>>, vector<16xf32>,
        } {sc.loop_unroll_factor = 2 : i64, sc.parallel_access}
      } else {
      }
      %ge3A_165 = arith.constant 3 : i32
      %ge3A_166 = arith.cmpi sge, %mul3A_148, %ge3A_165 : i32
      %convert_element_type3A_167 = arith.extui %ge3A_166 : i1 to i32
      %cond3A_168 = arith.constant 0 : i32
      %cond3A_169 = arith.cmpi ne, %convert_element_type3A_167, %cond3A_168 : i32
      scf.if %cond3A_169 {
        %parallel_loop3A_239 = arith.constant 0 : i32
        %parallel_loop3A_240 = arith.constant 64 : i32
        %parallel_loop3A_241 = arith.constant 1 : i32
        scf.for %parallel_loop3A_242 = %parallel_loop3A_239 to %parallel_loop3A_240 step %parallel_loop3A_241  : i32 {
          %parallel_loop3A_243 = arith.constant 128 : i32
          %parallel_loop3A_244 = arith.muli %parallel_loop3A_242, %parallel_loop3A_243 : i32
          %parallel_loop3A_245 = arith.constant 0 : i32
          %parallel_loop3A_246 = arith.addi %parallel_loop3A_244, %parallel_loop3A_245 : i32
          %parallel_loop3A_247 = arith.index_cast %parallel_loop3A_246 : i32 to index
          %parallel_loop3A_248 = tpu.vector_load %arg16[%parallel_loop3A_247] {strides = array<i32>} : memref<8192xi32, #tpu.memory_space<vmem>>, vector<16xi32>,
          %parallel_loop3A_249 = tpu.vector_load_idx %arg9[%parallel_loop3A_248] : memref<16384xf32, #tpu.memory_space<vmem>>[vector<16xi32>], vector<16xf32>,
          %parallel_loop3A_250 = arith.index_cast %parallel_loop3A_242 : i32 to index
          %parallel_loop3A_251 = arith.constant 0 : index
          %parallel_loop3A_252 = tpu.vector_load %arg17[%parallel_loop3A_250, %parallel_loop3A_251] {strides = array<i32>} : memref<64x128xf32, #tpu.memory_space<vmem>>, vector<16xf32>,
          tpu.vector_store %arg17[%parallel_loop3A_250, %parallel_loop3A_251], %parallel_loop3A_249 {strides = array<i32>} : memref<64x128xf32, #tpu.memory_space<vmem>>, vector<16xf32>,
          %parallel_loop3A_253 = arith.constant 128 : i32
          %parallel_loop3A_254 = arith.muli %parallel_loop3A_242, %parallel_loop3A_253 : i32
          %parallel_loop3A_255 = arith.constant 16 : i32
          %parallel_loop3A_256 = arith.addi %parallel_loop3A_254, %parallel_loop3A_255 : i32
          %parallel_loop3A_257 = arith.index_cast %parallel_loop3A_256 : i32 to index
          %parallel_loop3A_258 = tpu.vector_load %arg16[%parallel_loop3A_257] {strides = array<i32>} : memref<8192xi32, #tpu.memory_space<vmem>>, vector<16xi32>,
          %parallel_loop3A_259 = tpu.vector_load_idx %arg9[%parallel_loop3A_258] : memref<16384xf32, #tpu.memory_space<vmem>>[vector<16xi32>], vector<16xf32>,
          %parallel_loop3A_260 = arith.index_cast %parallel_loop3A_242 : i32 to index
          %parallel_loop3A_261 = arith.constant 16 : index
          %parallel_loop3A_262 = tpu.vector_load %arg17[%parallel_loop3A_260, %parallel_loop3A_261] {strides = array<i32>} : memref<64x128xf32, #tpu.memory_space<vmem>>, vector<16xf32>,
          tpu.vector_store %arg17[%parallel_loop3A_260, %parallel_loop3A_261], %parallel_loop3A_259 {strides = array<i32>} : memref<64x128xf32, #tpu.memory_space<vmem>>, vector<16xf32>,
          %parallel_loop3A_263 = arith.constant 128 : i32
          %parallel_loop3A_264 = arith.muli %parallel_loop3A_242, %parallel_loop3A_263 : i32
          %parallel_loop3A_265 = arith.constant 32 : i32
          %parallel_loop3A_266 = arith.addi %parallel_loop3A_264, %parallel_loop3A_265 : i32
          %parallel_loop3A_267 = arith.index_cast %parallel_loop3A_266 : i32 to index
          %parallel_loop3A_268 = tpu.vector_load %arg16[%parallel_loop3A_267] {strides = array<i32>} : memref<8192xi32, #tpu.memory_space<vmem>>, vector<16xi32>,
          %parallel_loop3A_269 = tpu.vector_load_idx %arg9[%parallel_loop3A_268] : memref<16384xf32, #tpu.memory_space<vmem>>[vector<16xi32>], vector<16xf32>,
          %parallel_loop3A_270 = arith.index_cast %parallel_loop3A_242 : i32 to index
          %parallel_loop3A_271 = arith.constant 32 : index
          %parallel_loop3A_272 = tpu.vector_load %arg17[%parallel_loop3A_270, %parallel_loop3A_271] {strides = array<i32>} : memref<64x128xf32, #tpu.memory_space<vmem>>, vector<16xf32>,
          tpu.vector_store %arg17[%parallel_loop3A_270, %parallel_loop3A_271], %parallel_loop3A_269 {strides = array<i32>} : memref<64x128xf32, #tpu.memory_space<vmem>>, vector<16xf32>,
          %parallel_loop3A_273 = arith.constant 128 : i32
          %parallel_loop3A_274 = arith.muli %parallel_loop3A_242, %parallel_loop3A_273 : i32
          %parallel_loop3A_275 = arith.constant 48 : i32
          %parallel_loop3A_276 = arith.addi %parallel_loop3A_274, %parallel_loop3A_275 : i32
          %parallel_loop3A_277 = arith.index_cast %parallel_loop3A_276 : i32 to index
          %parallel_loop3A_278 = tpu.vector_load %arg16[%parallel_loop3A_277] {strides = array<i32>} : memref<8192xi32, #tpu.memory_space<vmem>>, vector<16xi32>,
          %parallel_loop3A_279 = tpu.vector_load_idx %arg9[%parallel_loop3A_278] : memref<16384xf32, #tpu.memory_space<vmem>>[vector<16xi32>], vector<16xf32>,
          %parallel_loop3A_280 = arith.index_cast %parallel_loop3A_242 : i32 to index
          %parallel_loop3A_281 = arith.constant 48 : index
          %parallel_loop3A_282 = tpu.vector_load %arg17[%parallel_loop3A_280, %parallel_loop3A_281] {strides = array<i32>} : memref<64x128xf32, #tpu.memory_space<vmem>>, vector<16xf32>,
          tpu.vector_store %arg17[%parallel_loop3A_280, %parallel_loop3A_281], %parallel_loop3A_279 {strides = array<i32>} : memref<64x128xf32, #tpu.memory_space<vmem>>, vector<16xf32>,
          %parallel_loop3A_283 = arith.constant 128 : i32
          %parallel_loop3A_284 = arith.muli %parallel_loop3A_242, %parallel_loop3A_283 : i32
          %parallel_loop3A_285 = arith.constant 64 : i32
          %parallel_loop3A_286 = arith.addi %parallel_loop3A_284, %parallel_loop3A_285 : i32
          %parallel_loop3A_287 = arith.index_cast %parallel_loop3A_286 : i32 to index
          %parallel_loop3A_288 = tpu.vector_load %arg16[%parallel_loop3A_287] {strides = array<i32>} : memref<8192xi32, #tpu.memory_space<vmem>>, vector<16xi32>,
          %parallel_loop3A_289 = tpu.vector_load_idx %arg9[%parallel_loop3A_288] : memref<16384xf32, #tpu.memory_space<vmem>>[vector<16xi32>], vector<16xf32>,
          %parallel_loop3A_290 = arith.index_cast %parallel_loop3A_242 : i32 to index
          %parallel_loop3A_291 = arith.constant 64 : index
          %parallel_loop3A_292 = tpu.vector_load %arg17[%parallel_loop3A_290, %parallel_loop3A_291] {strides = array<i32>} : memref<64x128xf32, #tpu.memory_space<vmem>>, vector<16xf32>,
          tpu.vector_store %arg17[%parallel_loop3A_290, %parallel_loop3A_291], %parallel_loop3A_289 {strides = array<i32>} : memref<64x128xf32, #tpu.memory_space<vmem>>, vector<16xf32>,
          %parallel_loop3A_293 = arith.constant 128 : i32
          %parallel_loop3A_294 = arith.muli %parallel_loop3A_242, %parallel_loop3A_293 : i32
          %parallel_loop3A_295 = arith.constant 80 : i32
          %parallel_loop3A_296 = arith.addi %parallel_loop3A_294, %parallel_loop3A_295 : i32
          %parallel_loop3A_297 = arith.index_cast %parallel_loop3A_296 : i32 to index
          %parallel_loop3A_298 = tpu.vector_load %arg16[%parallel_loop3A_297] {strides = array<i32>} : memref<8192xi32, #tpu.memory_space<vmem>>, vector<16xi32>,
          %parallel_loop3A_299 = tpu.vector_load_idx %arg9[%parallel_loop3A_298] : memref<16384xf32, #tpu.memory_space<vmem>>[vector<16xi32>], vector<16xf32>,
          %parallel_loop3A_300 = arith.index_cast %parallel_loop3A_242 : i32 to index
          %parallel_loop3A_301 = arith.constant 80 : index
          %parallel_loop3A_302 = tpu.vector_load %arg17[%parallel_loop3A_300, %parallel_loop3A_301] {strides = array<i32>} : memref<64x128xf32, #tpu.memory_space<vmem>>, vector<16xf32>,
          tpu.vector_store %arg17[%parallel_loop3A_300, %parallel_loop3A_301], %parallel_loop3A_299 {strides = array<i32>} : memref<64x128xf32, #tpu.memory_space<vmem>>, vector<16xf32>,
          %parallel_loop3A_303 = arith.constant 128 : i32
          %parallel_loop3A_304 = arith.muli %parallel_loop3A_242, %parallel_loop3A_303 : i32
          %parallel_loop3A_305 = arith.constant 96 : i32
          %parallel_loop3A_306 = arith.addi %parallel_loop3A_304, %parallel_loop3A_305 : i32
          %parallel_loop3A_307 = arith.index_cast %parallel_loop3A_306 : i32 to index
          %parallel_loop3A_308 = tpu.vector_load %arg16[%parallel_loop3A_307] {strides = array<i32>} : memref<8192xi32, #tpu.memory_space<vmem>>, vector<16xi32>,
          %parallel_loop3A_309 = tpu.vector_load_idx %arg9[%parallel_loop3A_308] : memref<16384xf32, #tpu.memory_space<vmem>>[vector<16xi32>], vector<16xf32>,
          %parallel_loop3A_310 = arith.index_cast %parallel_loop3A_242 : i32 to index
          %parallel_loop3A_311 = arith.constant 96 : index
          %parallel_loop3A_312 = tpu.vector_load %arg17[%parallel_loop3A_310, %parallel_loop3A_311] {strides = array<i32>} : memref<64x128xf32, #tpu.memory_space<vmem>>, vector<16xf32>,
          tpu.vector_store %arg17[%parallel_loop3A_310, %parallel_loop3A_311], %parallel_loop3A_309 {strides = array<i32>} : memref<64x128xf32, #tpu.memory_space<vmem>>, vector<16xf32>,
          %parallel_loop3A_313 = arith.constant 128 : i32
          %parallel_loop3A_314 = arith.muli %parallel_loop3A_242, %parallel_loop3A_313 : i32
          %parallel_loop3A_315 = arith.constant 112 : i32
          %parallel_loop3A_316 = arith.addi %parallel_loop3A_314, %parallel_loop3A_315 : i32
          %parallel_loop3A_317 = arith.index_cast %parallel_loop3A_316 : i32 to index
          %parallel_loop3A_318 = tpu.vector_load %arg16[%parallel_loop3A_317] {strides = array<i32>} : memref<8192xi32, #tpu.memory_space<vmem>>, vector<16xi32>,
          %parallel_loop3A_319 = tpu.vector_load_idx %arg9[%parallel_loop3A_318] : memref<16384xf32, #tpu.memory_space<vmem>>[vector<16xi32>], vector<16xf32>,
          %parallel_loop3A_320 = arith.index_cast %parallel_loop3A_242 : i32 to index
          %parallel_loop3A_321 = arith.constant 112 : index
          %parallel_loop3A_322 = tpu.vector_load %arg17[%parallel_loop3A_320, %parallel_loop3A_321] {strides = array<i32>} : memref<64x128xf32, #tpu.memory_space<vmem>>, vector<16xf32>,
          tpu.vector_store %arg17[%parallel_loop3A_320, %parallel_loop3A_321], %parallel_loop3A_319 {strides = array<i32>} : memref<64x128xf32, #tpu.memory_space<vmem>>, vector<16xf32>,
        } {sc.loop_unroll_factor = 2 : i64, sc.parallel_access}
      } else {
      }
      %add3A_170 = arith.constant 2 : i32
      %add3A_171 = arith.addi %mul3A_148, %add3A_170 : i32
      %lt3A_172 = arith.constant 3 : i32
      %lt3A_173 = arith.cmpi slt, %add3A_171, %lt3A_172 : i32
      %convert_element_type3A_174 = arith.extui %lt3A_173 : i1 to i32
      %cond3A_175 = arith.constant 0 : i32
      %cond3A_176 = arith.cmpi ne, %convert_element_type3A_174, %cond3A_175 : i32
      scf.if %cond3A_176 {
        %mul3A_239 = arith.constant 3 : i32
        %mul3A_240 = arith.muli %mul3A_239, %select_n3A : i32
        %add3A_241 = arith.addi %mul3A_240, %add3A_171 : i32
        %dma_start3A_242 = arith.constant 0 : i32
        %dma_start3A_243 = tpu.memref_slice %arg2[%add3A_241, %dma_start3A_242] : memref<12x16384xf32, #tpu.memory_space<hbm>> -> memref<1x16384xf32, #tpu.memory_space<hbm>>
        %dma_start3A_244 = tpu.memref_squeeze %dma_start3A_243 : memref<1x16384xf32, #tpu.memory_space<hbm>> -> memref<16384xf32, #tpu.memory_space<hbm>>
        %dma_start3A_245 = arith.constant 0 : i32
        %dma_start3A_246 = tpu.memref_slice %arg2[%add3A_241, %dma_start3A_245] : memref<12x16384xf32, #tpu.memory_space<hbm>> -> memref<1x16384xf32, #tpu.memory_space<hbm>>
        %dma_start3A_247 = tpu.memref_squeeze %dma_start3A_246 : memref<1x16384xf32, #tpu.memory_space<hbm>> -> memref<16384xf32, #tpu.memory_space<hbm>>
        tpu.enqueue_dma source(%dma_start3A_247 : memref<16384xf32, #tpu.memory_space<hbm>>) target(%arg9 : memref<16384xf32, #tpu.memory_space<vmem>>) target_semaphore(%arg19 : memref<!tpu.dma_semaphore, #tpu.memory_space<semaphore_mem>>)
      } else {
      }
      %ge3A_177 = arith.constant 3 : i32
      %ge3A_178 = arith.cmpi sge, %add3A_171, %ge3A_177 : i32
      %lt3A_179 = arith.constant 131 : i32
      %lt3A_180 = arith.cmpi slt, %add3A_171, %lt3A_179 : i32
      %and3A_181 = arith.andi %ge3A_178, %lt3A_180 : i1
      %convert_element_type3A_182 = arith.extui %and3A_181 : i1 to i32
      %cond3A_183 = arith.constant 0 : i32
      %cond3A_184 = arith.cmpi ne, %convert_element_type3A_182, %cond3A_183 : i32
      scf.if %cond3A_184 {
        %sub3A_239 = arith.constant 3 : i32
        %sub3A_240 = arith.subi %add3A_171, %sub3A_239 : i32
        %dma_start3A_241 = arith.constant 0 : i32
        %dma_start3A_242 = tpu.memref_slice %arg6[%select_n3A, %sub3A_240, %dma_start3A_241] : memref<4x128x16384xf32, #tpu.memory_space<hbm>> -> memref<1x1x16384xf32, #tpu.memory_space<hbm>>
        %dma_start3A_243 = tpu.memref_squeeze %dma_start3A_242 : memref<1x1x16384xf32, #tpu.memory_space<hbm>> -> memref<16384xf32, #tpu.memory_space<hbm>>
        %dma_start3A_244 = arith.constant 0 : i32
        %dma_start3A_245 = tpu.memref_slice %arg6[%select_n3A, %sub3A_240, %dma_start3A_244] : memref<4x128x16384xf32, #tpu.memory_space<hbm>> -> memref<1x1x16384xf32, #tpu.memory_space<hbm>>
        %dma_start3A_246 = tpu.memref_squeeze %dma_start3A_245 : memref<1x1x16384xf32, #tpu.memory_space<hbm>> -> memref<16384xf32, #tpu.memory_space<hbm>>
        tpu.enqueue_dma source(%dma_start3A_246 : memref<16384xf32, #tpu.memory_space<hbm>>) target(%arg9 : memref<16384xf32, #tpu.memory_space<vmem>>) target_semaphore(%arg19 : memref<!tpu.dma_semaphore, #tpu.memory_space<semaphore_mem>>)
      } else {
      }
      %dma_start3A_185 = arith.constant 0 : i32
      %dma_start3A_186 = tpu.memref_slice %arg8[%select_n3A, %mul3A_148, %dma_start3A_185, %mul3A_33] : memref<4x131x64x1024xf32, #tpu.memory_space<hbm>> -> memref<1x1x64x128xf32, #tpu.memory_space<hbm>>
      %dma_start3A_187 = tpu.memref_squeeze %dma_start3A_186 : memref<1x1x64x128xf32, #tpu.memory_space<hbm>> -> memref<64x128xf32, #tpu.memory_space<hbm>>
      %dma_start3A_188 = arith.constant 0 : i32
      %dma_start3A_189 = tpu.memref_slice %arg8[%select_n3A, %mul3A_148, %dma_start3A_188, %mul3A_33] : memref<4x131x64x1024xf32, #tpu.memory_space<hbm>> -> memref<1x1x64x128xf32, #tpu.memory_space<hbm>>
      %dma_start3A_190 = tpu.memref_squeeze %dma_start3A_189 : memref<1x1x64x128xf32, #tpu.memory_space<hbm>> -> memref<64x128xf32, #tpu.memory_space<hbm>>
      tpu.enqueue_dma source(%arg17 : memref<64x128xf32, #tpu.memory_space<vmem>>) target(%dma_start3A_190 : memref<64x128xf32, #tpu.memory_space<hbm>>) target_semaphore(%arg21 : memref<!tpu.dma_semaphore, #tpu.memory_space<semaphore_mem>>)
      %mul3A_191 = arith.constant 2 : i32
      %mul3A_192 = arith.muli %mul3A_191, %scan3A_145 : i32
      %add3A_193 = arith.constant 1 : i32
      %add3A_194 = arith.addi %mul3A_192, %add3A_193 : i32
      %dma_wait3A_195 = arith.constant 0 : i32
      %dma_wait3A_196 = arith.constant 0 : i32
      %dma_wait3A_197 = tpu.memref_slice %arg6[%select_n3A, %dma_wait3A_195, %dma_wait3A_196] : memref<4x128x16384xf32, #tpu.memory_space<hbm>> -> memref<1x1x16384xf32, #tpu.memory_space<hbm>>
      %dma_wait3A_198 = tpu.memref_squeeze %dma_wait3A_197 : memref<1x1x16384xf32, #tpu.memory_space<hbm>> -> memref<16384xf32, #tpu.memory_space<hbm>>
      %dma_wait3A_199 = arith.constant 0 : i32
      %dma_wait3A_200 = tpu.memref_slice %arg6[%select_n3A, %dma_wait3A_195, %dma_wait3A_199] : memref<4x128x16384xf32, #tpu.memory_space<hbm>> -> memref<1x1x16384xf32, #tpu.memory_space<hbm>>
      %dma_wait3A_201 = tpu.memref_squeeze %dma_wait3A_200 : memref<1x1x16384xf32, #tpu.memory_space<hbm>> -> memref<16384xf32, #tpu.memory_space<hbm>>
      tpu.wait_dma2 semaphore(%arg20 : memref<!tpu.dma_semaphore, #tpu.memory_space<semaphore_mem>>) src(%dma_wait3A_201 : memref<16384xf32, #tpu.memory_space<hbm>>) dst(%arg10 : memref<16384xf32, #tpu.memory_space<vmem>>)
      %gt3A_202 = arith.constant 0 : i32
      %gt3A_203 = arith.cmpi sgt, %scan3A_145, %gt3A_202 : i32
      %convert_element_type3A_204 = arith.extui %gt3A_203 : i1 to i32
      %cond3A_205 = arith.constant 0 : i32
      %cond3A_206 = arith.cmpi ne, %convert_element_type3A_204, %cond3A_205 : i32
      scf.if %cond3A_206 {
        %sub3A_239 = arith.constant 2 : i32
        %sub3A_240 = arith.subi %add3A_194, %sub3A_239 : i32
        %dma_wait3A_241 = arith.constant 0 : i32
        %dma_wait3A_242 = tpu.memref_slice %arg8[%select_n3A, %sub3A_240, %dma_wait3A_241, %mul3A_33] : memref<4x131x64x1024xf32, #tpu.memory_space<hbm>> -> memref<1x1x64x128xf32, #tpu.memory_space<hbm>>
        %dma_wait3A_243 = tpu.memref_squeeze %dma_wait3A_242 : memref<1x1x64x128xf32, #tpu.memory_space<hbm>> -> memref<64x128xf32, #tpu.memory_space<hbm>>
        %dma_wait3A_244 = arith.constant 0 : i32
        %dma_wait3A_245 = tpu.memref_slice %arg8[%select_n3A, %sub3A_240, %dma_wait3A_244, %mul3A_33] : memref<4x131x64x1024xf32, #tpu.memory_space<hbm>> -> memref<1x1x64x128xf32, #tpu.memory_space<hbm>>
        %dma_wait3A_246 = tpu.memref_squeeze %dma_wait3A_245 : memref<1x1x64x128xf32, #tpu.memory_space<hbm>> -> memref<64x128xf32, #tpu.memory_space<hbm>>
        tpu.wait_dma2 semaphore(%arg22 : memref<!tpu.dma_semaphore, #tpu.memory_space<semaphore_mem>>) src(%arg18 : memref<64x128xf32, #tpu.memory_space<vmem>>) dst(%dma_wait3A_246 : memref<64x128xf32, #tpu.memory_space<hbm>>)
      } else {
      }
      %lt3A_207 = arith.constant 3 : i32
      %lt3A_208 = arith.cmpi slt, %add3A_194, %lt3A_207 : i32
      %convert_element_type3A_209 = arith.extui %lt3A_208 : i1 to i32
      %cond3A_210 = arith.constant 0 : i32
      %cond3A_211 = arith.cmpi ne, %convert_element_type3A_209, %cond3A_210 : i32
      scf.if %cond3A_211 {
        %parallel_loop3A_239 = arith.constant 0 : i32
        %parallel_loop3A_240 = arith.constant 64 : i32
        %parallel_loop3A_241 = arith.constant 1 : i32
        scf.for %parallel_loop3A_242 = %parallel_loop3A_239 to %parallel_loop3A_240 step %parallel_loop3A_241  : i32 {
          %parallel_loop3A_243 = arith.constant 128 : i32
          %parallel_loop3A_244 = arith.muli %parallel_loop3A_242, %parallel_loop3A_243 : i32
          %parallel_loop3A_245 = arith.constant 0 : i32
          %parallel_loop3A_246 = arith.addi %parallel_loop3A_244, %parallel_loop3A_245 : i32
          %parallel_loop3A_247 = arith.index_cast %parallel_loop3A_246 : i32 to index
          %parallel_loop3A_248 = tpu.vector_load %arg16[%parallel_loop3A_247] {strides = array<i32>} : memref<8192xi32, #tpu.memory_space<vmem>>, vector<16xi32>,
          %parallel_loop3A_249 = tpu.vector_load_idx %arg10[%parallel_loop3A_248] : memref<16384xf32, #tpu.memory_space<vmem>>[vector<16xi32>], vector<16xf32>,
          %parallel_loop3A_250 = arith.constant 128 : i32
          %parallel_loop3A_251 = arith.muli %add3A_194, %parallel_loop3A_250 : i32
          %parallel_loop3A_252 = arith.constant 0 : i32
          %parallel_loop3A_253 = arith.addi %parallel_loop3A_251, %parallel_loop3A_252 : i32
          %parallel_loop3A_254 = arith.index_cast %parallel_loop3A_253 : i32 to index
          %parallel_loop3A_255 = tpu.vector_load %arg13[%parallel_loop3A_254] {strides = array<i32>} : memref<384xf32, #tpu.memory_space<vmem>>, vector<16xf32>,
          %parallel_loop3A_256 = arith.subf %parallel_loop3A_249, %parallel_loop3A_255 : vector<16xf32>
          %parallel_loop3A_257 = arith.index_cast %parallel_loop3A_242 : i32 to index
          %parallel_loop3A_258 = arith.constant 0 : index
          %parallel_loop3A_259 = tpu.vector_load %arg18[%parallel_loop3A_257, %parallel_loop3A_258] {strides = array<i32>} : memref<64x128xf32, #tpu.memory_space<vmem>>, vector<16xf32>,
          tpu.vector_store %arg18[%parallel_loop3A_257, %parallel_loop3A_258], %parallel_loop3A_256 {strides = array<i32>} : memref<64x128xf32, #tpu.memory_space<vmem>>, vector<16xf32>,
          %parallel_loop3A_260 = arith.constant 128 : i32
          %parallel_loop3A_261 = arith.muli %parallel_loop3A_242, %parallel_loop3A_260 : i32
          %parallel_loop3A_262 = arith.constant 16 : i32
          %parallel_loop3A_263 = arith.addi %parallel_loop3A_261, %parallel_loop3A_262 : i32
          %parallel_loop3A_264 = arith.index_cast %parallel_loop3A_263 : i32 to index
          %parallel_loop3A_265 = tpu.vector_load %arg16[%parallel_loop3A_264] {strides = array<i32>} : memref<8192xi32, #tpu.memory_space<vmem>>, vector<16xi32>,
          %parallel_loop3A_266 = tpu.vector_load_idx %arg10[%parallel_loop3A_265] : memref<16384xf32, #tpu.memory_space<vmem>>[vector<16xi32>], vector<16xf32>,
          %parallel_loop3A_267 = arith.constant 128 : i32
          %parallel_loop3A_268 = arith.muli %add3A_194, %parallel_loop3A_267 : i32
          %parallel_loop3A_269 = arith.constant 16 : i32
          %parallel_loop3A_270 = arith.addi %parallel_loop3A_268, %parallel_loop3A_269 : i32
          %parallel_loop3A_271 = arith.index_cast %parallel_loop3A_270 : i32 to index
          %parallel_loop3A_272 = tpu.vector_load %arg13[%parallel_loop3A_271] {strides = array<i32>} : memref<384xf32, #tpu.memory_space<vmem>>, vector<16xf32>,
          %parallel_loop3A_273 = arith.subf %parallel_loop3A_266, %parallel_loop3A_272 : vector<16xf32>
          %parallel_loop3A_274 = arith.index_cast %parallel_loop3A_242 : i32 to index
          %parallel_loop3A_275 = arith.constant 16 : index
          %parallel_loop3A_276 = tpu.vector_load %arg18[%parallel_loop3A_274, %parallel_loop3A_275] {strides = array<i32>} : memref<64x128xf32, #tpu.memory_space<vmem>>, vector<16xf32>,
          tpu.vector_store %arg18[%parallel_loop3A_274, %parallel_loop3A_275], %parallel_loop3A_273 {strides = array<i32>} : memref<64x128xf32, #tpu.memory_space<vmem>>, vector<16xf32>,
          %parallel_loop3A_277 = arith.constant 128 : i32
          %parallel_loop3A_278 = arith.muli %parallel_loop3A_242, %parallel_loop3A_277 : i32
          %parallel_loop3A_279 = arith.constant 32 : i32
          %parallel_loop3A_280 = arith.addi %parallel_loop3A_278, %parallel_loop3A_279 : i32
          %parallel_loop3A_281 = arith.index_cast %parallel_loop3A_280 : i32 to index
          %parallel_loop3A_282 = tpu.vector_load %arg16[%parallel_loop3A_281] {strides = array<i32>} : memref<8192xi32, #tpu.memory_space<vmem>>, vector<16xi32>,
          %parallel_loop3A_283 = tpu.vector_load_idx %arg10[%parallel_loop3A_282] : memref<16384xf32, #tpu.memory_space<vmem>>[vector<16xi32>], vector<16xf32>,
          %parallel_loop3A_284 = arith.constant 128 : i32
          %parallel_loop3A_285 = arith.muli %add3A_194, %parallel_loop3A_284 : i32
          %parallel_loop3A_286 = arith.constant 32 : i32
          %parallel_loop3A_287 = arith.addi %parallel_loop3A_285, %parallel_loop3A_286 : i32
          %parallel_loop3A_288 = arith.index_cast %parallel_loop3A_287 : i32 to index
          %parallel_loop3A_289 = tpu.vector_load %arg13[%parallel_loop3A_288] {strides = array<i32>} : memref<384xf32, #tpu.memory_space<vmem>>, vector<16xf32>,
          %parallel_loop3A_290 = arith.subf %parallel_loop3A_283, %parallel_loop3A_289 : vector<16xf32>
          %parallel_loop3A_291 = arith.index_cast %parallel_loop3A_242 : i32 to index
          %parallel_loop3A_292 = arith.constant 32 : index
          %parallel_loop3A_293 = tpu.vector_load %arg18[%parallel_loop3A_291, %parallel_loop3A_292] {strides = array<i32>} : memref<64x128xf32, #tpu.memory_space<vmem>>, vector<16xf32>,
          tpu.vector_store %arg18[%parallel_loop3A_291, %parallel_loop3A_292], %parallel_loop3A_290 {strides = array<i32>} : memref<64x128xf32, #tpu.memory_space<vmem>>, vector<16xf32>,
          %parallel_loop3A_294 = arith.constant 128 : i32
          %parallel_loop3A_295 = arith.muli %parallel_loop3A_242, %parallel_loop3A_294 : i32
          %parallel_loop3A_296 = arith.constant 48 : i32
          %parallel_loop3A_297 = arith.addi %parallel_loop3A_295, %parallel_loop3A_296 : i32
          %parallel_loop3A_298 = arith.index_cast %parallel_loop3A_297 : i32 to index
          %parallel_loop3A_299 = tpu.vector_load %arg16[%parallel_loop3A_298] {strides = array<i32>} : memref<8192xi32, #tpu.memory_space<vmem>>, vector<16xi32>,
          %parallel_loop3A_300 = tpu.vector_load_idx %arg10[%parallel_loop3A_299] : memref<16384xf32, #tpu.memory_space<vmem>>[vector<16xi32>], vector<16xf32>,
          %parallel_loop3A_301 = arith.constant 128 : i32
          %parallel_loop3A_302 = arith.muli %add3A_194, %parallel_loop3A_301 : i32
          %parallel_loop3A_303 = arith.constant 48 : i32
          %parallel_loop3A_304 = arith.addi %parallel_loop3A_302, %parallel_loop3A_303 : i32
          %parallel_loop3A_305 = arith.index_cast %parallel_loop3A_304 : i32 to index
          %parallel_loop3A_306 = tpu.vector_load %arg13[%parallel_loop3A_305] {strides = array<i32>} : memref<384xf32, #tpu.memory_space<vmem>>, vector<16xf32>,
          %parallel_loop3A_307 = arith.subf %parallel_loop3A_300, %parallel_loop3A_306 : vector<16xf32>
          %parallel_loop3A_308 = arith.index_cast %parallel_loop3A_242 : i32 to index
          %parallel_loop3A_309 = arith.constant 48 : index
          %parallel_loop3A_310 = tpu.vector_load %arg18[%parallel_loop3A_308, %parallel_loop3A_309] {strides = array<i32>} : memref<64x128xf32, #tpu.memory_space<vmem>>, vector<16xf32>,
          tpu.vector_store %arg18[%parallel_loop3A_308, %parallel_loop3A_309], %parallel_loop3A_307 {strides = array<i32>} : memref<64x128xf32, #tpu.memory_space<vmem>>, vector<16xf32>,
          %parallel_loop3A_311 = arith.constant 128 : i32
          %parallel_loop3A_312 = arith.muli %parallel_loop3A_242, %parallel_loop3A_311 : i32
          %parallel_loop3A_313 = arith.constant 64 : i32
          %parallel_loop3A_314 = arith.addi %parallel_loop3A_312, %parallel_loop3A_313 : i32
          %parallel_loop3A_315 = arith.index_cast %parallel_loop3A_314 : i32 to index
          %parallel_loop3A_316 = tpu.vector_load %arg16[%parallel_loop3A_315] {strides = array<i32>} : memref<8192xi32, #tpu.memory_space<vmem>>, vector<16xi32>,
          %parallel_loop3A_317 = tpu.vector_load_idx %arg10[%parallel_loop3A_316] : memref<16384xf32, #tpu.memory_space<vmem>>[vector<16xi32>], vector<16xf32>,
          %parallel_loop3A_318 = arith.constant 128 : i32
          %parallel_loop3A_319 = arith.muli %add3A_194, %parallel_loop3A_318 : i32
          %parallel_loop3A_320 = arith.constant 64 : i32
          %parallel_loop3A_321 = arith.addi %parallel_loop3A_319, %parallel_loop3A_320 : i32
          %parallel_loop3A_322 = arith.index_cast %parallel_loop3A_321 : i32 to index
          %parallel_loop3A_323 = tpu.vector_load %arg13[%parallel_loop3A_322] {strides = array<i32>} : memref<384xf32, #tpu.memory_space<vmem>>, vector<16xf32>,
          %parallel_loop3A_324 = arith.subf %parallel_loop3A_317, %parallel_loop3A_323 : vector<16xf32>
          %parallel_loop3A_325 = arith.index_cast %parallel_loop3A_242 : i32 to index
          %parallel_loop3A_326 = arith.constant 64 : index
          %parallel_loop3A_327 = tpu.vector_load %arg18[%parallel_loop3A_325, %parallel_loop3A_326] {strides = array<i32>} : memref<64x128xf32, #tpu.memory_space<vmem>>, vector<16xf32>,
          tpu.vector_store %arg18[%parallel_loop3A_325, %parallel_loop3A_326], %parallel_loop3A_324 {strides = array<i32>} : memref<64x128xf32, #tpu.memory_space<vmem>>, vector<16xf32>,
          %parallel_loop3A_328 = arith.constant 128 : i32
          %parallel_loop3A_329 = arith.muli %parallel_loop3A_242, %parallel_loop3A_328 : i32
          %parallel_loop3A_330 = arith.constant 80 : i32
          %parallel_loop3A_331 = arith.addi %parallel_loop3A_329, %parallel_loop3A_330 : i32
          %parallel_loop3A_332 = arith.index_cast %parallel_loop3A_331 : i32 to index
          %parallel_loop3A_333 = tpu.vector_load %arg16[%parallel_loop3A_332] {strides = array<i32>} : memref<8192xi32, #tpu.memory_space<vmem>>, vector<16xi32>,
          %parallel_loop3A_334 = tpu.vector_load_idx %arg10[%parallel_loop3A_333] : memref<16384xf32, #tpu.memory_space<vmem>>[vector<16xi32>], vector<16xf32>,
          %parallel_loop3A_335 = arith.constant 128 : i32
          %parallel_loop3A_336 = arith.muli %add3A_194, %parallel_loop3A_335 : i32
          %parallel_loop3A_337 = arith.constant 80 : i32
          %parallel_loop3A_338 = arith.addi %parallel_loop3A_336, %parallel_loop3A_337 : i32
          %parallel_loop3A_339 = arith.index_cast %parallel_loop3A_338 : i32 to index
          %parallel_loop3A_340 = tpu.vector_load %arg13[%parallel_loop3A_339] {strides = array<i32>} : memref<384xf32, #tpu.memory_space<vmem>>, vector<16xf32>,
          %parallel_loop3A_341 = arith.subf %parallel_loop3A_334, %parallel_loop3A_340 : vector<16xf32>
          %parallel_loop3A_342 = arith.index_cast %parallel_loop3A_242 : i32 to index
          %parallel_loop3A_343 = arith.constant 80 : index
          %parallel_loop3A_344 = tpu.vector_load %arg18[%parallel_loop3A_342, %parallel_loop3A_343] {strides = array<i32>} : memref<64x128xf32, #tpu.memory_space<vmem>>, vector<16xf32>,
          tpu.vector_store %arg18[%parallel_loop3A_342, %parallel_loop3A_343], %parallel_loop3A_341 {strides = array<i32>} : memref<64x128xf32, #tpu.memory_space<vmem>>, vector<16xf32>,
          %parallel_loop3A_345 = arith.constant 128 : i32
          %parallel_loop3A_346 = arith.muli %parallel_loop3A_242, %parallel_loop3A_345 : i32
          %parallel_loop3A_347 = arith.constant 96 : i32
          %parallel_loop3A_348 = arith.addi %parallel_loop3A_346, %parallel_loop3A_347 : i32
          %parallel_loop3A_349 = arith.index_cast %parallel_loop3A_348 : i32 to index
          %parallel_loop3A_350 = tpu.vector_load %arg16[%parallel_loop3A_349] {strides = array<i32>} : memref<8192xi32, #tpu.memory_space<vmem>>, vector<16xi32>,
          %parallel_loop3A_351 = tpu.vector_load_idx %arg10[%parallel_loop3A_350] : memref<16384xf32, #tpu.memory_space<vmem>>[vector<16xi32>], vector<16xf32>,
          %parallel_loop3A_352 = arith.constant 128 : i32
          %parallel_loop3A_353 = arith.muli %add3A_194, %parallel_loop3A_352 : i32
          %parallel_loop3A_354 = arith.constant 96 : i32
          %parallel_loop3A_355 = arith.addi %parallel_loop3A_353, %parallel_loop3A_354 : i32
          %parallel_loop3A_356 = arith.index_cast %parallel_loop3A_355 : i32 to index
          %parallel_loop3A_357 = tpu.vector_load %arg13[%parallel_loop3A_356] {strides = array<i32>} : memref<384xf32, #tpu.memory_space<vmem>>, vector<16xf32>,
          %parallel_loop3A_358 = arith.subf %parallel_loop3A_351, %parallel_loop3A_357 : vector<16xf32>
          %parallel_loop3A_359 = arith.index_cast %parallel_loop3A_242 : i32 to index
          %parallel_loop3A_360 = arith.constant 96 : index
          %parallel_loop3A_361 = tpu.vector_load %arg18[%parallel_loop3A_359, %parallel_loop3A_360] {strides = array<i32>} : memref<64x128xf32, #tpu.memory_space<vmem>>, vector<16xf32>,
          tpu.vector_store %arg18[%parallel_loop3A_359, %parallel_loop3A_360], %parallel_loop3A_358 {strides = array<i32>} : memref<64x128xf32, #tpu.memory_space<vmem>>, vector<16xf32>,
          %parallel_loop3A_362 = arith.constant 128 : i32
          %parallel_loop3A_363 = arith.muli %parallel_loop3A_242, %parallel_loop3A_362 : i32
          %parallel_loop3A_364 = arith.constant 112 : i32
          %parallel_loop3A_365 = arith.addi %parallel_loop3A_363, %parallel_loop3A_364 : i32
          %parallel_loop3A_366 = arith.index_cast %parallel_loop3A_365 : i32 to index
          %parallel_loop3A_367 = tpu.vector_load %arg16[%parallel_loop3A_366] {strides = array<i32>} : memref<8192xi32, #tpu.memory_space<vmem>>, vector<16xi32>,
          %parallel_loop3A_368 = tpu.vector_load_idx %arg10[%parallel_loop3A_367] : memref<16384xf32, #tpu.memory_space<vmem>>[vector<16xi32>], vector<16xf32>,
          %parallel_loop3A_369 = arith.constant 128 : i32
          %parallel_loop3A_370 = arith.muli %add3A_194, %parallel_loop3A_369 : i32
          %parallel_loop3A_371 = arith.constant 112 : i32
          %parallel_loop3A_372 = arith.addi %parallel_loop3A_370, %parallel_loop3A_371 : i32
          %parallel_loop3A_373 = arith.index_cast %parallel_loop3A_372 : i32 to index
          %parallel_loop3A_374 = tpu.vector_load %arg13[%parallel_loop3A_373] {strides = array<i32>} : memref<384xf32, #tpu.memory_space<vmem>>, vector<16xf32>,
          %parallel_loop3A_375 = arith.subf %parallel_loop3A_368, %parallel_loop3A_374 : vector<16xf32>
          %parallel_loop3A_376 = arith.index_cast %parallel_loop3A_242 : i32 to index
          %parallel_loop3A_377 = arith.constant 112 : index
          %parallel_loop3A_378 = tpu.vector_load %arg18[%parallel_loop3A_376, %parallel_loop3A_377] {strides = array<i32>} : memref<64x128xf32, #tpu.memory_space<vmem>>, vector<16xf32>,
          tpu.vector_store %arg18[%parallel_loop3A_376, %parallel_loop3A_377], %parallel_loop3A_375 {strides = array<i32>} : memref<64x128xf32, #tpu.memory_space<vmem>>, vector<16xf32>,
        } {sc.loop_unroll_factor = 2 : i64, sc.parallel_access}
      } else {
      }
      %ge3A_212 = arith.constant 3 : i32
      %ge3A_213 = arith.cmpi sge, %add3A_194, %ge3A_212 : i32
      %convert_element_type3A_214 = arith.extui %ge3A_213 : i1 to i32
      %cond3A_215 = arith.constant 0 : i32
      %cond3A_216 = arith.cmpi ne, %convert_element_type3A_214, %cond3A_215 : i32
      scf.if %cond3A_216 {
        %parallel_loop3A_239 = arith.constant 0 : i32
        %parallel_loop3A_240 = arith.constant 64 : i32
        %parallel_loop3A_241 = arith.constant 1 : i32
        scf.for %parallel_loop3A_242 = %parallel_loop3A_239 to %parallel_loop3A_240 step %parallel_loop3A_241  : i32 {
          %parallel_loop3A_243 = arith.constant 128 : i32
          %parallel_loop3A_244 = arith.muli %parallel_loop3A_242, %parallel_loop3A_243 : i32
          %parallel_loop3A_245 = arith.constant 0 : i32
          %parallel_loop3A_246 = arith.addi %parallel_loop3A_244, %parallel_loop3A_245 : i32
          %parallel_loop3A_247 = arith.index_cast %parallel_loop3A_246 : i32 to index
          %parallel_loop3A_248 = tpu.vector_load %arg16[%parallel_loop3A_247] {strides = array<i32>} : memref<8192xi32, #tpu.memory_space<vmem>>, vector<16xi32>,
          %parallel_loop3A_249 = tpu.vector_load_idx %arg10[%parallel_loop3A_248] : memref<16384xf32, #tpu.memory_space<vmem>>[vector<16xi32>], vector<16xf32>,
          %parallel_loop3A_250 = arith.index_cast %parallel_loop3A_242 : i32 to index
          %parallel_loop3A_251 = arith.constant 0 : index
          %parallel_loop3A_252 = tpu.vector_load %arg18[%parallel_loop3A_250, %parallel_loop3A_251] {strides = array<i32>} : memref<64x128xf32, #tpu.memory_space<vmem>>, vector<16xf32>,
          tpu.vector_store %arg18[%parallel_loop3A_250, %parallel_loop3A_251], %parallel_loop3A_249 {strides = array<i32>} : memref<64x128xf32, #tpu.memory_space<vmem>>, vector<16xf32>,
          %parallel_loop3A_253 = arith.constant 128 : i32
          %parallel_loop3A_254 = arith.muli %parallel_loop3A_242, %parallel_loop3A_253 : i32
          %parallel_loop3A_255 = arith.constant 16 : i32
          %parallel_loop3A_256 = arith.addi %parallel_loop3A_254, %parallel_loop3A_255 : i32
          %parallel_loop3A_257 = arith.index_cast %parallel_loop3A_256 : i32 to index
          %parallel_loop3A_258 = tpu.vector_load %arg16[%parallel_loop3A_257] {strides = array<i32>} : memref<8192xi32, #tpu.memory_space<vmem>>, vector<16xi32>,
          %parallel_loop3A_259 = tpu.vector_load_idx %arg10[%parallel_loop3A_258] : memref<16384xf32, #tpu.memory_space<vmem>>[vector<16xi32>], vector<16xf32>,
          %parallel_loop3A_260 = arith.index_cast %parallel_loop3A_242 : i32 to index
          %parallel_loop3A_261 = arith.constant 16 : index
          %parallel_loop3A_262 = tpu.vector_load %arg18[%parallel_loop3A_260, %parallel_loop3A_261] {strides = array<i32>} : memref<64x128xf32, #tpu.memory_space<vmem>>, vector<16xf32>,
          tpu.vector_store %arg18[%parallel_loop3A_260, %parallel_loop3A_261], %parallel_loop3A_259 {strides = array<i32>} : memref<64x128xf32, #tpu.memory_space<vmem>>, vector<16xf32>,
          %parallel_loop3A_263 = arith.constant 128 : i32
          %parallel_loop3A_264 = arith.muli %parallel_loop3A_242, %parallel_loop3A_263 : i32
          %parallel_loop3A_265 = arith.constant 32 : i32
          %parallel_loop3A_266 = arith.addi %parallel_loop3A_264, %parallel_loop3A_265 : i32
          %parallel_loop3A_267 = arith.index_cast %parallel_loop3A_266 : i32 to index
          %parallel_loop3A_268 = tpu.vector_load %arg16[%parallel_loop3A_267] {strides = array<i32>} : memref<8192xi32, #tpu.memory_space<vmem>>, vector<16xi32>,
          %parallel_loop3A_269 = tpu.vector_load_idx %arg10[%parallel_loop3A_268] : memref<16384xf32, #tpu.memory_space<vmem>>[vector<16xi32>], vector<16xf32>,
          %parallel_loop3A_270 = arith.index_cast %parallel_loop3A_242 : i32 to index
          %parallel_loop3A_271 = arith.constant 32 : index
          %parallel_loop3A_272 = tpu.vector_load %arg18[%parallel_loop3A_270, %parallel_loop3A_271] {strides = array<i32>} : memref<64x128xf32, #tpu.memory_space<vmem>>, vector<16xf32>,
          tpu.vector_store %arg18[%parallel_loop3A_270, %parallel_loop3A_271], %parallel_loop3A_269 {strides = array<i32>} : memref<64x128xf32, #tpu.memory_space<vmem>>, vector<16xf32>,
          %parallel_loop3A_273 = arith.constant 128 : i32
          %parallel_loop3A_274 = arith.muli %parallel_loop3A_242, %parallel_loop3A_273 : i32
          %parallel_loop3A_275 = arith.constant 48 : i32
          %parallel_loop3A_276 = arith.addi %parallel_loop3A_274, %parallel_loop3A_275 : i32
          %parallel_loop3A_277 = arith.index_cast %parallel_loop3A_276 : i32 to index
          %parallel_loop3A_278 = tpu.vector_load %arg16[%parallel_loop3A_277] {strides = array<i32>} : memref<8192xi32, #tpu.memory_space<vmem>>, vector<16xi32>,
          %parallel_loop3A_279 = tpu.vector_load_idx %arg10[%parallel_loop3A_278] : memref<16384xf32, #tpu.memory_space<vmem>>[vector<16xi32>], vector<16xf32>,
          %parallel_loop3A_280 = arith.index_cast %parallel_loop3A_242 : i32 to index
          %parallel_loop3A_281 = arith.constant 48 : index
          %parallel_loop3A_282 = tpu.vector_load %arg18[%parallel_loop3A_280, %parallel_loop3A_281] {strides = array<i32>} : memref<64x128xf32, #tpu.memory_space<vmem>>, vector<16xf32>,
          tpu.vector_store %arg18[%parallel_loop3A_280, %parallel_loop3A_281], %parallel_loop3A_279 {strides = array<i32>} : memref<64x128xf32, #tpu.memory_space<vmem>>, vector<16xf32>,
          %parallel_loop3A_283 = arith.constant 128 : i32
          %parallel_loop3A_284 = arith.muli %parallel_loop3A_242, %parallel_loop3A_283 : i32
          %parallel_loop3A_285 = arith.constant 64 : i32
          %parallel_loop3A_286 = arith.addi %parallel_loop3A_284, %parallel_loop3A_285 : i32
          %parallel_loop3A_287 = arith.index_cast %parallel_loop3A_286 : i32 to index
          %parallel_loop3A_288 = tpu.vector_load %arg16[%parallel_loop3A_287] {strides = array<i32>} : memref<8192xi32, #tpu.memory_space<vmem>>, vector<16xi32>,
          %parallel_loop3A_289 = tpu.vector_load_idx %arg10[%parallel_loop3A_288] : memref<16384xf32, #tpu.memory_space<vmem>>[vector<16xi32>], vector<16xf32>,
          %parallel_loop3A_290 = arith.index_cast %parallel_loop3A_242 : i32 to index
          %parallel_loop3A_291 = arith.constant 64 : index
          %parallel_loop3A_292 = tpu.vector_load %arg18[%parallel_loop3A_290, %parallel_loop3A_291] {strides = array<i32>} : memref<64x128xf32, #tpu.memory_space<vmem>>, vector<16xf32>,
          tpu.vector_store %arg18[%parallel_loop3A_290, %parallel_loop3A_291], %parallel_loop3A_289 {strides = array<i32>} : memref<64x128xf32, #tpu.memory_space<vmem>>, vector<16xf32>,
          %parallel_loop3A_293 = arith.constant 128 : i32
          %parallel_loop3A_294 = arith.muli %parallel_loop3A_242, %parallel_loop3A_293 : i32
          %parallel_loop3A_295 = arith.constant 80 : i32
          %parallel_loop3A_296 = arith.addi %parallel_loop3A_294, %parallel_loop3A_295 : i32
          %parallel_loop3A_297 = arith.index_cast %parallel_loop3A_296 : i32 to index
          %parallel_loop3A_298 = tpu.vector_load %arg16[%parallel_loop3A_297] {strides = array<i32>} : memref<8192xi32, #tpu.memory_space<vmem>>, vector<16xi32>,
          %parallel_loop3A_299 = tpu.vector_load_idx %arg10[%parallel_loop3A_298] : memref<16384xf32, #tpu.memory_space<vmem>>[vector<16xi32>], vector<16xf32>,
          %parallel_loop3A_300 = arith.index_cast %parallel_loop3A_242 : i32 to index
          %parallel_loop3A_301 = arith.constant 80 : index
          %parallel_loop3A_302 = tpu.vector_load %arg18[%parallel_loop3A_300, %parallel_loop3A_301] {strides = array<i32>} : memref<64x128xf32, #tpu.memory_space<vmem>>, vector<16xf32>,
          tpu.vector_store %arg18[%parallel_loop3A_300, %parallel_loop3A_301], %parallel_loop3A_299 {strides = array<i32>} : memref<64x128xf32, #tpu.memory_space<vmem>>, vector<16xf32>,
          %parallel_loop3A_303 = arith.constant 128 : i32
          %parallel_loop3A_304 = arith.muli %parallel_loop3A_242, %parallel_loop3A_303 : i32
          %parallel_loop3A_305 = arith.constant 96 : i32
          %parallel_loop3A_306 = arith.addi %parallel_loop3A_304, %parallel_loop3A_305 : i32
          %parallel_loop3A_307 = arith.index_cast %parallel_loop3A_306 : i32 to index
          %parallel_loop3A_308 = tpu.vector_load %arg16[%parallel_loop3A_307] {strides = array<i32>} : memref<8192xi32, #tpu.memory_space<vmem>>, vector<16xi32>,
          %parallel_loop3A_309 = tpu.vector_load_idx %arg10[%parallel_loop3A_308] : memref<16384xf32, #tpu.memory_space<vmem>>[vector<16xi32>], vector<16xf32>,
          %parallel_loop3A_310 = arith.index_cast %parallel_loop3A_242 : i32 to index
          %parallel_loop3A_311 = arith.constant 96 : index
          %parallel_loop3A_312 = tpu.vector_load %arg18[%parallel_loop3A_310, %parallel_loop3A_311] {strides = array<i32>} : memref<64x128xf32, #tpu.memory_space<vmem>>, vector<16xf32>,
          tpu.vector_store %arg18[%parallel_loop3A_310, %parallel_loop3A_311], %parallel_loop3A_309 {strides = array<i32>} : memref<64x128xf32, #tpu.memory_space<vmem>>, vector<16xf32>,
          %parallel_loop3A_313 = arith.constant 128 : i32
          %parallel_loop3A_314 = arith.muli %parallel_loop3A_242, %parallel_loop3A_313 : i32
          %parallel_loop3A_315 = arith.constant 112 : i32
          %parallel_loop3A_316 = arith.addi %parallel_loop3A_314, %parallel_loop3A_315 : i32
          %parallel_loop3A_317 = arith.index_cast %parallel_loop3A_316 : i32 to index
          %parallel_loop3A_318 = tpu.vector_load %arg16[%parallel_loop3A_317] {strides = array<i32>} : memref<8192xi32, #tpu.memory_space<vmem>>, vector<16xi32>,
          %parallel_loop3A_319 = tpu.vector_load_idx %arg10[%parallel_loop3A_318] : memref<16384xf32, #tpu.memory_space<vmem>>[vector<16xi32>], vector<16xf32>,
          %parallel_loop3A_320 = arith.index_cast %parallel_loop3A_242 : i32 to index
          %parallel_loop3A_321 = arith.constant 112 : index
          %parallel_loop3A_322 = tpu.vector_load %arg18[%parallel_loop3A_320, %parallel_loop3A_321] {strides = array<i32>} : memref<64x128xf32, #tpu.memory_space<vmem>>, vector<16xf32>,
          tpu.vector_store %arg18[%parallel_loop3A_320, %parallel_loop3A_321], %parallel_loop3A_319 {strides = array<i32>} : memref<64x128xf32, #tpu.memory_space<vmem>>, vector<16xf32>,
        } {sc.loop_unroll_factor = 2 : i64, sc.parallel_access}
      } else {
      }
      %add3A_217 = arith.constant 2 : i32
      %add3A_218 = arith.addi %add3A_194, %add3A_217 : i32
      %lt3A_219 = arith.constant 3 : i32
      %lt3A_220 = arith.cmpi slt, %add3A_218, %lt3A_219 : i32
      %convert_element_type3A_221 = arith.extui %lt3A_220 : i1 to i32
      %cond3A_222 = arith.constant 0 : i32
      %cond3A_223 = arith.cmpi ne, %convert_element_type3A_221, %cond3A_222 : i32
      scf.if %cond3A_223 {
        %mul3A_239 = arith.constant 3 : i32
        %mul3A_240 = arith.muli %mul3A_239, %select_n3A : i32
        %add3A_241 = arith.addi %mul3A_240, %add3A_218 : i32
        %dma_start3A_242 = arith.constant 0 : i32
        %dma_start3A_243 = tpu.memref_slice %arg2[%add3A_241, %dma_start3A_242] : memref<12x16384xf32, #tpu.memory_space<hbm>> -> memref<1x16384xf32, #tpu.memory_space<hbm>>
        %dma_start3A_244 = tpu.memref_squeeze %dma_start3A_243 : memref<1x16384xf32, #tpu.memory_space<hbm>> -> memref<16384xf32, #tpu.memory_space<hbm>>
        %dma_start3A_245 = arith.constant 0 : i32
        %dma_start3A_246 = tpu.memref_slice %arg2[%add3A_241, %dma_start3A_245] : memref<12x16384xf32, #tpu.memory_space<hbm>> -> memref<1x16384xf32, #tpu.memory_space<hbm>>
        %dma_start3A_247 = tpu.memref_squeeze %dma_start3A_246 : memref<1x16384xf32, #tpu.memory_space<hbm>> -> memref<16384xf32, #tpu.memory_space<hbm>>
        tpu.enqueue_dma source(%dma_start3A_247 : memref<16384xf32, #tpu.memory_space<hbm>>) target(%arg10 : memref<16384xf32, #tpu.memory_space<vmem>>) target_semaphore(%arg20 : memref<!tpu.dma_semaphore, #tpu.memory_space<semaphore_mem>>)
      } else {
      }
      %ge3A_224 = arith.constant 3 : i32
      %ge3A_225 = arith.cmpi sge, %add3A_218, %ge3A_224 : i32
      %lt3A_226 = arith.constant 131 : i32
      %lt3A_227 = arith.cmpi slt, %add3A_218, %lt3A_226 : i32
      %and3A_228 = arith.andi %ge3A_225, %lt3A_227 : i1
      %convert_element_type3A_229 = arith.extui %and3A_228 : i1 to i32
      %cond3A_230 = arith.constant 0 : i32
      %cond3A_231 = arith.cmpi ne, %convert_element_type3A_229, %cond3A_230 : i32
      scf.if %cond3A_231 {
        %sub3A_239 = arith.constant 3 : i32
        %sub3A_240 = arith.subi %add3A_218, %sub3A_239 : i32
        %dma_start3A_241 = arith.constant 0 : i32
        %dma_start3A_242 = tpu.memref_slice %arg6[%select_n3A, %sub3A_240, %dma_start3A_241] : memref<4x128x16384xf32, #tpu.memory_space<hbm>> -> memref<1x1x16384xf32, #tpu.memory_space<hbm>>
        %dma_start3A_243 = tpu.memref_squeeze %dma_start3A_242 : memref<1x1x16384xf32, #tpu.memory_space<hbm>> -> memref<16384xf32, #tpu.memory_space<hbm>>
        %dma_start3A_244 = arith.constant 0 : i32
        %dma_start3A_245 = tpu.memref_slice %arg6[%select_n3A, %sub3A_240, %dma_start3A_244] : memref<4x128x16384xf32, #tpu.memory_space<hbm>> -> memref<1x1x16384xf32, #tpu.memory_space<hbm>>
        %dma_start3A_246 = tpu.memref_squeeze %dma_start3A_245 : memref<1x1x16384xf32, #tpu.memory_space<hbm>> -> memref<16384xf32, #tpu.memory_space<hbm>>
        tpu.enqueue_dma source(%dma_start3A_246 : memref<16384xf32, #tpu.memory_space<hbm>>) target(%arg10 : memref<16384xf32, #tpu.memory_space<vmem>>) target_semaphore(%arg20 : memref<!tpu.dma_semaphore, #tpu.memory_space<semaphore_mem>>)
      } else {
      }
      %dma_start3A_232 = arith.constant 0 : i32
      %dma_start3A_233 = tpu.memref_slice %arg8[%select_n3A, %add3A_194, %dma_start3A_232, %mul3A_33] : memref<4x131x64x1024xf32, #tpu.memory_space<hbm>> -> memref<1x1x64x128xf32, #tpu.memory_space<hbm>>
      %dma_start3A_234 = tpu.memref_squeeze %dma_start3A_233 : memref<1x1x64x128xf32, #tpu.memory_space<hbm>> -> memref<64x128xf32, #tpu.memory_space<hbm>>
      %dma_start3A_235 = arith.constant 0 : i32
      %dma_start3A_236 = tpu.memref_slice %arg8[%select_n3A, %add3A_194, %dma_start3A_235, %mul3A_33] : memref<4x131x64x1024xf32, #tpu.memory_space<hbm>> -> memref<1x1x64x128xf32, #tpu.memory_space<hbm>>
      %dma_start3A_237 = tpu.memref_squeeze %dma_start3A_236 : memref<1x1x64x128xf32, #tpu.memory_space<hbm>> -> memref<64x128xf32, #tpu.memory_space<hbm>>
      tpu.enqueue_dma source(%arg18 : memref<64x128xf32, #tpu.memory_space<vmem>>) target(%dma_start3A_237 : memref<64x128xf32, #tpu.memory_space<hbm>>) target_semaphore(%arg22 : memref<!tpu.dma_semaphore, #tpu.memory_space<semaphore_mem>>)
      %scan3A_238 = arith.constant 0 : i32
      scf.yield %scan3A_238 : i32
    }
    %scan3A_94 = arith.constant 65 : i32
    %dma_wait3A = arith.constant 0 : i32
    %dma_wait3A_95 = arith.constant 0 : i32
    %dma_wait3A_96 = tpu.memref_slice %arg6[%select_n3A, %dma_wait3A, %dma_wait3A_95] : memref<4x128x16384xf32, #tpu.memory_space<hbm>> -> memref<1x1x16384xf32, #tpu.memory_space<hbm>>
    %dma_wait3A_97 = tpu.memref_squeeze %dma_wait3A_96 : memref<1x1x16384xf32, #tpu.memory_space<hbm>> -> memref<16384xf32, #tpu.memory_space<hbm>>
    %dma_wait3A_98 = arith.constant 0 : i32
    %dma_wait3A_99 = tpu.memref_slice %arg6[%select_n3A, %dma_wait3A, %dma_wait3A_98] : memref<4x128x16384xf32, #tpu.memory_space<hbm>> -> memref<1x1x16384xf32, #tpu.memory_space<hbm>>
    %dma_wait3A_100 = tpu.memref_squeeze %dma_wait3A_99 : memref<1x1x16384xf32, #tpu.memory_space<hbm>> -> memref<16384xf32, #tpu.memory_space<hbm>>
    tpu.wait_dma2 semaphore(%arg19 : memref<!tpu.dma_semaphore, #tpu.memory_space<semaphore_mem>>) src(%dma_wait3A_100 : memref<16384xf32, #tpu.memory_space<hbm>>) dst(%arg9 : memref<16384xf32, #tpu.memory_space<vmem>>)
    %sub3A_101 = arith.constant 130 : i32
    %sub3A_102 = arith.constant 2 : i32
    %sub3A_103 = arith.subi %sub3A_101, %sub3A_102 : i32
    %dma_wait3A_104 = arith.constant 0 : i32
    %dma_wait3A_105 = tpu.memref_slice %arg8[%select_n3A, %sub3A_103, %dma_wait3A_104, %mul3A_33] : memref<4x131x64x1024xf32, #tpu.memory_space<hbm>> -> memref<1x1x64x128xf32, #tpu.memory_space<hbm>>
    %dma_wait3A_106 = tpu.memref_squeeze %dma_wait3A_105 : memref<1x1x64x128xf32, #tpu.memory_space<hbm>> -> memref<64x128xf32, #tpu.memory_space<hbm>>
    %dma_wait3A_107 = arith.constant 0 : i32
    %dma_wait3A_108 = tpu.memref_slice %arg8[%select_n3A, %sub3A_103, %dma_wait3A_107, %mul3A_33] : memref<4x131x64x1024xf32, #tpu.memory_space<hbm>> -> memref<1x1x64x128xf32, #tpu.memory_space<hbm>>
    %dma_wait3A_109 = tpu.memref_squeeze %dma_wait3A_108 : memref<1x1x64x128xf32, #tpu.memory_space<hbm>> -> memref<64x128xf32, #tpu.memory_space<hbm>>
    tpu.wait_dma2 semaphore(%arg21 : memref<!tpu.dma_semaphore, #tpu.memory_space<semaphore_mem>>) src(%arg17 : memref<64x128xf32, #tpu.memory_space<vmem>>) dst(%dma_wait3A_109 : memref<64x128xf32, #tpu.memory_space<hbm>>)
    %lt3A_110 = arith.constant 130 : i32
    %lt3A_111 = arith.constant 3 : i32
    %lt3A_112 = arith.cmpi slt, %lt3A_110, %lt3A_111 : i32
    %convert_element_type3A_113 = arith.extui %lt3A_112 : i1 to i32
    %cond3A_114 = arith.constant 130 : i32
    %cond3A_115 = arith.constant 0 : i32
    %cond3A_116 = arith.cmpi ne, %convert_element_type3A_113, %cond3A_115 : i32
    scf.if %cond3A_116 {
      %parallel_loop3A_145 = arith.constant 0 : i32
      %parallel_loop3A_146 = arith.constant 64 : i32
      %parallel_loop3A_147 = arith.constant 1 : i32
      scf.for %parallel_loop3A_148 = %parallel_loop3A_145 to %parallel_loop3A_146 step %parallel_loop3A_147  : i32 {
        %parallel_loop3A_149 = arith.constant 128 : i32
        %parallel_loop3A_150 = arith.muli %parallel_loop3A_148, %parallel_loop3A_149 : i32
        %parallel_loop3A_151 = arith.constant 0 : i32
        %parallel_loop3A_152 = arith.addi %parallel_loop3A_150, %parallel_loop3A_151 : i32
        %parallel_loop3A_153 = arith.index_cast %parallel_loop3A_152 : i32 to index
        %parallel_loop3A_154 = tpu.vector_load %arg16[%parallel_loop3A_153] {strides = array<i32>} : memref<8192xi32, #tpu.memory_space<vmem>>, vector<16xi32>,
        %parallel_loop3A_155 = tpu.vector_load_idx %arg9[%parallel_loop3A_154] : memref<16384xf32, #tpu.memory_space<vmem>>[vector<16xi32>], vector<16xf32>,
        %parallel_loop3A_156 = arith.constant 128 : i32
        %parallel_loop3A_157 = arith.muli %cond3A_114, %parallel_loop3A_156 : i32
        %parallel_loop3A_158 = arith.constant 0 : i32
        %parallel_loop3A_159 = arith.addi %parallel_loop3A_157, %parallel_loop3A_158 : i32
        %parallel_loop3A_160 = arith.index_cast %parallel_loop3A_159 : i32 to index
        %parallel_loop3A_161 = tpu.vector_load %arg13[%parallel_loop3A_160] {strides = array<i32>} : memref<384xf32, #tpu.memory_space<vmem>>, vector<16xf32>,
        %parallel_loop3A_162 = arith.subf %parallel_loop3A_155, %parallel_loop3A_161 : vector<16xf32>
        %parallel_loop3A_163 = arith.index_cast %parallel_loop3A_148 : i32 to index
        %parallel_loop3A_164 = arith.constant 0 : index
        %parallel_loop3A_165 = tpu.vector_load %arg17[%parallel_loop3A_163, %parallel_loop3A_164] {strides = array<i32>} : memref<64x128xf32, #tpu.memory_space<vmem>>, vector<16xf32>,
        tpu.vector_store %arg17[%parallel_loop3A_163, %parallel_loop3A_164], %parallel_loop3A_162 {strides = array<i32>} : memref<64x128xf32, #tpu.memory_space<vmem>>, vector<16xf32>,
        %parallel_loop3A_166 = arith.constant 128 : i32
        %parallel_loop3A_167 = arith.muli %parallel_loop3A_148, %parallel_loop3A_166 : i32
        %parallel_loop3A_168 = arith.constant 16 : i32
        %parallel_loop3A_169 = arith.addi %parallel_loop3A_167, %parallel_loop3A_168 : i32
        %parallel_loop3A_170 = arith.index_cast %parallel_loop3A_169 : i32 to index
        %parallel_loop3A_171 = tpu.vector_load %arg16[%parallel_loop3A_170] {strides = array<i32>} : memref<8192xi32, #tpu.memory_space<vmem>>, vector<16xi32>,
        %parallel_loop3A_172 = tpu.vector_load_idx %arg9[%parallel_loop3A_171] : memref<16384xf32, #tpu.memory_space<vmem>>[vector<16xi32>], vector<16xf32>,
        %parallel_loop3A_173 = arith.constant 128 : i32
        %parallel_loop3A_174 = arith.muli %cond3A_114, %parallel_loop3A_173 : i32
        %parallel_loop3A_175 = arith.constant 16 : i32
        %parallel_loop3A_176 = arith.addi %parallel_loop3A_174, %parallel_loop3A_175 : i32
        %parallel_loop3A_177 = arith.index_cast %parallel_loop3A_176 : i32 to index
        %parallel_loop3A_178 = tpu.vector_load %arg13[%parallel_loop3A_177] {strides = array<i32>} : memref<384xf32, #tpu.memory_space<vmem>>, vector<16xf32>,
        %parallel_loop3A_179 = arith.subf %parallel_loop3A_172, %parallel_loop3A_178 : vector<16xf32>
        %parallel_loop3A_180 = arith.index_cast %parallel_loop3A_148 : i32 to index
        %parallel_loop3A_181 = arith.constant 16 : index
        %parallel_loop3A_182 = tpu.vector_load %arg17[%parallel_loop3A_180, %parallel_loop3A_181] {strides = array<i32>} : memref<64x128xf32, #tpu.memory_space<vmem>>, vector<16xf32>,
        tpu.vector_store %arg17[%parallel_loop3A_180, %parallel_loop3A_181], %parallel_loop3A_179 {strides = array<i32>} : memref<64x128xf32, #tpu.memory_space<vmem>>, vector<16xf32>,
        %parallel_loop3A_183 = arith.constant 128 : i32
        %parallel_loop3A_184 = arith.muli %parallel_loop3A_148, %parallel_loop3A_183 : i32
        %parallel_loop3A_185 = arith.constant 32 : i32
        %parallel_loop3A_186 = arith.addi %parallel_loop3A_184, %parallel_loop3A_185 : i32
        %parallel_loop3A_187 = arith.index_cast %parallel_loop3A_186 : i32 to index
        %parallel_loop3A_188 = tpu.vector_load %arg16[%parallel_loop3A_187] {strides = array<i32>} : memref<8192xi32, #tpu.memory_space<vmem>>, vector<16xi32>,
        %parallel_loop3A_189 = tpu.vector_load_idx %arg9[%parallel_loop3A_188] : memref<16384xf32, #tpu.memory_space<vmem>>[vector<16xi32>], vector<16xf32>,
        %parallel_loop3A_190 = arith.constant 128 : i32
        %parallel_loop3A_191 = arith.muli %cond3A_114, %parallel_loop3A_190 : i32
        %parallel_loop3A_192 = arith.constant 32 : i32
        %parallel_loop3A_193 = arith.addi %parallel_loop3A_191, %parallel_loop3A_192 : i32
        %parallel_loop3A_194 = arith.index_cast %parallel_loop3A_193 : i32 to index
        %parallel_loop3A_195 = tpu.vector_load %arg13[%parallel_loop3A_194] {strides = array<i32>} : memref<384xf32, #tpu.memory_space<vmem>>, vector<16xf32>,
        %parallel_loop3A_196 = arith.subf %parallel_loop3A_189, %parallel_loop3A_195 : vector<16xf32>
        %parallel_loop3A_197 = arith.index_cast %parallel_loop3A_148 : i32 to index
        %parallel_loop3A_198 = arith.constant 32 : index
        %parallel_loop3A_199 = tpu.vector_load %arg17[%parallel_loop3A_197, %parallel_loop3A_198] {strides = array<i32>} : memref<64x128xf32, #tpu.memory_space<vmem>>, vector<16xf32>,
        tpu.vector_store %arg17[%parallel_loop3A_197, %parallel_loop3A_198], %parallel_loop3A_196 {strides = array<i32>} : memref<64x128xf32, #tpu.memory_space<vmem>>, vector<16xf32>,
        %parallel_loop3A_200 = arith.constant 128 : i32
        %parallel_loop3A_201 = arith.muli %parallel_loop3A_148, %parallel_loop3A_200 : i32
        %parallel_loop3A_202 = arith.constant 48 : i32
        %parallel_loop3A_203 = arith.addi %parallel_loop3A_201, %parallel_loop3A_202 : i32
        %parallel_loop3A_204 = arith.index_cast %parallel_loop3A_203 : i32 to index
        %parallel_loop3A_205 = tpu.vector_load %arg16[%parallel_loop3A_204] {strides = array<i32>} : memref<8192xi32, #tpu.memory_space<vmem>>, vector<16xi32>,
        %parallel_loop3A_206 = tpu.vector_load_idx %arg9[%parallel_loop3A_205] : memref<16384xf32, #tpu.memory_space<vmem>>[vector<16xi32>], vector<16xf32>,
        %parallel_loop3A_207 = arith.constant 128 : i32
        %parallel_loop3A_208 = arith.muli %cond3A_114, %parallel_loop3A_207 : i32
        %parallel_loop3A_209 = arith.constant 48 : i32
        %parallel_loop3A_210 = arith.addi %parallel_loop3A_208, %parallel_loop3A_209 : i32
        %parallel_loop3A_211 = arith.index_cast %parallel_loop3A_210 : i32 to index
        %parallel_loop3A_212 = tpu.vector_load %arg13[%parallel_loop3A_211] {strides = array<i32>} : memref<384xf32, #tpu.memory_space<vmem>>, vector<16xf32>,
        %parallel_loop3A_213 = arith.subf %parallel_loop3A_206, %parallel_loop3A_212 : vector<16xf32>
        %parallel_loop3A_214 = arith.index_cast %parallel_loop3A_148 : i32 to index
        %parallel_loop3A_215 = arith.constant 48 : index
        %parallel_loop3A_216 = tpu.vector_load %arg17[%parallel_loop3A_214, %parallel_loop3A_215] {strides = array<i32>} : memref<64x128xf32, #tpu.memory_space<vmem>>, vector<16xf32>,
        tpu.vector_store %arg17[%parallel_loop3A_214, %parallel_loop3A_215], %parallel_loop3A_213 {strides = array<i32>} : memref<64x128xf32, #tpu.memory_space<vmem>>, vector<16xf32>,
        %parallel_loop3A_217 = arith.constant 128 : i32
        %parallel_loop3A_218 = arith.muli %parallel_loop3A_148, %parallel_loop3A_217 : i32
        %parallel_loop3A_219 = arith.constant 64 : i32
        %parallel_loop3A_220 = arith.addi %parallel_loop3A_218, %parallel_loop3A_219 : i32
        %parallel_loop3A_221 = arith.index_cast %parallel_loop3A_220 : i32 to index
        %parallel_loop3A_222 = tpu.vector_load %arg16[%parallel_loop3A_221] {strides = array<i32>} : memref<8192xi32, #tpu.memory_space<vmem>>, vector<16xi32>,
        %parallel_loop3A_223 = tpu.vector_load_idx %arg9[%parallel_loop3A_222] : memref<16384xf32, #tpu.memory_space<vmem>>[vector<16xi32>], vector<16xf32>,
        %parallel_loop3A_224 = arith.constant 128 : i32
        %parallel_loop3A_225 = arith.muli %cond3A_114, %parallel_loop3A_224 : i32
        %parallel_loop3A_226 = arith.constant 64 : i32
        %parallel_loop3A_227 = arith.addi %parallel_loop3A_225, %parallel_loop3A_226 : i32
        %parallel_loop3A_228 = arith.index_cast %parallel_loop3A_227 : i32 to index
        %parallel_loop3A_229 = tpu.vector_load %arg13[%parallel_loop3A_228] {strides = array<i32>} : memref<384xf32, #tpu.memory_space<vmem>>, vector<16xf32>,
        %parallel_loop3A_230 = arith.subf %parallel_loop3A_223, %parallel_loop3A_229 : vector<16xf32>
        %parallel_loop3A_231 = arith.index_cast %parallel_loop3A_148 : i32 to index
        %parallel_loop3A_232 = arith.constant 64 : index
        %parallel_loop3A_233 = tpu.vector_load %arg17[%parallel_loop3A_231, %parallel_loop3A_232] {strides = array<i32>} : memref<64x128xf32, #tpu.memory_space<vmem>>, vector<16xf32>,
        tpu.vector_store %arg17[%parallel_loop3A_231, %parallel_loop3A_232], %parallel_loop3A_230 {strides = array<i32>} : memref<64x128xf32, #tpu.memory_space<vmem>>, vector<16xf32>,
        %parallel_loop3A_234 = arith.constant 128 : i32
        %parallel_loop3A_235 = arith.muli %parallel_loop3A_148, %parallel_loop3A_234 : i32
        %parallel_loop3A_236 = arith.constant 80 : i32
        %parallel_loop3A_237 = arith.addi %parallel_loop3A_235, %parallel_loop3A_236 : i32
        %parallel_loop3A_238 = arith.index_cast %parallel_loop3A_237 : i32 to index
        %parallel_loop3A_239 = tpu.vector_load %arg16[%parallel_loop3A_238] {strides = array<i32>} : memref<8192xi32, #tpu.memory_space<vmem>>, vector<16xi32>,
        %parallel_loop3A_240 = tpu.vector_load_idx %arg9[%parallel_loop3A_239] : memref<16384xf32, #tpu.memory_space<vmem>>[vector<16xi32>], vector<16xf32>,
        %parallel_loop3A_241 = arith.constant 128 : i32
        %parallel_loop3A_242 = arith.muli %cond3A_114, %parallel_loop3A_241 : i32
        %parallel_loop3A_243 = arith.constant 80 : i32
        %parallel_loop3A_244 = arith.addi %parallel_loop3A_242, %parallel_loop3A_243 : i32
        %parallel_loop3A_245 = arith.index_cast %parallel_loop3A_244 : i32 to index
        %parallel_loop3A_246 = tpu.vector_load %arg13[%parallel_loop3A_245] {strides = array<i32>} : memref<384xf32, #tpu.memory_space<vmem>>, vector<16xf32>,
        %parallel_loop3A_247 = arith.subf %parallel_loop3A_240, %parallel_loop3A_246 : vector<16xf32>
        %parallel_loop3A_248 = arith.index_cast %parallel_loop3A_148 : i32 to index
        %parallel_loop3A_249 = arith.constant 80 : index
        %parallel_loop3A_250 = tpu.vector_load %arg17[%parallel_loop3A_248, %parallel_loop3A_249] {strides = array<i32>} : memref<64x128xf32, #tpu.memory_space<vmem>>, vector<16xf32>,
        tpu.vector_store %arg17[%parallel_loop3A_248, %parallel_loop3A_249], %parallel_loop3A_247 {strides = array<i32>} : memref<64x128xf32, #tpu.memory_space<vmem>>, vector<16xf32>,
        %parallel_loop3A_251 = arith.constant 128 : i32
        %parallel_loop3A_252 = arith.muli %parallel_loop3A_148, %parallel_loop3A_251 : i32
        %parallel_loop3A_253 = arith.constant 96 : i32
        %parallel_loop3A_254 = arith.addi %parallel_loop3A_252, %parallel_loop3A_253 : i32
        %parallel_loop3A_255 = arith.index_cast %parallel_loop3A_254 : i32 to index
        %parallel_loop3A_256 = tpu.vector_load %arg16[%parallel_loop3A_255] {strides = array<i32>} : memref<8192xi32, #tpu.memory_space<vmem>>, vector<16xi32>,
        %parallel_loop3A_257 = tpu.vector_load_idx %arg9[%parallel_loop3A_256] : memref<16384xf32, #tpu.memory_space<vmem>>[vector<16xi32>], vector<16xf32>,
        %parallel_loop3A_258 = arith.constant 128 : i32
        %parallel_loop3A_259 = arith.muli %cond3A_114, %parallel_loop3A_258 : i32
        %parallel_loop3A_260 = arith.constant 96 : i32
        %parallel_loop3A_261 = arith.addi %parallel_loop3A_259, %parallel_loop3A_260 : i32
        %parallel_loop3A_262 = arith.index_cast %parallel_loop3A_261 : i32 to index
        %parallel_loop3A_263 = tpu.vector_load %arg13[%parallel_loop3A_262] {strides = array<i32>} : memref<384xf32, #tpu.memory_space<vmem>>, vector<16xf32>,
        %parallel_loop3A_264 = arith.subf %parallel_loop3A_257, %parallel_loop3A_263 : vector<16xf32>
        %parallel_loop3A_265 = arith.index_cast %parallel_loop3A_148 : i32 to index
        %parallel_loop3A_266 = arith.constant 96 : index
        %parallel_loop3A_267 = tpu.vector_load %arg17[%parallel_loop3A_265, %parallel_loop3A_266] {strides = array<i32>} : memref<64x128xf32, #tpu.memory_space<vmem>>, vector<16xf32>,
        tpu.vector_store %arg17[%parallel_loop3A_265, %parallel_loop3A_266], %parallel_loop3A_264 {strides = array<i32>} : memref<64x128xf32, #tpu.memory_space<vmem>>, vector<16xf32>,
        %parallel_loop3A_268 = arith.constant 128 : i32
        %parallel_loop3A_269 = arith.muli %parallel_loop3A_148, %parallel_loop3A_268 : i32
        %parallel_loop3A_270 = arith.constant 112 : i32
        %parallel_loop3A_271 = arith.addi %parallel_loop3A_269, %parallel_loop3A_270 : i32
        %parallel_loop3A_272 = arith.index_cast %parallel_loop3A_271 : i32 to index
        %parallel_loop3A_273 = tpu.vector_load %arg16[%parallel_loop3A_272] {strides = array<i32>} : memref<8192xi32, #tpu.memory_space<vmem>>, vector<16xi32>,
        %parallel_loop3A_274 = tpu.vector_load_idx %arg9[%parallel_loop3A_273] : memref<16384xf32, #tpu.memory_space<vmem>>[vector<16xi32>], vector<16xf32>,
        %parallel_loop3A_275 = arith.constant 128 : i32
        %parallel_loop3A_276 = arith.muli %cond3A_114, %parallel_loop3A_275 : i32
        %parallel_loop3A_277 = arith.constant 112 : i32
        %parallel_loop3A_278 = arith.addi %parallel_loop3A_276, %parallel_loop3A_277 : i32
        %parallel_loop3A_279 = arith.index_cast %parallel_loop3A_278 : i32 to index
        %parallel_loop3A_280 = tpu.vector_load %arg13[%parallel_loop3A_279] {strides = array<i32>} : memref<384xf32, #tpu.memory_space<vmem>>, vector<16xf32>,
        %parallel_loop3A_281 = arith.subf %parallel_loop3A_274, %parallel_loop3A_280 : vector<16xf32>
        %parallel_loop3A_282 = arith.index_cast %parallel_loop3A_148 : i32 to index
        %parallel_loop3A_283 = arith.constant 112 : index
        %parallel_loop3A_284 = tpu.vector_load %arg17[%parallel_loop3A_282, %parallel_loop3A_283] {strides = array<i32>} : memref<64x128xf32, #tpu.memory_space<vmem>>, vector<16xf32>,
        tpu.vector_store %arg17[%parallel_loop3A_282, %parallel_loop3A_283], %parallel_loop3A_281 {strides = array<i32>} : memref<64x128xf32, #tpu.memory_space<vmem>>, vector<16xf32>,
      } {sc.loop_unroll_factor = 2 : i64, sc.parallel_access}
    } else {
    }
    %ge3A_117 = arith.constant 130 : i32
    %ge3A_118 = arith.constant 3 : i32
    %ge3A_119 = arith.cmpi sge, %ge3A_117, %ge3A_118 : i32
    %convert_element_type3A_120 = arith.extui %ge3A_119 : i1 to i32
    %cond3A_121 = arith.constant 0 : i32
    %cond3A_122 = arith.cmpi ne, %convert_element_type3A_120, %cond3A_121 : i32
    scf.if %cond3A_122 {
      %parallel_loop3A_145 = arith.constant 0 : i32
      %parallel_loop3A_146 = arith.constant 64 : i32
      %parallel_loop3A_147 = arith.constant 1 : i32
      scf.for %parallel_loop3A_148 = %parallel_loop3A_145 to %parallel_loop3A_146 step %parallel_loop3A_147  : i32 {
        %parallel_loop3A_149 = arith.constant 128 : i32
        %parallel_loop3A_150 = arith.muli %parallel_loop3A_148, %parallel_loop3A_149 : i32
        %parallel_loop3A_151 = arith.constant 0 : i32
        %parallel_loop3A_152 = arith.addi %parallel_loop3A_150, %parallel_loop3A_151 : i32
        %parallel_loop3A_153 = arith.index_cast %parallel_loop3A_152 : i32 to index
        %parallel_loop3A_154 = tpu.vector_load %arg16[%parallel_loop3A_153] {strides = array<i32>} : memref<8192xi32, #tpu.memory_space<vmem>>, vector<16xi32>,
        %parallel_loop3A_155 = tpu.vector_load_idx %arg9[%parallel_loop3A_154] : memref<16384xf32, #tpu.memory_space<vmem>>[vector<16xi32>], vector<16xf32>,
        %parallel_loop3A_156 = arith.index_cast %parallel_loop3A_148 : i32 to index
        %parallel_loop3A_157 = arith.constant 0 : index
        %parallel_loop3A_158 = tpu.vector_load %arg17[%parallel_loop3A_156, %parallel_loop3A_157] {strides = array<i32>} : memref<64x128xf32, #tpu.memory_space<vmem>>, vector<16xf32>,
        tpu.vector_store %arg17[%parallel_loop3A_156, %parallel_loop3A_157], %parallel_loop3A_155 {strides = array<i32>} : memref<64x128xf32, #tpu.memory_space<vmem>>, vector<16xf32>,
        %parallel_loop3A_159 = arith.constant 128 : i32
        %parallel_loop3A_160 = arith.muli %parallel_loop3A_148, %parallel_loop3A_159 : i32
        %parallel_loop3A_161 = arith.constant 16 : i32
        %parallel_loop3A_162 = arith.addi %parallel_loop3A_160, %parallel_loop3A_161 : i32
        %parallel_loop3A_163 = arith.index_cast %parallel_loop3A_162 : i32 to index
        %parallel_loop3A_164 = tpu.vector_load %arg16[%parallel_loop3A_163] {strides = array<i32>} : memref<8192xi32, #tpu.memory_space<vmem>>, vector<16xi32>,
        %parallel_loop3A_165 = tpu.vector_load_idx %arg9[%parallel_loop3A_164] : memref<16384xf32, #tpu.memory_space<vmem>>[vector<16xi32>], vector<16xf32>,
        %parallel_loop3A_166 = arith.index_cast %parallel_loop3A_148 : i32 to index
        %parallel_loop3A_167 = arith.constant 16 : index
        %parallel_loop3A_168 = tpu.vector_load %arg17[%parallel_loop3A_166, %parallel_loop3A_167] {strides = array<i32>} : memref<64x128xf32, #tpu.memory_space<vmem>>, vector<16xf32>,
        tpu.vector_store %arg17[%parallel_loop3A_166, %parallel_loop3A_167], %parallel_loop3A_165 {strides = array<i32>} : memref<64x128xf32, #tpu.memory_space<vmem>>, vector<16xf32>,
        %parallel_loop3A_169 = arith.constant 128 : i32
        %parallel_loop3A_170 = arith.muli %parallel_loop3A_148, %parallel_loop3A_169 : i32
        %parallel_loop3A_171 = arith.constant 32 : i32
        %parallel_loop3A_172 = arith.addi %parallel_loop3A_170, %parallel_loop3A_171 : i32
        %parallel_loop3A_173 = arith.index_cast %parallel_loop3A_172 : i32 to index
        %parallel_loop3A_174 = tpu.vector_load %arg16[%parallel_loop3A_173] {strides = array<i32>} : memref<8192xi32, #tpu.memory_space<vmem>>, vector<16xi32>,
        %parallel_loop3A_175 = tpu.vector_load_idx %arg9[%parallel_loop3A_174] : memref<16384xf32, #tpu.memory_space<vmem>>[vector<16xi32>], vector<16xf32>,
        %parallel_loop3A_176 = arith.index_cast %parallel_loop3A_148 : i32 to index
        %parallel_loop3A_177 = arith.constant 32 : index
        %parallel_loop3A_178 = tpu.vector_load %arg17[%parallel_loop3A_176, %parallel_loop3A_177] {strides = array<i32>} : memref<64x128xf32, #tpu.memory_space<vmem>>, vector<16xf32>,
        tpu.vector_store %arg17[%parallel_loop3A_176, %parallel_loop3A_177], %parallel_loop3A_175 {strides = array<i32>} : memref<64x128xf32, #tpu.memory_space<vmem>>, vector<16xf32>,
        %parallel_loop3A_179 = arith.constant 128 : i32
        %parallel_loop3A_180 = arith.muli %parallel_loop3A_148, %parallel_loop3A_179 : i32
        %parallel_loop3A_181 = arith.constant 48 : i32
        %parallel_loop3A_182 = arith.addi %parallel_loop3A_180, %parallel_loop3A_181 : i32
        %parallel_loop3A_183 = arith.index_cast %parallel_loop3A_182 : i32 to index
        %parallel_loop3A_184 = tpu.vector_load %arg16[%parallel_loop3A_183] {strides = array<i32>} : memref<8192xi32, #tpu.memory_space<vmem>>, vector<16xi32>,
        %parallel_loop3A_185 = tpu.vector_load_idx %arg9[%parallel_loop3A_184] : memref<16384xf32, #tpu.memory_space<vmem>>[vector<16xi32>], vector<16xf32>,
        %parallel_loop3A_186 = arith.index_cast %parallel_loop3A_148 : i32 to index
        %parallel_loop3A_187 = arith.constant 48 : index
        %parallel_loop3A_188 = tpu.vector_load %arg17[%parallel_loop3A_186, %parallel_loop3A_187] {strides = array<i32>} : memref<64x128xf32, #tpu.memory_space<vmem>>, vector<16xf32>,
        tpu.vector_store %arg17[%parallel_loop3A_186, %parallel_loop3A_187], %parallel_loop3A_185 {strides = array<i32>} : memref<64x128xf32, #tpu.memory_space<vmem>>, vector<16xf32>,
        %parallel_loop3A_189 = arith.constant 128 : i32
        %parallel_loop3A_190 = arith.muli %parallel_loop3A_148, %parallel_loop3A_189 : i32
        %parallel_loop3A_191 = arith.constant 64 : i32
        %parallel_loop3A_192 = arith.addi %parallel_loop3A_190, %parallel_loop3A_191 : i32
        %parallel_loop3A_193 = arith.index_cast %parallel_loop3A_192 : i32 to index
        %parallel_loop3A_194 = tpu.vector_load %arg16[%parallel_loop3A_193] {strides = array<i32>} : memref<8192xi32, #tpu.memory_space<vmem>>, vector<16xi32>,
        %parallel_loop3A_195 = tpu.vector_load_idx %arg9[%parallel_loop3A_194] : memref<16384xf32, #tpu.memory_space<vmem>>[vector<16xi32>], vector<16xf32>,
        %parallel_loop3A_196 = arith.index_cast %parallel_loop3A_148 : i32 to index
        %parallel_loop3A_197 = arith.constant 64 : index
        %parallel_loop3A_198 = tpu.vector_load %arg17[%parallel_loop3A_196, %parallel_loop3A_197] {strides = array<i32>} : memref<64x128xf32, #tpu.memory_space<vmem>>, vector<16xf32>,
        tpu.vector_store %arg17[%parallel_loop3A_196, %parallel_loop3A_197], %parallel_loop3A_195 {strides = array<i32>} : memref<64x128xf32, #tpu.memory_space<vmem>>, vector<16xf32>,
        %parallel_loop3A_199 = arith.constant 128 : i32
        %parallel_loop3A_200 = arith.muli %parallel_loop3A_148, %parallel_loop3A_199 : i32
        %parallel_loop3A_201 = arith.constant 80 : i32
        %parallel_loop3A_202 = arith.addi %parallel_loop3A_200, %parallel_loop3A_201 : i32
        %parallel_loop3A_203 = arith.index_cast %parallel_loop3A_202 : i32 to index
        %parallel_loop3A_204 = tpu.vector_load %arg16[%parallel_loop3A_203] {strides = array<i32>} : memref<8192xi32, #tpu.memory_space<vmem>>, vector<16xi32>,
        %parallel_loop3A_205 = tpu.vector_load_idx %arg9[%parallel_loop3A_204] : memref<16384xf32, #tpu.memory_space<vmem>>[vector<16xi32>], vector<16xf32>,
        %parallel_loop3A_206 = arith.index_cast %parallel_loop3A_148 : i32 to index
        %parallel_loop3A_207 = arith.constant 80 : index
        %parallel_loop3A_208 = tpu.vector_load %arg17[%parallel_loop3A_206, %parallel_loop3A_207] {strides = array<i32>} : memref<64x128xf32, #tpu.memory_space<vmem>>, vector<16xf32>,
        tpu.vector_store %arg17[%parallel_loop3A_206, %parallel_loop3A_207], %parallel_loop3A_205 {strides = array<i32>} : memref<64x128xf32, #tpu.memory_space<vmem>>, vector<16xf32>,
        %parallel_loop3A_209 = arith.constant 128 : i32
        %parallel_loop3A_210 = arith.muli %parallel_loop3A_148, %parallel_loop3A_209 : i32
        %parallel_loop3A_211 = arith.constant 96 : i32
        %parallel_loop3A_212 = arith.addi %parallel_loop3A_210, %parallel_loop3A_211 : i32
        %parallel_loop3A_213 = arith.index_cast %parallel_loop3A_212 : i32 to index
        %parallel_loop3A_214 = tpu.vector_load %arg16[%parallel_loop3A_213] {strides = array<i32>} : memref<8192xi32, #tpu.memory_space<vmem>>, vector<16xi32>,
        %parallel_loop3A_215 = tpu.vector_load_idx %arg9[%parallel_loop3A_214] : memref<16384xf32, #tpu.memory_space<vmem>>[vector<16xi32>], vector<16xf32>,
        %parallel_loop3A_216 = arith.index_cast %parallel_loop3A_148 : i32 to index
        %parallel_loop3A_217 = arith.constant 96 : index
        %parallel_loop3A_218 = tpu.vector_load %arg17[%parallel_loop3A_216, %parallel_loop3A_217] {strides = array<i32>} : memref<64x128xf32, #tpu.memory_space<vmem>>, vector<16xf32>,
        tpu.vector_store %arg17[%parallel_loop3A_216, %parallel_loop3A_217], %parallel_loop3A_215 {strides = array<i32>} : memref<64x128xf32, #tpu.memory_space<vmem>>, vector<16xf32>,
        %parallel_loop3A_219 = arith.constant 128 : i32
        %parallel_loop3A_220 = arith.muli %parallel_loop3A_148, %parallel_loop3A_219 : i32
        %parallel_loop3A_221 = arith.constant 112 : i32
        %parallel_loop3A_222 = arith.addi %parallel_loop3A_220, %parallel_loop3A_221 : i32
        %parallel_loop3A_223 = arith.index_cast %parallel_loop3A_222 : i32 to index
        %parallel_loop3A_224 = tpu.vector_load %arg16[%parallel_loop3A_223] {strides = array<i32>} : memref<8192xi32, #tpu.memory_space<vmem>>, vector<16xi32>,
        %parallel_loop3A_225 = tpu.vector_load_idx %arg9[%parallel_loop3A_224] : memref<16384xf32, #tpu.memory_space<vmem>>[vector<16xi32>], vector<16xf32>,
        %parallel_loop3A_226 = arith.index_cast %parallel_loop3A_148 : i32 to index
        %parallel_loop3A_227 = arith.constant 112 : index
        %parallel_loop3A_228 = tpu.vector_load %arg17[%parallel_loop3A_226, %parallel_loop3A_227] {strides = array<i32>} : memref<64x128xf32, #tpu.memory_space<vmem>>, vector<16xf32>,
        tpu.vector_store %arg17[%parallel_loop3A_226, %parallel_loop3A_227], %parallel_loop3A_225 {strides = array<i32>} : memref<64x128xf32, #tpu.memory_space<vmem>>, vector<16xf32>,
      } {sc.loop_unroll_factor = 2 : i64, sc.parallel_access}
    } else {
    }
    %dma_start3A = arith.constant 130 : i32
    %dma_start3A_123 = arith.constant 0 : i32
    %dma_start3A_124 = tpu.memref_slice %arg8[%select_n3A, %dma_start3A, %dma_start3A_123, %mul3A_33] : memref<4x131x64x1024xf32, #tpu.memory_space<hbm>> -> memref<1x1x64x128xf32, #tpu.memory_space<hbm>>
    %dma_start3A_125 = tpu.memref_squeeze %dma_start3A_124 : memref<1x1x64x128xf32, #tpu.memory_space<hbm>> -> memref<64x128xf32, #tpu.memory_space<hbm>>
    %dma_start3A_126 = arith.constant 0 : i32
    %dma_start3A_127 = tpu.memref_slice %arg8[%select_n3A, %dma_start3A, %dma_start3A_126, %mul3A_33] : memref<4x131x64x1024xf32, #tpu.memory_space<hbm>> -> memref<1x1x64x128xf32, #tpu.memory_space<hbm>>
    %dma_start3A_128 = tpu.memref_squeeze %dma_start3A_127 : memref<1x1x64x128xf32, #tpu.memory_space<hbm>> -> memref<64x128xf32, #tpu.memory_space<hbm>>
    tpu.enqueue_dma source(%arg17 : memref<64x128xf32, #tpu.memory_space<vmem>>) target(%dma_start3A_128 : memref<64x128xf32, #tpu.memory_space<hbm>>) target_semaphore(%arg21 : memref<!tpu.dma_semaphore, #tpu.memory_space<semaphore_mem>>)
    %sub3A_129 = arith.constant 130 : i32
    %sub3A_130 = arith.constant 1 : i32
    %sub3A_131 = arith.subi %sub3A_129, %sub3A_130 : i32
    %dma_wait3A_132 = arith.constant 0 : i32
    %dma_wait3A_133 = tpu.memref_slice %arg8[%select_n3A, %sub3A_131, %dma_wait3A_132, %mul3A_33] : memref<4x131x64x1024xf32, #tpu.memory_space<hbm>> -> memref<1x1x64x128xf32, #tpu.memory_space<hbm>>
    %dma_wait3A_134 = tpu.memref_squeeze %dma_wait3A_133 : memref<1x1x64x128xf32, #tpu.memory_space<hbm>> -> memref<64x128xf32, #tpu.memory_space<hbm>>
    %dma_wait3A_135 = arith.constant 0 : i32
    %dma_wait3A_136 = tpu.memref_slice %arg8[%select_n3A, %sub3A_131, %dma_wait3A_135, %mul3A_33] : memref<4x131x64x1024xf32, #tpu.memory_space<hbm>> -> memref<1x1x64x128xf32, #tpu.memory_space<hbm>>
    %dma_wait3A_137 = tpu.memref_squeeze %dma_wait3A_136 : memref<1x1x64x128xf32, #tpu.memory_space<hbm>> -> memref<64x128xf32, #tpu.memory_space<hbm>>
    tpu.wait_dma2 semaphore(%arg22 : memref<!tpu.dma_semaphore, #tpu.memory_space<semaphore_mem>>) src(%arg18 : memref<64x128xf32, #tpu.memory_space<vmem>>) dst(%dma_wait3A_137 : memref<64x128xf32, #tpu.memory_space<hbm>>)
    %dma_wait3A_138 = arith.constant 130 : i32
    %dma_wait3A_139 = arith.constant 0 : i32
    %dma_wait3A_140 = tpu.memref_slice %arg8[%select_n3A, %dma_wait3A_138, %dma_wait3A_139, %mul3A_33] : memref<4x131x64x1024xf32, #tpu.memory_space<hbm>> -> memref<1x1x64x128xf32, #tpu.memory_space<hbm>>
    %dma_wait3A_141 = tpu.memref_squeeze %dma_wait3A_140 : memref<1x1x64x128xf32, #tpu.memory_space<hbm>> -> memref<64x128xf32, #tpu.memory_space<hbm>>
    %dma_wait3A_142 = arith.constant 0 : i32
    %dma_wait3A_143 = tpu.memref_slice %arg8[%select_n3A, %dma_wait3A_138, %dma_wait3A_142, %mul3A_33] : memref<4x131x64x1024xf32, #tpu.memory_space<hbm>> -> memref<1x1x64x128xf32, #tpu.memory_space<hbm>>
    %dma_wait3A_144 = tpu.memref_squeeze %dma_wait3A_143 : memref<1x1x64x128xf32, #tpu.memory_space<hbm>> -> memref<64x128xf32, #tpu.memory_space<hbm>>
    tpu.wait_dma2 semaphore(%arg21 : memref<!tpu.dma_semaphore, #tpu.memory_space<semaphore_mem>>) src(%arg17 : memref<64x128xf32, #tpu.memory_space<vmem>>) dst(%dma_wait3A_144 : memref<64x128xf32, #tpu.memory_space<hbm>>)
    "tpu.trace_stop"() : () -> ()
    return
  }
}

</mosaic_0001>

<sc_bundles>
// kernel: kernel.3.cloned.1.call-start
scs
__scs_entry_jumppad:
0x0: {  	(pc) =	sbr.rel $0x88, $3  }
0x1: {  	(tag) =	ssettag $0x0;
	lr =	simm.s32 $0x1  }
0x2: {  	[smem:$0x3F9E] =	sst lr;
	_ =	strace $0xD0000000  }
0x3: {  	_ = 	snop  }
0x4: {  	_ = 	snop  }
0x5: {  	_ = 	snop  }
0x6: {  	_ = 	snop  }
0x7: {  	_ = 	snop  }
__scs_overlays_trampoline_lowered:
0x8: {  	[smem:$0x3FAD] =	sst s0  }
0x9: {  	[smem:$0x3FAE] =	sst s1  }
0xa: {  	[smem:$0x3FAF] =	sst s2  }
0xb: {  	[smem:$0x3FB0] =	sst s3  }
0xc: {  	[smem:$0x3FB1] =	sst s4  }
0xd: {  	[smem:$0x3FB2] =	sst s5  }
0xe: {  	[smem:$0x3FB3] =	sst s6  }
0xf: {  	[smem:$0x3FB4] =	sst s7  }
0x10: {  	[smem:$0x3FB5] =	sst s8  }
0x11: {  	[smem:$0x3FB6] =	sst s9;
	s0 =	simm.s32 @!p0 $0x0  }
0x12: {  	s1 =	sld [smem:$0x3F9C];
	s0 =	simm.s32 @p0 $0x1  }
0x13: {  	[smem:$0x3FB7] =	sst s0;
	s0 =	simm.s32 @!p1 $0x0  }
0x14: {  	s2 =	sld [smem:$0x3F9B];
	s0 =	simm.s32 @p1 $0x1  }
0x15: {  	[smem:$0x3FB8] =	sst s0;
	s0 =	simm.s32 @!p2 $0x0  }
0x16: {  	s3 =	sld [smem:$0x3FDB];
	s0 =	simm.s32 @p2 $0x1  }
0x17: {  	s4 =	simm.s32 $0x1BF5;
	[smem:$0x3FBA] =	sst s0  }
0x18: {  	s0 =	sld [smem:$0x3F9D];
	_ =	swait.ge [sflag:s4], $0x0  }
0x19: {  	s7 =	sld [smem:$0x3F9E]  }
0x1a: {  	s8 =	sadd.s32 $0xFFFFE003, lr  }
0x1b: {  	s9 =	sadd.s32 $0xFFFFFEF7, lr;
	s5 =	simm.s32 $0xFFFFFFFF;
	p2 =	slt.u32 s8, $0xFFFFF086  }
0x1c: {  	p1 =	slt.u32 s9, $0xF7A;
	s5 =	simm.s32 @!p2 $0x0  }
0x1d: {  	s5 =	simm.s32 @p1 $0x1;
	p0 =	seq.s32 s7, s2  }
0x1e: {  	s7 =	smul.u32 @!p0 $0xF7A, s2;
	p2 =	seq.s32 @!p0 s5, $0x0  }
0x1f: {  	s9 =	smul.u32 $0xF7A, s1;
	s8 =	simm.s32 @!p0 $0x1BF5;
	p2 =	por !p2, p0  }
0x20: {  	[sflag:s8] =	ssyncset.s32 @!p0 $0xFFFFF086;
	s6 =	sadd.s32 @!p0 s3, s7;
	s7 =	simm.s32 @!p0 $0x108  }
0x21: {  	s3 =	sadd.s32 s3, s9;
	s6 =	sadd.s32 @!p0 $0x88, s6;
	s7 =	simm.s32 @p2 $0x1082  }
0x22: {  	[simem:s7], [sflag:s8] =	dma.local @!p0 [hbm:s6], $0xF7A  }
0x23: {  	s9 =	sor.u32 $0xD0000000, s2;
	s6 =	simm.s32 $0x108;
	_ =	swait.ge @!p0 [sflag:s8], $0x0  }
0x24: {  	s3 =	sadd.s32 $0x88, s3;
	s6 =	simm.s32 @!p1 $0x1082;
	[sflag:s4] =	ssyncset.s32 $0xFFFFF086  }
0x25: {  	[simem:s6], [sflag:s4] =	dma.local [hbm:s3], $0xF7A  }
0x26: {  	[smem:$0x3F9E] =	sst s1;
	(tag) =	ssettag s2;
	_ =	strace s9  }
0x27: {  	s1 =	sld [smem:$0x3FAE]  }
0x28: {  	s2 =	sld [smem:$0x3FAF]  }
0x29: {  	s4 =	sld [smem:$0x3FB1]  }
0x2a: {  	p0 =	seq.s32 s5, $0x0;
	s5 =	sld [smem:$0x3FB2]  }
0x2b: {  	s6 =	sld [smem:$0x3FB3]  }
0x2c: {  	s7 =	sld [smem:$0x3FB4]  }
0x2d: {  	s3 =	simm.s32 $0x108;
	s8 =	sld [smem:$0x3FB5]  }
0x2e: {  	s3 =	simm.s32 @!p0 $0x1082;
	s9 =	sld [smem:$0x3FB6]  }
0x2f: {  	lr =	sadd.s32 s0, s3;
	s0 =	sld [smem:$0x3FAD]  }
0x30: {  	s3 =	sld [smem:$0x3FB0]  }
0x31: {  	[smem:$0x3FB9] =	sst s10  }
0x32: {  	s10 =	sld [smem:$0x3FB7];
	_ =	sdelay $0x3  }
0x33: {  	p0 =	seq.s32 s10, $0x1;
	s10 =	sld [smem:$0x3FB9];
	_ =	sdelay $0x3  }
0x34: {  	[smem:$0x3FB9] =	sst s10  }
0x35: {  	s10 =	sld [smem:$0x3FB8];
	_ =	sdelay $0x3  }
0x36: {  	p1 =	seq.s32 s10, $0x1;
	s10 =	sld [smem:$0x3FB9];
	_ =	sdelay $0x3  }
0x37: {  	[smem:$0x3FB9] =	sst s10  }
0x38: {  	s10 =	sld [smem:$0x3FBA]  }
0x39: {  	_ = 	snop;
	(pc) =	sbr.ind lr, $3  }
0x3a: {  	_ = 	snop  }
0x3b: {  	_ = 	snop  }
0x3c: {  	p2 =	seq.s32 s10, $0x1;
	s10 =	sld [smem:$0x3FB9]  }
0x3d: {  	_ =	shalt  }
0x3e: {  	_ =	shalt  }
0x3f: {  	_ =	shalt  }
0x40: {  	_ =	shalt  }
0x41: {  	_ =	shalt  }
0x42: {  	_ =	shalt  }
0x43: {  	_ =	shalt  }
0x44: {  	_ =	shalt  }
0x45: {  	_ =	shalt  }
0x46: {  	_ =	shalt  }
0x47: {  	_ =	shalt  }
0x48: {  	_ =	shalt  }
0x49: {  	_ =	shalt  }
0x4a: {  	_ =	shalt  }
0x4b: {  	_ =	shalt  }
0x4c: {  	_ =	shalt  }
0x4d: {  	_ =	shalt  }
0x4e: {  	_ =	shalt  }
0x4f: {  	_ =	shalt  }
0x50: {  	_ =	shalt  }
0x51: {  	_ =	shalt  }
0x52: {  	_ =	shalt  }
0x53: {  	_ =	shalt  }
0x54: {  	_ =	shalt  }
0x55: {  	_ =	shalt  }
0x56: {  	_ =	shalt  }
0x57: {  	_ =	shalt  }
0x58: {  	_ =	shalt  }
0x59: {  	_ =	shalt  }
0x5a: {  	_ =	shalt  }
0x5b: {  	_ =	shalt  }
0x5c: {  	_ =	shalt  }
0x5d: {  	_ =	shalt  }
0x5e: {  	_ =	shalt  }
0x5f: {  	_ =	shalt  }
0x60: {  	_ =	shalt  }
0x61: {  	_ =	shalt  }
0x62: {  	_ =	shalt  }
0x63: {  	_ =	shalt  }
0x64: {  	_ =	shalt  }
0x65: {  	_ =	shalt  }
0x66: {  	_ =	shalt  }
0x67: {  	_ =	shalt  }
0x68: {  	_ =	shalt  }
0x69: {  	_ =	shalt  }
0x6a: {  	_ =	shalt  }
0x6b: {  	_ =	shalt  }
0x6c: {  	_ =	shalt  }
0x6d: {  	_ =	shalt  }
0x6e: {  	_ =	shalt  }
0x6f: {  	_ =	shalt  }
0x70: {  	_ =	shalt  }
0x71: {  	_ =	shalt  }
0x72: {  	_ =	shalt  }
0x73: {  	_ =	shalt  }
0x74: {  	_ =	shalt  }
0x75: {  	_ =	shalt  }
0x76: {  	_ =	shalt  }
0x77: {  	_ =	shalt  }
0x78: {  	_ =	shalt  }
0x79: {  	_ =	shalt  }
0x7a: {  	_ =	shalt  }
0x7b: {  	_ =	shalt  }
0x7c: {  	_ =	shalt  }
0x7d: {  	_ =	shalt  }
0x7e: {  	_ =	shalt  }
0x7f: {  	_ =	shalt  }
0x80: {  	_ =	shalt  }
0x81: {  	_ =	shalt  }
0x82: {  	_ =	shalt  }
0x83: {  	_ =	shalt  }
0x84: {  	_ =	shalt  }
0x85: {  	_ =	shalt  }
0x86: {  	_ =	shalt  }
0x87: {  	_ =	shalt  }
.Lfunc_end0:
.L_simem_size_0:
called_computation_lowered:
.L_overlay_start_0:
0x88: {  	s2 =	sld [smem:$0x3FD9]  }
0x89: {  	s3 =	sld [smem:$0x3FFE];
	_ =	sdelay $0x1  }
0x8a: {  	s1 =	srdreg.scid  }
0x8b: {  	s0 =	sand.u32 $0x1, s1  }
0x8c: {  	s17 =	sshll.u32 s0, $0xA;
	s2 =	sadd.s32 s3, s2  }
0x8d: {  	s2 =	sadd.s32 s2, s17  }
0x8e: {  	[smem:$0x3FC5] =	sst s2  }
0x8f: {  	_ = 	snop  }
0x90: {  	s2 =	sld [smem:$0x3FC7]  }
0x91: {  	s18 =	sld [smem:$0x3FD0];
	(tm) =	ssettm $0x1  }
0x92: {  	s4 =	sld [smem:$0x3FFB];
	_ =	sdelay $0x3  }
0x93: {  	_ =	strace s4  }
0x94: {  	s4 =	sld [smem:$0x3FFC];
	_ =	sdelay $0x3  }
0x95: {  	_ =	strace s4  }
0x96: {  	s4 =	sld [smem:$0x3FFD];
	_ =	sdelay $0x3  }
0x97: {  	_ =	strace s4  }
0x98: {  	_ =	strace $0x8FFFFFFF  }
0x99: {  	s19 =	sld [smem:$0x3FDB];
	_ =	sdelay $0x1  }
0x9a: {  	s5 =	simm.s32 $_scs_section_size  }
0x9b: {  	s6 =	simm.s32 $_size__tile_overlayer_lowered;
	s7 =	simm.s32 $_tile_overlayer_lowered  }
0x9c: {  	s22 =	simm.s32 $0x1BFF;
	s21 =	sshll.u32 s7, $0x1;
	s4 =	sadd.s32 s5, s19  }
0x9d: {  	s8 =	simm.s32 $0x0;
	s20 =	sshll.u32 s6, $0x1;
	s6 =	sadd.s32 s21, s4  }
0x9e: {  	[timem:s8], [sflag:s22] =	dma.local [hbm:s6], s20  }
0x9f: {  	_ =	swait.ge [sflag:s22], s20  }
0xa0: {  	s5 =	ssub.s32 $0x0, s20;
	[sflag:s22] =	ssyncset.done $0x0  }
0xa1: {  	[sflag:s22] =	ssyncadd.s32 s5;
	_ =	sdelay $0x1  }
0xa2: {  	s23 =	simm.s32 $0x1B8B  }
0xa3: {  	_ =	swait.ge [sflag:s23], $0x1  }
0xa4: {  	[sflag:s23] =	ssyncset.done $0x0  }
0xa5: {  	s25 =	simm.s32 $0x1B8E;
	s24 =	sld [smem:$0x3FFE];
	[sflag:s23] =	ssyncadd.s32 $0xFFFFFFFF  }
0xa6: {  	s26 =	simm.s32 $execute0_lowered;
	[smem:$0x3FD2] =	sst s25  }
0xa7: {  	s6 =	sshll.u32 s26, $0x1;
	_ =	strace $0x80000046;
	[dreg:$0x1] =	wrdreg $0xFFFFFFFF  }
0xa8: {  	s28 =	simm.s32 $_size_execute0_lowered;
	s4 =	sadd.s32 s4, s6;
	[dreg:$0x0] =	wrdreg $0x0  }
0xa9: {  	s6 =	sshll.u32 s28, $0x1;
	[dreg:$0x2] =	wrdreg s4  }
0xaa: {  	[dreg:$0x3] =	wrdreg s6  }
0xab: {  	[dreg:$0x4] =	wrdreg $0xC0  }
0xac: {  	_ =	task [dreg:s8], $0x5FFFF  }
0xad: {  	[dreg:$0x1] =	wrdreg $0xFFFFFFFF  }
0xae: {  	[dreg:$0x0] =	wrdreg $0x60  }
0xaf: {  	[dreg:$0x2] =	wrdreg s24  }
0xb0: {  	[dreg:$0x3] =	wrdreg s2  }
0xb1: {  	[dreg:$0x4] =	wrdreg s18  }
0xb2: {  	[dreg:$0x5] =	wrdreg $0x9  }
0xb3: {  	_ =	task.clear_ibuf [dreg:s8], $0x6FFFF;
	_ =	strace $0x90000046  }
0xb4: {  	s29 =	simm.s32 $0x9;
	_ =	strace $0x8000004A  }
0xb5: {  	_ =	swait.ge [sflag:s29], $0x1  }
0xb6: {  	[sflag:s29] =	ssyncadd.s32 $0xFFFFFFFF  }
0xb7: {  	_ =	strace $0x9000004A  }
0xb8: {  	_ =	sfence  }
0xb9: {  	s30 =	sld [smem:$0x0];
	_ =	sdelay $0x2  }
0xba: {  	s31 =	sshll.u32 s1, $0xD;
	s1 =	sshrl.u32 s1, $0x2  }
0xbb: {  	s3 =	sand.u32 $0x4000, s31;
	s1 =	sadd.s32 s1, s30  }
0xbc: {  	s0 =	sor.u32 s3, s0;
	s1 =	sshll.u32 s1, $0x11  }
0xbd: {  	s0 =	sor.u32 s1, s0  }
0xbe: {  	s0 =	sadd.s32 $0x8F2B, s0  }
0xbf: {  	[sflag:s0] =	ssyncadd.remote.s32 $0x1  }
0xc0: {  	_ =	sfence.sel $0xFFFF  }
0xc1: {  	[dreg:$0x0] =	wrdreg $0xFFFFFFFF;
	(pc) =	sbr.abs _section_cstart, $3  }
0xc2: {  	[dreg:$0x1] =	wrdreg $0xFFFFFFFF  }
0xc3: {  	_ =	task.clear_ibuf [dreg:s8], $0x2FFFF;
	_ =	strace $0x9FFFFFFF  }
0xc4: {  	(tm) =	ssettm $0x7FFFFFFF  }
0xc5: {  	_ =	shalt  }
tec
execute0_lowered:
.L_overlay_start_1:
0x0: {  	(tag) =	ssettag $0x1  }
0x1: {  	s0 =	rddreg [dreg:$0x0];
	s2 =	stileid.u32  }
0x2: {  	s3 =	rddreg [dreg:$0x2];
	s1 =	srdreg.scid  }
0x3: {  	s28 =	simm.s32 $0x80;
	s29 =	simm.s32 $0x1;
	s6 =	sshrl.u32 s2, $0x2  }
0x4: {  	s4 =	sshll.u32 s2, $0x1;
	s1 =	sand.u32 $0x1, s1;
	s9 =	smul.u32 $0xC000, s6  }
0x5: {  	s10 =	sadd.s32 $0xC00, s0;
	s2 =	simm.s32 $0x0;
	s16 =	smul.u32 $0x180, s6  }
0x6: {  	s5 =	sand.u32 $0x6, s4;
	s4 =	simm.s32 $0x0;
	s17 =	smul.u32 $0x3, s6  }
0x7: {  	s8 =	sshll.u32 s6, $0x4;
	s12 =	smul.u32 $0x830000, s6;
	s31 =	sshll.u32 s6, $0x15  }
0x8: {  	s5 =	sor.u32 s1, s5;
	[smem:$0x7FF] =	sst s4;
	s1 =	ssub.s32 $0x2, s1  }
0x9: {  	s7 =	sshll.u32 s5, $0x6;
	_ =	strace $0x80000047;
	s18 =	sshrl.u32 s1, $0x1  }
0xa: {  	s20 =	sadd.s32 $0x1, s17;
	s5 =	sshll.u32 s5, $0xA;
	[dreg:$0xb] =	wrdreg s31  }
0xb: {  	s7 =	sor.u32 s8, s7;
	s8 =	sor.u32 s16, s9;
	s21 =	sshll.u32 s20, $0xB  }
0xc: {  	s11 =	sadd.s32 s7, s0;
	s0 =	sadd.s32 $0x8C00, s0;
	s8 =	sand.u32 $0x20380, s8  }
0xd: {  	s7 =	sadd.s32 $0x2, s17;
	[dreg:$0x4] =	wrdreg s0;
	s0 =	ssub.s32 s1, s18  }
0xe: {  	s19 =	sshrl.u32 s8, $0x3;
	s8 =	sshll.u32 s20, $0x4;
	s1 =	sand.u32 $0xC000, s21  }
0xf: {  	s22 =	sshll.u32 s7, $0x4;
	s7 =	sshll.u32 s7, $0xB;
	s24 =	sadd.s32 $0xA00, s11  }
0x10: {  	s26 =	sadd.s32 $0x800, s11;
	s30 =	sadd.s32 $0x600, s11;
	s20 =	simm.s32 $0x4000  }
0x11: {  	s18 =	sadd.s32 s10, s19;
	s8 =	sand.u32 $0x70, s8;
	[dreg:$0x8] =	wrdreg s24  }
0x12: {  	s9 =	sand.u32 $0x70, s22;
	s13 =	sand.u32 $0xC000, s7;
	[dreg:$0x9] =	wrdreg s26  }
0x13: {  	s7 =	sor.u32 s5, s12;
	[dreg:$0xa] =	wrdreg s30;
	s0 =	smax.u32 s0, $0x1  }
0x14: {  	s8 =	sadd.s32 s10, s8;
	s9 =	sadd.s32 s10, s9;
	[dreg:$0xd] =	wrdreg s0  }
0x15: {  	v0 =	vlaneseq.u32;
	s23 =	sadd.s32 $0x820000, s7;
	[dreg:$0x5] =	wrdreg s18;
	s25 =	sadd.s32 s1, s8  }
0x16: {  	v1 =	vmul.u32 $0x80, v0;
	s9 =	sadd.s32 s13, s9;
	s1 =	sshrl.u32 s23, $0x3;
	[dreg:$0x6] =	wrdreg s25  }
0x17: {  	s19 =	simm.s32 $0x400;
	s1 =	sadd.s32 s3, s1;
	[dreg:$0x7] =	wrdreg s9  }
0x18: {  	v2 =	vimm.s32 $0x0;
	v3 =	vor.u32 $0x10, v0;
	v4 =	vor.u32 $0x800, v1;
	s22 =	simm.s32 $0x10000;
	s26 =	simm.s32 $0x10380;
	[dreg:$0xc] =	wrdreg s1  }
.LBB2_1:
0x19: {  	[dreg:$0xe] =	wrdreg s2  }
0x1a: {  	s0 =	rddreg [dreg:$0x4];
	s1 =	simm.s32 $0x16380;
	s21 =	simm.s32 $0x5  }
0x1b: {  	[tilespmem:s1], [sflag:$0x5] =	stream.linear.gather [hbm4b:s0+s4], $0x1, $0x38;
	[tilespmem:$0x16400] =	vst v63  }
0x1c: {  	_ =	swait.ge [sflag:s21], $0x1  }
0x1d: {  	[sflag:s21] =	ssyncset.done $0x0  }
0x1e: {  	[sflag:s21] =	ssyncadd.s32 $0xFFFFFFFF  }
0x1f: {  	v5 =	vld [tilespmem:$0x16380];
	[tilespmem:s4], [sflag:$0x5] =	stream.strided.gather [hbm4b:s18+s28], $0x4000, s19, s28, $0x38  }
0x20: {  	_ =	swait.ge [sflag:s21], $0x4000  }
0x21: {  	[sflag:s21] =	ssyncset.done $0x0  }
0x22: {  	[sflag:s21] =	ssyncadd.s32 $0xFFFFC000  }
0x23: {  	[tilespmem:s20], [sflag:$0x5] =	stream.strided.gather [hbm4b:s25+s28], $0x4000, s19, s28, $0x38;
	[tilespmem:$0x16400] =	vst v63  }
0x24: {  	_ =	swait.ge [sflag:s21], $0x4000  }
0x25: {  	[sflag:s21] =	ssyncset.done $0x0  }
0x26: {  	s23 =	simm.s32 $0x8000;
	[sflag:s21] =	ssyncadd.s32 $0xFFFFC000  }
0x27: {  	[tilespmem:s23], [sflag:$0x5] =	stream.strided.gather [hbm4b:s9+s28], $0x4000, s19, s28, $0x38;
	[tilespmem:$0x16400] =	vst v63  }
0x28: {  	_ =	swait.ge [sflag:s21], $0x4000  }
0x29: {  	[sflag:s21] =	ssyncset.done $0x0  }
0x2a: {  	s24 =	rddreg [dreg:$0x8];
	[sflag:s21] =	ssyncadd.s32 $0xFFFFC000  }
0x2b: {  	[tilespmem:s22], [sflag:$0x5] =	stream.linear.gather [hbm4b:s24+s4], $0x80, $0x38;
	[tilespmem:$0x16400] =	vst v63  }
0x2c: {  	_ =	swait.ge [sflag:s21], $0x80  }
0x2d: {  	[sflag:s21] =	ssyncset.done $0x0  }
0x2e: {  	s28 =	simm.s32 $0x10080;
	s25 =	rddreg [dreg:$0x9];
	[sflag:s21] =	ssyncadd.s32 $0xFFFFFF80  }
0x2f: {  	[tilespmem:s28], [sflag:$0x5] =	stream.linear.gather [hbm4b:s25+s4], $0x80, $0x38;
	[tilespmem:$0x16400] =	vst v63  }
0x30: {  	_ =	swait.ge [sflag:s21], $0x80  }
0x31: {  	[sflag:s21] =	ssyncset.done $0x0  }
0x32: {  	s31 =	simm.s32 $0x10100;
	s30 =	rddreg [dreg:$0xa];
	[sflag:s21] =	ssyncadd.s32 $0xFFFFFF80  }
0x33: {  	[tilespmem:s31], [sflag:$0x5] =	stream.linear.gather [hbm4b:s30+s4], $0x80, $0x38;
	[tilespmem:$0x16400] =	vst v63  }
0x34: {  	_ =	swait.ge [sflag:s21], $0x80  }
0x35: {  	[sflag:s21] =	ssyncset.done $0x0  }
0x36: {  	s6 =	simm.s32 $0x10;
	[sflag:s21] =	ssyncadd.s32 $0xFFFFFF80  }
0x37: {  	s5 =	simm.s32 $0x4010;
	v8 =	vld [tilespmem:s6+$0x0]  }
0x38: {  	v11 =	vld [tilespmem:s5+$0x0]  }
0x39: {  	s8 =	simm.s32 $0x8010  }
0x3a: {  	v12 =	vld [tilespmem:s8+$0x0];
	_ =	sdelay $0x2  }
0x3b: {  	v13 =	vmul.f32 v8, v8;
	v14 =	vmul.f32 v11, v11;
	_ =	sdelay $0x1  }
0x3c: {  	v15 =	vshrl.u32 v8, $0x10;
	v13 =	vadd.f32 v14, v13;
	v14 =	vmul.f32 v12, v12  }
0x3d: {  	v7 =	vld [tilespmem:s5+$0xFFFFFFF0];
	v15 =	vand.u32 $0x1, v15  }
0x3e: {  	v8 =	vadd.s32 v15, v8;
	v13 =	vadd.f32 v14, v13  }
0x3f: {  	s10 =	simm.s32 $0xC010;
	v6 =	vld [tilespmem:s6+$0xFFFFFFF0];
	v8 =	vadd.s32 $0x7FFF, v8  }
0x40: {  	v16 =	vshrl.u32 v11, $0x10;
	[tilespmem:s10+$0x0] =	vst v13;
	v13 =	vand.u32 $0xFFFF0000, v8;
	v8 =	vld [tilespmem:s8+$0xFFFFFFF0]  }
0x41: {  	v17 =	vshrl.u32 v12, $0x10;
	v14 =	vand.u32 $0x1, v16  }
0x42: {  	v10 =	vmul.f32 v7, v7;
	v11 =	vadd.s32 v14, v11;
	v14 =	vand.u32 $0x1, v17  }
0x43: {  	s12 =	simm.s32 $0x0;
	v9 =	vshrl.u32 v7, $0x10;
	v15 =	vadd.s32 $0x7FFF, v11;
	v14 =	vadd.s32 v14, v12  }
0x44: {  	s14 =	simm.s32 $0x30;
	s15 =	simm.s32 $0x4010;
	s11 =	simm.s32 $0x8010;
	v11 =	vmul.f32 v6, v6;
	[tilespmem:s6+$0x0] =	vst v13;
	v12 =	vand.u32 $0xFFFF0000, v15;
	v13 =	vadd.s32 $0x7FFF, v14  }
.LBB2_2:
0x45: {  	v14 =	vld [tilespmem:s14+$0x0];
	v15 =	vshrl.u32 v6, $0x10;
	v16 =	vshrl.u32 v8, $0x10;
	[tilespmem:s5+$0x0] =	vst v12;
	v12 =	vand.u32 $0xFFFF0000, v13;
	s15 =	sadd.s32 $0x20, s15  }
0x46: {  	v9 =	vand.u32 $0x1, v9;
	v13 =	vld [tilespmem:s15+$0x0];
	v10 =	vadd.f32 v10, v11;
	v11 =	vand.u32 $0x1, v15;
	[tilespmem:s8+$0x0] =	vst v12  }
0x47: {  	v15 =	vmul.f32 v8, v8;
	s8 =	sadd.s32 $0x20, s8;
	v12 =	vld [tilespmem:s15+$0xFFFFFFF0];
	v6 =	vadd.s32 v11, v6;
	v11 =	vand.u32 $0x1, v16  }
0x48: {  	v7 =	vadd.s32 v9, v7;
	v16 =	vld [tilespmem:s8+$0x0];
	v17 =	vadd.s32 $0x7FFF, v6;
	v8 =	vadd.s32 v11, v8  }
0x49: {  	s12 =	sadd.s32 $0x20, s12;
	v7 =	vadd.s32 $0x7FFF, v7;
	v9 =	vadd.f32 v15, v10;
	v6 =	vld [tilespmem:s14+$0xFFFFFFF0];
	v10 =	vadd.s32 $0x7FFF, v8  }
0x4a: {  	p0 =	slt.u32 s12, $0x3FE0;
	v15 =	vand.u32 $0xFFFF0000, v7;
	v11 =	vand.u32 $0xFFFF0000, v17;
	v8 =	vld [tilespmem:s8+$0xFFFFFFF0];
	v17 =	vand.u32 $0xFFFF0000, v10  }
0x4b: {  	v18 =	vmul.f32 v14, v14;
	v19 =	vmul.f32 v13, v13;
	[tilespmem:s10+$0xFFFFFFF0] =	vst v9  }
0x4c: {  	v10 =	vmul.f32 v12, v12;
	v9 =	vshrl.u32 v12, $0x10;
	[tilespmem:s6+$0xFFFFFFF0] =	vst v11;
	v7 =	vmov v12;
	s6 =	smov.u32 s14  }
0x4d: {  	v11 =	vadd.f32 v19, v18;
	v12 =	vmul.f32 v16, v16;
	v18 =	vshrl.u32 v14, $0x10;
	[tilespmem:s5+$0xFFFFFFF0] =	vst v15;
	s5 =	smov.u32 s15  }
.Ltmp0:
0x4e: {  	v19 =	vshrl.u32 v16, $0x10;
	v15 =	vand.u32 $0x1, v18;
	v18 =	vshrl.u32 v13, $0x10;
	[tilespmem:s11+$0xFFFFFFF0] =	vst v17;
	s11 =	smov.u32 s8;
	(pc) =	sbr.rel @p0 .LBB2_2-.Ltmp0, $4  }
0x4f: {  	v11 =	vadd.f32 v12, v11;
	v12 =	vadd.s32 v15, v14;
	v14 =	vand.u32 $0x1, v18  }
0x50: {  	s10 =	sadd.s32 $0x20, s10;
	v12 =	vadd.s32 $0x7FFF, v12;
	v13 =	vadd.s32 v14, v13;
	v14 =	vand.u32 $0x1, v19  }
0x51: {  	[tilespmem:s10+$0x0] =	vst v11;
	v12 =	vand.u32 $0xFFFF0000, v12;
	v13 =	vadd.s32 $0x7FFF, v13;
	v14 =	vadd.s32 v14, v16  }
0x52: {  	s14 =	sadd.s32 $0x20, s14;
	v11 =	vmul.f32 v6, v6;
	[tilespmem:s6+$0x0] =	vst v12;
	v12 =	vand.u32 $0xFFFF0000, v13;
	v13 =	vadd.s32 $0x7FFF, v14  }
0x53: {  	_ = 	snop  }
0x54: {  	v14 =	vshrl.u32 v6, $0x10;
	v61 =	vmul.f32 v8, v8;
	v10 =	vadd.f32 v10, v11  }
0x55: {  	v15 =	vshrl.u32 v8, $0x10;
	v13 =	vand.u32 $0xFFFF0000, v13;
	v14 =	vand.u32 $0x1, v14  }
0x56: {  	[tilespmem:s5+$0x0] =	vst v12;
	v9 =	vand.u32 $0x1, v9;
	v6 =	vadd.s32 v14, v6;
	v10 =	vadd.f32 v61, v10  }
0x57: {  	[tilespmem:s8+$0x0] =	vst v13;
	v62 =	vand.u32 $0x1, v15;
	v7 =	vadd.s32 v9, v7;
	v6 =	vadd.s32 $0x7FFF, v6  }
0x58: {  	v63 =	vadd.s32 v62, v8;
	v7 =	vadd.s32 $0x7FFF, v7;
	v6 =	vand.u32 $0xFFFF0000, v6;
	[tilespmem:s10+$0xFFFFFFF0] =	vst v10  }
0x59: {  	v8 =	vadd.s32 $0x7FFF, v63;
	v7 =	vand.u32 $0xFFFF0000, v7;
	[tilespmem:s6+$0xFFFFFFF0] =	vst v6  }
0x5a: {  	v6 =	vand.u32 $0xFFFF0000, v8;
	[tilespmem:s5+$0xFFFFFFF0] =	vst v7  }
0x5b: {  	[tilespmem:s11+$0xFFFFFFF0] =	vst v6  }
0x5c: {  	v5 =	vbroadcast v5, $0x0;
	s5 =	simm.s32 $0x0;
	_ =	strace $0x80000048  }
.LBB2_4:
0x5d: {  	s6 =	sshll.u32 s5, $0x1  }
0x5e: {  	s8 =	sor.u32 $0x80, s6  }
0x5f: {  	v6 =	vmov s8  }
0x60: {  	v7 =	vmov s6;
	v8 =	vbroadcast v6, $0x0  }
0x61: {  	s28 =	sor.u32 $0x100, s6  }
0x62: {  	v6 =	vmov s28  }
0x63: {  	v9 =	vbroadcast v6, $0x0  }
0x64: {  	s30 =	sshllo.u32 s5, $0x1  }
0x65: {  	s31 =	sor.u32 $0x81, s6;
	v6 =	vmov s30;
	v10 =	vld.idx.msk [tilespmem:v7+s22+$0x0], $0xffff  }
0x66: {  	v11 =	vld.idx.msk [tilespmem:v8+s22+$0x0], $0xffff;
	v8 =	vmov s31  }
0x67: {  	s6 =	sor.u32 $0x101, s6  }
0x68: {  	v12 =	vmov s6  }
0x69: {  	v9 =	vld.idx.msk [tilespmem:v9+s22+$0x0], $0xffff  }
0x6a: {  	v13 =	vld.idx.msk [tilespmem:v6+s22+$0x0], $0xffff  }
0x6b: {  	v14 =	vmul.f32 v10, v10;
	v15 =	vmul.f32 v11, v11;
	v16 =	vld.idx.msk [tilespmem:v8+s22+$0x0], $0xffff;
	_ =	sdelay $0x1  }
0x6c: {  	v8 =	vadd.f32 v15, v14;
	v15 =	vld.idx.msk [tilespmem:v12+s22+$0x0], $0xffff  }
0x6d: {  	v14 =	vmul.f32 v9, v9;
	v12 =	vshrl.u32 v10, $0x10  }
0x6e: {  	v17 =	vmul.f32 v13, v13;
	v12 =	vand.u32 $0x1, v12  }
0x6f: {  	v8 =	vadd.f32 v14, v8;
	v14 =	vshrl.u32 v11, $0x10;
	v18 =	vmul.f32 v16, v16  }
0x70: {  	v10 =	vadd.s32 v12, v10;
	v12 =	vand.u32 $0x1, v14;
	v14 =	vshrl.u32 v9, $0x10  }
0x71: {  	v14 =	vand.u32 $0x1, v14;
	v17 =	vadd.f32 v18, v17;
	v63 =	vmul.f32 v15, v15  }
0x72: {  	v11 =	vadd.s32 v12, v11;
	v12 =	vadd.s32 v14, v9;
	v14 =	vshrl.u32 v13, $0x10  }
0x73: {  	v14 =	vand.u32 $0x1, v14;
	v9 =	vadd.f32 v63, v17;
	v17 =	vshrl.u32 v16, $0x10  }
0x74: {  	v10 =	vadd.s32 $0x7FFF, v10;
	v13 =	vadd.s32 v14, v13;
	v14 =	vand.u32 $0x1, v17  }
0x75: {  	v10 =	vand.u32 $0xFFFF0000, v10;
	v14 =	vadd.s32 v14, v16;
	v16 =	vshrl.u32 v15, $0x10  }
0x76: {  	v11 =	vadd.s32 $0x7FFF, v11;
	v12 =	vadd.s32 $0x7FFF, v12;
	v16 =	vand.u32 $0x1, v16  }
0x77: {  	s10 =	simm.s32 $0x20;
	s11 =	simm.s32 $0x4020;
	v11 =	vand.u32 $0xFFFF0000, v11;
	v12 =	vand.u32 $0xFFFF0000, v12;
	v15 =	vadd.s32 v16, v15  }
0x78: {  	s12 =	simm.s32 $0x8020;
	s14 =	simm.s32 $0x0;
	s18 =	simm.s32 $0x0;
	v13 =	vadd.s32 $0x7FFF, v13;
	v14 =	vadd.s32 $0x7FFF, v14;
	v15 =	vadd.s32 $0x7FFF, v15  }
0x79: {  	s9 =	simm.s32 $0x0;
	s16 =	simm.s32 $0x0;
	s8 =	simm.s32 $0xC020;
	v13 =	vand.u32 $0xFFFF0000, v13;
	v14 =	vand.u32 $0xFFFF0000, v14;
	v15 =	vand.u32 $0xFFFF0000, v15  }
.LBB2_5:
0x7a: {  	v16 =	vld [tilespmem:s10+$0xFFFFFFE0]  }
0x7b: {  	v17 =	vld [tilespmem:s11+$0xFFFFFFE0]  }
0x7c: {  	v18 =	vld [tilespmem:s12+$0xFFFFFFE0]  }
0x7d: {  	v19 =	vld [tilespmem:s8+$0xFFFFFFE0]  }
0x7e: {  	v22 =	vld [tilespmem:s10+$0xFFFFFFF0]  }
0x7f: {  	v23 =	vld [tilespmem:s11+$0xFFFFFFF0]  }
0x80: {  	v24 =	vld [tilespmem:s12+$0xFFFFFFF0]  }
0x81: {  	v31 =	vld [tilespmem:s8+$0xFFFFFFF0]  }
0x82: {  	v32 =	vld [tilespmem:s10+$0x0]  }
0x83: {  	v33 =	vld [tilespmem:s11+$0x0]  }
0x84: {  	v35 =	vld [tilespmem:s12+$0x0]  }
0x85: {  	v37 =	vld [tilespmem:s8+$0x0];
	v20 =	vmul.f32 v10, v16;
	v21 =	vmul.f32 v11, v17  }
0x86: {  	v49 =	vld [tilespmem:s8+$0x10];
	v29 =	vmul.f32 v12, v18;
	v16 =	vmul.f32 v13, v16  }
0x87: {  	v17 =	vmul.f32 v14, v17;
	v25 =	vmul.f32 v10, v22  }
0x88: {  	v30 =	vadd.f32 v19, v8;
	v26 =	vmul.f32 v11, v23;
	v22 =	vmul.f32 v13, v22  }
0x89: {  	v23 =	vmul.f32 v14, v23;
	v19 =	vadd.f32 v19, v9;
	v34 =	vmul.f32 v15, v24  }
0x8a: {  	v36 =	vadd.f32 v31, v8;
	v40 =	vmul.f32 v10, v32;
	v27 =	vmul.f32 v11, v33  }
0x8b: {  	v42 =	vmul.f32 v12, v35;
	v46 =	vadd.f32 v37, v8;
	v57 =	vadd.f32 v49, v8  }
0x8c: {  	v39 =	vld [tilespmem:s10+$0x10];
	v45 =	vmul.f32 v15, v35;
	v20 =	vadd.f32 v21, v20;
	v16 =	vadd.f32 v17, v16  }
0x8d: {  	v28 =	vld [tilespmem:s11+$0x10];
	v17 =	vmul.f32 v15, v18;
	v25 =	vadd.f32 v26, v25;
	v22 =	vadd.f32 v23, v22  }
0x8e: {  	v43 =	vld [tilespmem:s12+$0x10];
	v18 =	vadd.f32 v31, v9;
	v21 =	vmul.f32 v13, v32;
	v20 =	vadd.f32 v29, v20  }
0x8f: {  	v41 =	vadd.f32 v27, v40;
	v16 =	vadd.f32 v17, v16;
	v17 =	vmul.f32 v12, v24  }
0x90: {  	v26 =	vmul.f32 v14, v33;
	v38 =	vadd.f32 v34, v22;
	v20 =	vadd.f32 v20, v20  }
0x91: {  	v47 =	vmul.f32 v10, v39;
	v16 =	vadd.f32 v16, v16;
	v17 =	vadd.f32 v17, v25  }
0x92: {  	v48 =	vmul.f32 v11, v28;
	v44 =	vadd.f32 v26, v21;
	v20 =	vsub.f32 v30, v20  }
0x93: {  	v50 =	vmul.f32 v12, v43;
	v16 =	vsub.f32 v19, v16;
	v17 =	vadd.f32 v17, v17  }
0x94: {  	v21 =	vadd.f32 v48, v47;
	vm0 =	vlt.f32 v20, v5;
	v20 =	vadd.f32 v38, v38  }
0x95: {  	v17 =	vsub.f32 v36, v17;
	vm1 =	vlt.f32 v16, v5;
	v16 =	vadd.f32 v42, v41  }
0x96: {  	v51 =	vmul.f32 v13, v39;
	v18 =	vsub.f32 v18, v20;
	v20 =	vadd.f32 v45, v44  }
0x97: {  	v52 =	vmul.f32 v14, v28;
	v53 =	vadd.f32 v50, v21;
	v16 =	vadd.f32 v16, v16  }
0x98: {  	vm2 =	vlt.f32 v17, v5;
	v17 =	vadd.f32 v37, v9;
	v20 =	vadd.f32 v20, v20  }
0x99: {  	v56 =	vmul.f32 v15, v43;
	v19 =	vadd.f32 v52, v51;
	v16 =	vsub.f32 v46, v16  }
0x9a: {  	v54 =	vsel vm0, $0x1, v2;
	v17 =	vsub.f32 v17, v20;
	v20 =	vadd.f32 v53, v53  }
0x9b: {  	v55 =	vsel vm1, $0x1, v2;
	(xrf0) =	vadd.scan.msk.s32 $0xffff, v54;
	vm3 =	vlt.f32 v16, v5  }
0x9c: {  	(xrf0) =	vadd.scan.msk.s32 $0xffff, v55;
	v16 =	vadd.f32 v56, v19;
	vm5 =	vlt.f32 v17, v5;
	v17 =	vsub.f32 v57, v20  }
0x9d: {  	v61 =	vadd.f32 v49, v9;
	v58 =	vsel vm2, $0x1, v2;
	vm4 =	vlt.f32 v18, v5  }
0x9e: {  	(xrf0) =	vadd.scan.msk.s32 $0xffff, v58;
	v59 =	vsel vm4, $0x1, v2;
	v16 =	vadd.f32 v16, v16;
	vm6 =	vlt.f32 v17, v5  }
0x9f: {  	(xrf0) =	vadd.scan.msk.s32 $0xffff, v59;
	v60 =	vsel vm3, $0x1, v2;
	v17 =	vsel vm6, $0x1, v2  }
0xa0: {  	(xrf0) =	vadd.scan.msk.s32 $0xffff, v60;
	v62 =	vsel vm5, $0x1, v2;
	v16 =	vsub.f32 v61, v16  }
0xa1: {  	v63, _, _ =	vpop (xrf0);
	(xrf0) =	vadd.scan.msk.s32 $0xffff, v62  }
0xa2: {  	(v2sf) =	vpush v63, $0xF;
	(xrf0) =	vadd.scan.msk.s32 $0xffff, v17;
	vm7 =	vlt.f32 v16, v5;
	v17, _, _ =	vpop (xrf0)  }
0xa3: {  	(v2sf) =	vpush v17, $0xF;
	v17 =	vsel vm7, $0x1, v2  }
0xa4: {  	(xrf0) =	vadd.scan.msk.s32 $0xffff, v17  }
0xa5: {  	v16, _, _ =	vpop (xrf0)  }
0xa6: {  	(v2sf) =	vpush v16, $0xF;
	v16, _, _ =	vpop (xrf0)  }
0xa7: {  	(v2sf) =	vpush v16, $0xF;
	v17, _, _ =	vpop (xrf0)  }
0xa8: {  	v16, _, _ =	vpop (xrf0);
	(v2sf) =	vpush v17, $0xF  }
0xa9: {  	v17, _, _ =	vpop (xrf0);
	(v2sf) =	vpush v16, $0xF  }
0xaa: {  	(v2sf) =	vpush v17, $0xF;
	v16, _, _ =	vpop (xrf0)  }
0xab: {  	(v2sf) =	vpush v16, $0xF;
	_ =	sdelay $0x7  }
0xac: {  	s17 =	spop (v2sf)  }
0xad: {  	p0 =	slt.s32 s9, $0x40;
	s15 =	smov.u32 s9;
	s21 =	spop (v2sf)  }
0xae: {  	s15 =	simm.s32 @!p0 $0x40;
	s23 =	spop (v2sf)  }
0xaf: {  	s6 =	smov.u32 s18;
	s30 =	sadd.s32 $0x10180, s15;
	s24 =	spop (v2sf)  }
0xb0: {  	p0 =	slt.s32 s18, $0x40;
	s30 =	sadd.s32 s17, s30;
	s25 =	spop (v2sf)  }
0xb1: {  	v16 =	vor.u32 s14, v0;
	s17 =	sadd.s32 s9, s17;
	s18 =	sadd.s32 s18, s21;
	s28 =	spop (v2sf)  }
0xb2: {  	[tilespmem:s15+$0x10180] =	vst.msk vm0, v16;
	s9 =	sadd.s32 s23, s17;
	s15 =	sadd.s32 s24, s18;
	s0 =	spop (v2sf)  }
0xb3: {  	s9 =	sadd.s32 s25, s9;
	s15 =	sadd.s32 s28, s15;
	s13 =	spop (v2sf)  }
0xb4: {  	s31 =	sadd.s32 $0x10, s14;
	s9 =	sadd.s32 s0, s9;
	s18 =	sadd.s32 s13, s15  }
0xb5: {  	s6 =	simm.s32 @!p0 $0x40;
	p1 =	slt.s32 s9, $0x40;
	p0 =	slt.s32 s18, $0x40  }
0xb6: {  	p3 =	sgt.u32 s16, $0xFE;
	s1 =	sadd.s32 $0x10280, s6;
	[tilespmem:s6+$0x10280] =	vst.msk vm1, v16;
	v16 =	vor.u32 s31, v0;
	p2 =	por p1, p0  }
0xb7: {  	s2 =	sadd.s32 $0x20, s14;
	[tilespmem:s30+$0x0] =	vst.msk vm2, v16;
	s1 =	sadd.s32 s21, s1;
	p2 =	por p3, !p2  }
.Ltmp1:
0xb8: {  	s21 =	sadd.s32 s23, s30;
	[tilespmem:s1+$0x0] =	vst.msk vm4, v16;
	v16 =	vor.u32 s2, v0;
	(pc) =	sbr.rel @!p2 .LBB2_5-.Ltmp1, $4  }
0xb9: {  	s3 =	sadd.s32 $0x30, s14;
	s24 =	sadd.s32 s24, s1;
	[tilespmem:s21+$0x0] =	vst.msk vm3, v16  }
0xba: {  	s8 =	sadd.s32 $0x40, s8;
	s10 =	sadd.s32 $0x40, s10;
	[tilespmem:s24+$0x0] =	vst.msk vm5, v16;
	v16 =	vor.u32 s3, v0;
	s25 =	sadd.s32 s25, s21  }
0xbb: {  	s11 =	sadd.s32 $0x40, s11;
	s31 =	sadd.s32 $0x1, s16;
	s30 =	sadd.s32 s28, s24;
	[tilespmem:s25+$0x0] =	vst.msk vm6, v16  }
0xbc: {  	s12 =	sadd.s32 $0x40, s12;
	s14 =	sadd.s32 $0x40, s14;
	s16 =	smov.u32 s31;
	[tilespmem:s30+$0x0] =	vst.msk vm7, v16  }
0xbd: {  	s0 =	simm.s32 $0x10180  }
0xbe: {  	v8 =	vld.msk [tilespmem:s0+$0x0], $0xffff  }
0xbf: {  	v9 =	vld [tilespmem:$0x10180]  }
0xc0: {  	s9 =	simm.s32 @!p1 $0x40;
	v10 =	vor.u32 v1, v7  }
0xc1: {  	v11 =	vmov s9  }
0xc2: {  	vm0 =	vgt.s32 v11, $0x0  }
0xc3: {  	vm7 =	vgt.s32 v11, v0;
	v8 =	vnsel vm0, $0x0, v8  }
0xc4: {  	v9 =	vsel vm7, v9, v8  }
0xc5: {  	[tilespmem:v10+s26+$0x0] =	vst.idx.msk $0xffff, v9  }
0xc6: {  	v9 =	vld [tilespmem:$0x10190]  }
0xc7: {  	v57 =	vor.u32 v4, v7;
	_ =	sdelay $0x2  }
0xc8: {  	vm8 =	vgt.s32 v11, v3  }
0xc9: {  	v9 =	vsel vm8, v9, v8  }
0xca: {  	[tilespmem:v57+s26+$0x0] =	vst.idx.msk $0xffff, v9  }
0xcb: {  	v58 =	vor.u32 $0x1000, v1;
	v9 =	vld [tilespmem:$0x101A0]  }
0xcc: {  	v12 =	vor.u32 v58, v7;
	_ =	sdelay $0x1  }
0xcd: {  	v13 =	vor.u32 $0x20, v0  }
0xce: {  	vm9 =	vgt.s32 v11, v13  }
0xcf: {  	v9 =	vsel vm9, v9, v8  }
0xd0: {  	[tilespmem:v12+s26+$0x0] =	vst.idx.msk $0xffff, v9  }
0xd1: {  	v59 =	vor.u32 $0x1800, v1;
	v9 =	vld [tilespmem:$0x101B0]  }
0xd2: {  	v7 =	vor.u32 v59, v7;
	_ =	sdelay $0x1  }
0xd3: {  	v14 =	vor.u32 $0x30, v0  }
0xd4: {  	vm10 =	vgt.s32 v11, v14  }
0xd5: {  	v8 =	vsel vm10, v9, v8  }
0xd6: {  	s31 =	simm.s32 $0x10280;
	[tilespmem:v7+s26+$0x0] =	vst.idx.msk $0xffff, v8  }
0xd7: {  	v7 =	vld.msk [tilespmem:s31+$0x0], $0xffff  }
0xd8: {  	v8 =	vld [tilespmem:$0x10280]  }
0xd9: {  	s18 =	simm.s32 @!p0 $0x40;
	v60 =	vor.u32 v1, v6  }
0xda: {  	v61 =	vmov s18  }
0xdb: {  	vm11 =	vgt.s32 v61, $0x0  }
0xdc: {  	vm12 =	vgt.s32 v61, v0;
	v7 =	vnsel vm11, $0x0, v7  }
0xdd: {  	v8 =	vsel vm12, v8, v7  }
0xde: {  	[tilespmem:v60+s26+$0x0] =	vst.idx.msk $0xffff, v8  }
0xdf: {  	v8 =	vld [tilespmem:$0x10290]  }
0xe0: {  	v62 =	vor.u32 v4, v6;
	_ =	sdelay $0x2  }
0xe1: {  	vm13 =	vgt.s32 v61, v3  }
0xe2: {  	v8 =	vsel vm13, v8, v7  }
0xe3: {  	[tilespmem:v62+s26+$0x0] =	vst.idx.msk $0xffff, v8  }
0xe4: {  	v8 =	vld [tilespmem:$0x102A0]  }
0xe5: {  	v63 =	vor.u32 v58, v6;
	_ =	sdelay $0x2  }
0xe6: {  	vm14 =	vgt.s32 v61, v13  }
0xe7: {  	v8 =	vsel vm14, v8, v7  }
0xe8: {  	[tilespmem:v63+s26+$0x0] =	vst.idx.msk $0xffff, v8  }
0xe9: {  	s5 =	sadd.s32 $0x1, s5;
	v8 =	vld [tilespmem:$0x102B0]  }
0xea: {  	v6 =	vor.u32 v59, v6;
	p0 =	sne.s32 s5, $0x40  }
.Ltmp2:
0xeb: {  	_ = 	snop;
	(pc) =	sbr.rel @p0 .LBB2_4-.Ltmp2, $4  }
0xec: {  	_ = 	snop  }
0xed: {  	vm15 =	vgt.s32 v61, v14  }
0xee: {  	v7 =	vsel vm15, v8, v7  }
0xef: {  	[tilespmem:v6+s26+$0x0] =	vst.idx.msk $0xffff, v7  }
0xf0: {  	_ =	strace $0x90000048  }
0xf1: {  	_ =	strace $0x80000049  }
0xf2: {  	s18 =	rddreg [dreg:$0x5]  }
0xf3: {  	s25 =	rddreg [dreg:$0x6]  }
0xf4: {  	s2 =	rddreg [dreg:$0x1]  }
.Ltmp3:
0xf5: {  	s3 =	rddreg [dreg:$0x2];
	(pc) =	sbr.rel .LBB2_8-.Ltmp3, $4  }
0xf6: {  	s24 =	simm.s32 $0x0;
	s28 =	simm.s32 $0x80;
	s9 =	rddreg [dreg:$0x7]  }
0xf7: {  	[tilespmem:s24], [sflag:$0x1] =	stream.strided.gather [hbm4b:s18+s28], $0x4000, s19, s28, $0x200038;
	[tilespmem:$0x16400] =	vst v63  }
0xf8: {  	s30 =	simm.s32 $0x2000;
	s31 =	simm.s32 $0x12380;
	s13 =	rddreg [dreg:$0xb]  }
0xf9: {  	[tilespmem:s20], [sflag:$0x2] =	stream.strided.gather [hbm4b:s25+s28], $0x4000, s19, s28, $0x200038;
	[tilespmem:$0x16400] =	vst v63  }
.LBB2_24:
0xfa: {  	s0 =	sshll.u32 s24, $0xF  }
0xfb: {  	s0 =	sand.u32 $0x3E0000, s0  }
0xfc: {  	s1 =	sand.u32 $0x300, s5;
	s0 =	sadd.s32 s13, s0  }
0xfd: {  	s0 =	sor.u32 s1, s0  }
0xfe: {  	s0 =	sshrl.u32 s0, $0x3  }
0xff: {  	s0 =	sadd.s32 s2, s0  }
0x100: {  	[tilespmem:s20], [sflag:$0x2] =	stream.strided.gather [hbm4b:s0+s28], $0x4000, s19, s28, $0x200038;
	[tilespmem:$0x16400] =	vst v63  }
.LBB2_25:
0x101: {  	s24 =	sadd.s32 $0x1, s24  }
0x102: {  	p0 =	sne.s32 s24, $0x41  }
.Ltmp4:
0x103: {  	s0 =	sshll.u32 s10, $0x10;
	(pc) =	sbr.rel @!p0 .LBB2_26-.Ltmp4, $4  }
0x104: {  	s0 =	sadd.s32 s7, s0  }
0x105: {  	s0 =	sshrl.u32 s0, $0x3  }
0x106: {  	s1 =	simm.s32 $0x14380;
	s0 =	sadd.s32 s3, s0  }
0x107: {  	[hbm4b:s0+s19] =	stream.strided.scatter [tilespmem:s1], [sflag:$0x4], $0x2000, s30, s19, $0x200038;
	[tilespmem:$0x16400] =	vst v63  }
.LBB2_8:
0x108: {  	p0 =	seq.s32 s24, $0x0  }
0x109: {  	p1 =	sne.s32 @!p0 s24, $0x1  }
0x10a: {  	_ =	swait.ge [sflag:s29], $0x4000;
	p1 =	por p0, !p1  }
.Ltmp5:
0x10b: {  	[sflag:s29] =	ssyncset.done $0x0;
	(pc) =	sbr.rel @!p1 .LBB2_9-.Ltmp5, $4  }
0x10c: {  	s0 =	simm.s32 @!p0 $0x3;
	[sflag:s29] =	ssyncadd.s32 $0xFFFFC000  }
0x10d: {  	_ =	swait.ge @!p0 [sflag:s0], $0x2000  }
0x10e: {  	[sflag:s0] =	ssyncset.done @!p0 $0x0  }
0x10f: {  	s10 =	sshll.u32 s24, $0x1;
	s5 =	sshll.u32 s24, $0x8;
	[sflag:s0] =	ssyncadd.s32 @!p0 $0xFFFFE000  }
0x110: {  	s16 =	simm.s32 $0x10400  }
0x111: {  	v5 =	vld [tilespmem:s16+$0x0];
	_ =	sdelay $0x3  }
0x112: {  	v7 =	vld [tilespmem:s16+$0xFFFFFF80];
	_ =	sdelay $0x1  }
0x113: {  	s11 =	sand.u32 $0x3FFFFF00, s5  }
0x114: {  	v6 =	vld [tilespmem:s11+$0x10000]  }
0x115: {  	v5 =	vld.idx.msk [tilespmem:v5+s4+$0x0], $0xffff;
	_ =	sdelay $0x3  }
0x116: {  	v7 =	vld.idx.msk [tilespmem:v7+s4+$0x0], $0xffff  }
0x117: {  	v5 =	vsub.f32 v5, v6  }
0x118: {  	s12 =	simm.s32 $0x12400  }
0x119: {  	[tilespmem:s12+$0x0] =	vst v5  }
0x11a: {  	v5 =	vld [tilespmem:s16+$0x10]  }
0x11b: {  	v6 =	vsub.f32 v7, v6;
	_ =	sdelay $0x1  }
0x11c: {  	[tilespmem:s12+$0xFFFFFF80] =	vst v6  }
0x11d: {  	v6 =	vld [tilespmem:s16+$0xFFFFFF90];
	_ =	sdelay $0x2  }
0x11e: {  	v8 =	vld [tilespmem:s11+$0x10010]  }
0x11f: {  	v5 =	vld.idx.msk [tilespmem:v5+s4+$0x0], $0xffff;
	_ =	sdelay $0x2  }
0x120: {  	v7 =	vld [tilespmem:s11+$0x10010]  }
0x121: {  	v6 =	vld.idx.msk [tilespmem:v6+s4+$0x0], $0xffff  }
0x122: {  	v5 =	vsub.f32 v5, v8;
	_ =	sdelay $0x1  }
0x123: {  	[tilespmem:s12+$0x10] =	vst v5  }
0x124: {  	v5 =	vld [tilespmem:s16+$0x20]  }
0x125: {  	v6 =	vsub.f32 v6, v7;
	_ =	sdelay $0x1  }
0x126: {  	[tilespmem:s12+$0xFFFFFF90] =	vst v6  }
0x127: {  	s15 =	simm.s32 $0x10500;
	v6 =	vld [tilespmem:s16+$0xFFFFFFA0]  }
0x128: {  	v9 =	vld [tilespmem:s15+$0x0];
	_ =	sdelay $0x1  }
0x129: {  	v8 =	vld [tilespmem:s11+$0x10020]  }
0x12a: {  	v5 =	vld.idx.msk [tilespmem:v5+s4+$0x0], $0xffff;
	_ =	sdelay $0x1  }
0x12b: {  	v7 =	vld [tilespmem:s15+$0xFFFFFF80]  }
0x12c: {  	v10 =	vld [tilespmem:s11+$0x10020]  }
0x12d: {  	v6 =	vld.idx.msk [tilespmem:v6+s4+$0x0], $0xffff  }
0x12e: {  	v5 =	vsub.f32 v5, v8;
	v8 =	vld.idx.msk [tilespmem:v9+s4+$0x0], $0xffff  }
0x12f: {  	v9 =	vld [tilespmem:s11+$0x10000];
	_ =	sdelay $0x1  }
0x130: {  	[tilespmem:s12+$0x20] =	vst v5  }
0x131: {  	v5 =	vld [tilespmem:s16+$0x30]  }
0x132: {  	v6 =	vsub.f32 v6, v10  }
0x133: {  	v7 =	vld.idx.msk [tilespmem:v7+s4+$0x0], $0xffff;
	v8 =	vsub.f32 v8, v9  }
0x134: {  	s14 =	simm.s32 $0x12500;
	[tilespmem:s12+$0xFFFFFFA0] =	vst v6  }
0x135: {  	v6 =	vld [tilespmem:s16+$0xFFFFFFB0];
	[tilespmem:s14+$0x0] =	vst v8  }
0x136: {  	v8 =	vld [tilespmem:s15+$0x10];
	_ =	sdelay $0x1  }
0x137: {  	v11 =	vld [tilespmem:s11+$0x10030];
	v7 =	vsub.f32 v7, v9  }
0x138: {  	v5 =	vld.idx.msk [tilespmem:v5+s4+$0x0], $0xffff  }
0x139: {  	v10 =	vld [tilespmem:s11+$0x10030];
	[tilespmem:s14+$0xFFFFFF80] =	vst v7  }
0x13a: {  	v7 =	vld [tilespmem:s15+$0xFFFFFF90]  }
0x13b: {  	v9 =	vld [tilespmem:s11+$0x10010]  }
0x13c: {  	v6 =	vld.idx.msk [tilespmem:v6+s4+$0x0], $0xffff  }
0x13d: {  	v5 =	vsub.f32 v5, v11;
	v8 =	vld.idx.msk [tilespmem:v8+s4+$0x0], $0xffff;
	_ =	sdelay $0x1  }
0x13e: {  	[tilespmem:s12+$0x30] =	vst v5  }
0x13f: {  	v5 =	vld [tilespmem:s16+$0x40]  }
0x140: {  	v6 =	vsub.f32 v6, v10  }
0x141: {  	v11 =	vld [tilespmem:s11+$0x10010];
	v8 =	vsub.f32 v8, v9  }
0x142: {  	v7 =	vld.idx.msk [tilespmem:v7+s4+$0x0], $0xffff;
	[tilespmem:s12+$0xFFFFFFB0] =	vst v6  }
0x143: {  	v6 =	vld [tilespmem:s16+$0xFFFFFFC0];
	[tilespmem:s14+$0x10] =	vst v8  }
0x144: {  	v8 =	vld [tilespmem:s15+$0x20];
	_ =	sdelay $0x1  }
0x145: {  	v9 =	vld [tilespmem:s11+$0x10040]  }
0x146: {  	v7 =	vsub.f32 v7, v11;
	v5 =	vld.idx.msk [tilespmem:v5+s4+$0x0], $0xffff;
	_ =	sdelay $0x1  }
0x147: {  	v10 =	vld [tilespmem:s11+$0x10040];
	[tilespmem:s14+$0xFFFFFF90] =	vst v7  }
0x148: {  	v7 =	vld [tilespmem:s15+$0xFFFFFFA0]  }
0x149: {  	v6 =	vld.idx.msk [tilespmem:v6+s4+$0x0], $0xffff  }
0x14a: {  	v5 =	vsub.f32 v5, v9;
	v8 =	vld.idx.msk [tilespmem:v8+s4+$0x0], $0xffff  }
0x14b: {  	v9 =	vld [tilespmem:s11+$0x10020]  }
0x14c: {  	[tilespmem:s12+$0x40] =	vst v5  }
0x14d: {  	s6 =	simm.s32 $0x10600;
	v5 =	vld [tilespmem:s16+$0x50]  }
0x14e: {  	v11 =	vld [tilespmem:s6+$0x0];
	_ =	sdelay $0x1  }
0x14f: {  	v6 =	vsub.f32 v6, v10;
	v10 =	vld [tilespmem:s6+$0xFFFFFF80];
	v8 =	vsub.f32 v8, v9  }
0x150: {  	v7 =	vld.idx.msk [tilespmem:v7+s4+$0x0], $0xffff  }
0x151: {  	v9 =	vld [tilespmem:s11+$0x10020];
	[tilespmem:s14+$0x20] =	vst v8  }
0x152: {  	v8 =	vld [tilespmem:s15+$0x30]  }
0x153: {  	v12 =	vld [tilespmem:s11+$0x10050]  }
0x154: {  	v5 =	vld.idx.msk [tilespmem:v5+s4+$0x0], $0xffff  }
0x155: {  	v11 =	vld.idx.msk [tilespmem:v11+s4+$0x0], $0xffff;
	[tilespmem:s12+$0xFFFFFFC0] =	vst v6  }
0x156: {  	v6 =	vld [tilespmem:s16+$0xFFFFFFD0]  }
0x157: {  	v7 =	vsub.f32 v7, v9;
	v9 =	vld.idx.msk [tilespmem:v10+s4+$0x0], $0xffff  }
0x158: {  	v10 =	vld [tilespmem:s11+$0x10030]  }
0x159: {  	v5 =	vsub.f32 v5, v12;
	v12 =	vld [tilespmem:s11+$0x10000]  }
0x15a: {  	v8 =	vld.idx.msk [tilespmem:v8+s4+$0x0], $0xffff  }
0x15b: {  	[tilespmem:s12+$0x50] =	vst v5  }
0x15c: {  	s8 =	simm.s32 $0x10700;
	v5 =	vld [tilespmem:s16+$0x60]  }
0x15d: {  	v16 =	vld [tilespmem:s8+$0x0]  }
0x15e: {  	v13 =	vld [tilespmem:s11+$0x10050];
	[tilespmem:s14+$0xFFFFFFA0] =	vst v7;
	v7 =	vsub.f32 v11, v12  }
0x15f: {  	s21 =	simm.s32 $0x12600;
	v6 =	vld.idx.msk [tilespmem:v6+s4+$0x0], $0xffff;
	v8 =	vsub.f32 v8, v10  }
0x160: {  	v11 =	vld [tilespmem:s15+$0xFFFFFFB0];
	[tilespmem:s21+$0x0] =	vst v7  }
0x161: {  	v7 =	vsub.f32 v9, v12;
	[tilespmem:s14+$0x30] =	vst v8;
	v9 =	vld [tilespmem:s6+$0x10]  }
0x162: {  	v8 =	vld [tilespmem:s15+$0x40]  }
0x163: {  	[tilespmem:s21+$0xFFFFFF80] =	vst v7;
	v7 =	vld [tilespmem:s11+$0x10060]  }
0x164: {  	v5 =	vld.idx.msk [tilespmem:v5+s4+$0x0], $0xffff  }
0x165: {  	v10 =	vld [tilespmem:s6+$0xFFFFFF90]  }
0x166: {  	v14 =	vld [tilespmem:s11+$0x10030]  }
0x167: {  	v12 =	vld [tilespmem:s11+$0x10010]  }
0x168: {  	v11 =	vld.idx.msk [tilespmem:v11+s4+$0x0], $0xffff  }
0x169: {  	v5 =	vsub.f32 v5, v7;
	v7 =	vld.idx.msk [tilespmem:v9+s4+$0x0], $0xffff  }
0x16a: {  	v9 =	vld [tilespmem:s11+$0x10010]  }
0x16b: {  	v6 =	vsub.f32 v6, v13;
	v8 =	vld.idx.msk [tilespmem:v8+s4+$0x0], $0xffff;
	[tilespmem:s12+$0x60] =	vst v5  }
0x16c: {  	v5 =	vld [tilespmem:s16+$0x70]  }
0x16d: {  	[tilespmem:s12+$0xFFFFFFD0] =	vst v6;
	v6 =	vld.idx.msk [tilespmem:v10+s4+$0x0], $0xffff  }
0x16e: {  	v10 =	vld [tilespmem:s16+$0xFFFFFFE0];
	v11 =	vsub.f32 v11, v14  }
0x16f: {  	v7 =	vsub.f32 v7, v9;
	v9 =	vld [tilespmem:s11+$0x10040]  }
0x170: {  	v14 =	vld [tilespmem:s11+$0x10070];
	[tilespmem:s14+$0xFFFFFFB0] =	vst v11  }
0x171: {  	[tilespmem:s21+$0x10] =	vst v7;
	v7 =	vld [tilespmem:s15+$0xFFFFFFC0]  }
0x172: {  	v11 =	vld [tilespmem:s11+$0x10060];
	v6 =	vsub.f32 v6, v12  }
0x173: {  	v12 =	vld [tilespmem:s6+$0x20]  }
0x174: {  	[tilespmem:s21+$0xFFFFFF90] =	vst v6;
	v13 =	vld.idx.msk [tilespmem:v5+s4+$0x0], $0xffff;
	v5 =	vsub.f32 v8, v9  }
0x175: {  	v6 =	vld [tilespmem:s6+$0xFFFFFFA0]  }
0x176: {  	v15 =	vld [tilespmem:s11+$0x10020];
	[tilespmem:s14+$0x40] =	vst v5  }
0x177: {  	v5 =	vld [tilespmem:s15+$0x50]  }
0x178: {  	v9 =	vld [tilespmem:s11+$0x10040]  }
0x179: {  	v7 =	vld.idx.msk [tilespmem:v7+s4+$0x0], $0xffff  }
0x17a: {  	v10 =	vld.idx.msk [tilespmem:v10+s4+$0x0], $0xffff  }
0x17b: {  	v8 =	vld [tilespmem:s11+$0x10020]  }
0x17c: {  	v12 =	vld.idx.msk [tilespmem:v12+s4+$0x0], $0xffff  }
0x17d: {  	v6 =	vld.idx.msk [tilespmem:v6+s4+$0x0], $0xffff  }
0x17e: {  	v7 =	vsub.f32 v7, v9;
	v9 =	vld [tilespmem:s11+$0x10050]  }
0x17f: {  	v5 =	vld.idx.msk [tilespmem:v5+s4+$0x0], $0xffff  }
0x180: {  	[tilespmem:s14+$0xFFFFFFC0] =	vst v7;
	v7 =	vld [tilespmem:s8+$0xFFFFFF80]  }
0x181: {  	v12 =	vsub.f32 v12, v15;
	v15 =	vld.idx.msk [tilespmem:v16+s4+$0x0], $0xffff  }
0x182: {  	v10 =	vsub.f32 v10, v11;
	v11 =	vld [tilespmem:s15+$0xFFFFFFD0]  }
0x183: {  	[tilespmem:s21+$0x20] =	vst v12;
	v12 =	vld [tilespmem:s11+$0x10050]  }
0x184: {  	[tilespmem:s12+$0xFFFFFFE0] =	vst v10;
	v10 =	vld [tilespmem:s6+$0x30];
	v5 =	vsub.f32 v5, v9  }
0x185: {  	v6 =	vsub.f32 v6, v8;
	v8 =	vld [tilespmem:s11+$0x10000]  }
0x186: {  	v17 =	vld [tilespmem:s11+$0x10030];
	[tilespmem:s14+$0x50] =	vst v5  }
0x187: {  	v5 =	vld [tilespmem:s15+$0x60]  }
0x188: {  	[tilespmem:s21+$0xFFFFFFA0] =	vst v6;
	v6 =	vld.idx.msk [tilespmem:v7+s4+$0x0], $0xffff  }
0x189: {  	v7 =	vld [tilespmem:s6+$0xFFFFFFB0]  }
0x18a: {  	v16 =	vld [tilespmem:s11+$0x10030]  }
0x18b: {  	v9 =	vld [tilespmem:s16+$0xFFFFFFF0];
	v15 =	vsub.f32 v15, v8  }
0x18c: {  	s16 =	simm.s32 $0x12700;
	v10 =	vld.idx.msk [tilespmem:v10+s4+$0x0], $0xffff  }
0x18d: {  	[tilespmem:s16+$0x0] =	vst v15;
	v11 =	vld.idx.msk [tilespmem:v11+s4+$0x0], $0xffff;
	v6 =	vsub.f32 v6, v8  }
0x18e: {  	v8 =	vld [tilespmem:s8+$0x10]  }
0x18f: {  	[tilespmem:s16+$0xFFFFFF80] =	vst v6;
	v6 =	vld [tilespmem:s11+$0x10060]  }
0x190: {  	v5 =	vld.idx.msk [tilespmem:v5+s4+$0x0], $0xffff  }
0x191: {  	v10 =	vsub.f32 v10, v17;
	v7 =	vld.idx.msk [tilespmem:v7+s4+$0x0], $0xffff  }
0x192: {  	v15 =	vld [tilespmem:s8+$0xFFFFFF90]  }
0x193: {  	v17 =	vld [tilespmem:s11+$0x10010];
	[tilespmem:s21+$0x30] =	vst v10  }
0x194: {  	v10 =	vld [tilespmem:s6+$0x40]  }
0x195: {  	v6 =	vsub.f32 v5, v6;
	v5 =	vld.idx.msk [tilespmem:v9+s4+$0x0], $0xffff  }
0x196: {  	v8 =	vld.idx.msk [tilespmem:v8+s4+$0x0], $0xffff;
	v7 =	vsub.f32 v7, v16  }
0x197: {  	v9 =	vsub.f32 v11, v12;
	v11 =	vld [tilespmem:s11+$0x10010];
	[tilespmem:s14+$0x60] =	vst v6  }
0x198: {  	[tilespmem:s21+$0xFFFFFFB0] =	vst v7;
	v7 =	vld [tilespmem:s11+$0x10040]  }
0x199: {  	v12 =	vld [tilespmem:s15+$0x70]  }
0x19a: {  	[tilespmem:s14+$0xFFFFFFD0] =	vst v9;
	v9 =	vld.idx.msk [tilespmem:v15+s4+$0x0], $0xffff  }
0x19b: {  	v15 =	vld [tilespmem:s15+$0xFFFFFFE0]  }
0x19c: {  	v6 =	vld [tilespmem:s11+$0x10060]  }
0x19d: {  	v8 =	vsub.f32 v8, v11;
	v10 =	vld.idx.msk [tilespmem:v10+s4+$0x0], $0xffff  }
0x19e: {  	v18 =	vld [tilespmem:s11+$0x10070]  }
0x19f: {  	[tilespmem:s16+$0x10] =	vst v8;
	v8 =	vld [tilespmem:s6+$0xFFFFFFC0]  }
0x1a0: {  	v11 =	vld [tilespmem:s11+$0x10040];
	v9 =	vsub.f32 v9, v17  }
0x1a1: {  	v16 =	vld [tilespmem:s8+$0x20]  }
0x1a2: {  	[tilespmem:s16+$0xFFFFFF90] =	vst v9;
	v7 =	vsub.f32 v10, v7;
	v17 =	vld.idx.msk [tilespmem:v12+s4+$0x0], $0xffff  }
0x1a3: {  	v19 =	vld [tilespmem:s8+$0xFFFFFFA0]  }
0x1a4: {  	v9 =	vld [tilespmem:s11+$0x10020];
	[tilespmem:s21+$0x40] =	vst v7  }
0x1a5: {  	v10 =	vld [tilespmem:s6+$0x50]  }
0x1a6: {  	v7 =	vld [tilespmem:s11+$0x10070]  }
0x1a7: {  	v12 =	vld.idx.msk [tilespmem:v8+s4+$0x0], $0xffff  }
0x1a8: {  	v13 =	vsub.f32 v13, v14;
	v8 =	vld.idx.msk [tilespmem:v15+s4+$0x0], $0xffff  }
0x1a9: {  	v15 =	vld [tilespmem:s11+$0x10020];
	v17 =	vsub.f32 v17, v18  }
0x1aa: {  	[tilespmem:s12+$0x70] =	vst v13;
	v14 =	vld.idx.msk [tilespmem:v16+s4+$0x0], $0xffff  }
0x1ab: {  	s23 =	simm.s32 $0x6;
	s17 =	simm.s32 $0x10800;
	[tilespmem:s14+$0x70] =	vst v17;
	v13 =	vld.idx.msk [tilespmem:v19+s4+$0x0], $0xffff  }
.LBB2_13:
0x1ac: {  	v16 =	vld [tilespmem:s17+$0x0];
	v11 =	vsub.f32 v12, v11  }
0x1ad: {  	v6 =	vsub.f32 v8, v6;
	v10 =	vld.idx.msk [tilespmem:v10+s4+$0x0], $0xffff;
	v5 =	vsub.f32 v5, v7  }
0x1ae: {  	s23 =	sadd.s32 $0x2, s23;
	[tilespmem:s21+$0xFFFFFFC0] =	vst v11;
	v7 =	vld [tilespmem:s11+$0x10050]  }
0x1af: {  	p1 =	slt.u32 s23, $0x3E;
	v8 =	vld [tilespmem:s17+$0xFFFFFF80];
	v11 =	vsub.f32 v14, v15;
	[tilespmem:s14+$0xFFFFFFE0] =	vst v6  }
0x1b0: {  	v6 =	vld [tilespmem:s6+$0xFFFFFFD0];
	[tilespmem:s12+$0xFFFFFFF0] =	vst v5;
	s12 =	smov.u32 s14;
	s14 =	smov.u32 s21;
	s21 =	smov.u32 s16  }
0x1b1: {  	v5 =	vsub.f32 v13, v9;
	[tilespmem:s16+$0x20] =	vst v11;
	v9 =	vld [tilespmem:s11+$0x10050]  }
0x1b2: {  	v11 =	vld [tilespmem:s8+$0x30]  }
0x1b3: {  	[tilespmem:s16+$0xFFFFFFA0] =	vst v5;
	v5 =	vsub.f32 v10, v7;
	v7 =	vld [tilespmem:s15+$0xFFFFFFF0];
	s15 =	smov.u32 s6;
	s6 =	smov.u32 s8;
	s8 =	smov.u32 s17  }
0x1b4: {  	v10 =	vld.idx.msk [tilespmem:v16+s4+$0x0], $0xffff  }
0x1b5: {  	v12 =	vld [tilespmem:s11+$0x10000];
	[tilespmem:s14+$0x50] =	vst v5  }
0x1b6: {  	v5 =	vld [tilespmem:s15+$0x60]  }
0x1b7: {  	v8 =	vld.idx.msk [tilespmem:v8+s4+$0x0], $0xffff  }
0x1b8: {  	v13 =	vld [tilespmem:s6+$0xFFFFFFB0]  }
0x1b9: {  	v14 =	vld [tilespmem:s11+$0x10030]  }
0x1ba: {  	v10 =	vsub.f32 v10, v12;
	v11 =	vld.idx.msk [tilespmem:v11+s4+$0x0], $0xffff  }
0x1bb: {  	s16 =	sadd.s32 $0x100, s16;
	v15 =	vld [tilespmem:s11+$0x10030]  }
0x1bc: {  	[tilespmem:s16+$0x0] =	vst v10;
	v6 =	vld.idx.msk [tilespmem:v6+s4+$0x0], $0xffff  }
0x1bd: {  	v8 =	vsub.f32 v8, v12;
	v10 =	vld [tilespmem:s17+$0x10]  }
0x1be: {  	v5 =	vld.idx.msk [tilespmem:v5+s4+$0x0], $0xffff  }
0x1bf: {  	[tilespmem:s16+$0xFFFFFF80] =	vst v8;
	v8 =	vld [tilespmem:s11+$0x10060]  }
0x1c0: {  	v12 =	vld [tilespmem:s17+$0xFFFFFF90];
	v11 =	vsub.f32 v11, v15  }
0x1c1: {  	v15 =	vld [tilespmem:s11+$0x10010]  }
0x1c2: {  	v6 =	vsub.f32 v6, v9;
	v13 =	vld.idx.msk [tilespmem:v13+s4+$0x0], $0xffff;
	[tilespmem:s21+$0x30] =	vst v11  }
0x1c3: {  	v9 =	vld [tilespmem:s6+$0x40]  }
0x1c4: {  	[tilespmem:s14+$0xFFFFFFD0] =	vst v6;
	v6 =	vsub.f32 v5, v8;
	v5 =	vld.idx.msk [tilespmem:v7+s4+$0x0], $0xffff  }
0x1c5: {  	v7 =	vld.idx.msk [tilespmem:v10+s4+$0x0], $0xffff  }
0x1c6: {  	v8 =	vld [tilespmem:s11+$0x10010];
	[tilespmem:s14+$0x60] =	vst v6  }
0x1c7: {  	v10 =	vld [tilespmem:s15+$0x70]  }
0x1c8: {  	v6 =	vsub.f32 v13, v14;
	v11 =	vld.idx.msk [tilespmem:v12+s4+$0x0], $0xffff  }
0x1c9: {  	v13 =	vld [tilespmem:s15+$0xFFFFFFE0]  }
0x1ca: {  	[tilespmem:s21+$0xFFFFFFB0] =	vst v6;
	v6 =	vld [tilespmem:s11+$0x10060]  }
0x1cb: {  	v7 =	vsub.f32 v7, v8;
	v8 =	vld.idx.msk [tilespmem:v9+s4+$0x0], $0xffff  }
0x1cc: {  	v9 =	vld [tilespmem:s11+$0x10040]  }
0x1cd: {  	[tilespmem:s16+$0x10] =	vst v7;
	v7 =	vld [tilespmem:s6+$0xFFFFFFC0]  }
0x1ce: {  	v11 =	vsub.f32 v11, v15;
	v14 =	vld [tilespmem:s17+$0x20]  }
0x1cf: {  	v15 =	vld.idx.msk [tilespmem:v10+s4+$0x0], $0xffff  }
0x1d0: {  	[tilespmem:s16+$0xFFFFFF90] =	vst v11;
	v16 =	vld [tilespmem:s11+$0x10070]  }
0x1d1: {  	v17 =	vld [tilespmem:s17+$0xFFFFFFA0];
	v8 =	vsub.f32 v8, v9  }
0x1d2: {  	v9 =	vld [tilespmem:s11+$0x10020]  }
0x1d3: {  	v11 =	vld [tilespmem:s11+$0x10040];
	[tilespmem:s21+$0x40] =	vst v8  }
0x1d4: {  	v10 =	vld [tilespmem:s6+$0x50]  }
0x1d5: {  	v12 =	vld.idx.msk [tilespmem:v7+s4+$0x0], $0xffff;
	v7 =	vsub.f32 v15, v16  }
.Ltmp6:
0x1d6: {  	v8 =	vld.idx.msk [tilespmem:v13+s4+$0x0], $0xffff;
	(pc) =	sbr.rel @p1 .LBB2_13-.Ltmp6, $4  }
0x1d7: {  	[tilespmem:s14+$0x70] =	vst v7;
	v7 =	vld [tilespmem:s11+$0x10070]  }
0x1d8: {  	v14 =	vld.idx.msk [tilespmem:v14+s4+$0x0], $0xffff  }
0x1d9: {  	v15 =	vld [tilespmem:s11+$0x10020]  }
0x1da: {  	s17 =	sadd.s32 $0x100, s17;
	v13 =	vld.idx.msk [tilespmem:v17+s4+$0x0], $0xffff  }
0x1db: {  	_ =	sdelay $0x2  }
0x1dc: {  	v14 =	vsub.f32 v14, v15;
	_ =	sdelay $0x1  }
0x1dd: {  	v9 =	vsub.f32 v13, v9;
	[tilespmem:s16+$0x20] =	vst v14  }
0x1de: {  	v14 =	vld [tilespmem:s8+$0x30]  }
0x1df: {  	[tilespmem:s16+$0xFFFFFFA0] =	vst v9  }
0x1e0: {  	v9 =	vld [tilespmem:s8+$0xFFFFFFB0];
	_ =	sdelay $0x4  }
0x1e1: {  	v44 =	vld [tilespmem:s11+$0x10030]  }
0x1e2: {  	v43 =	vld.idx.msk [tilespmem:v14+s4+$0x0], $0xffff  }
0x1e3: {  	v45 =	vld [tilespmem:s11+$0x10030]  }
0x1e4: {  	v9 =	vld.idx.msk [tilespmem:v9+s4+$0x0], $0xffff;
	_ =	sdelay $0x2  }
0x1e5: {  	v13 =	vsub.f32 v43, v44;
	_ =	sdelay $0x1  }
0x1e6: {  	v9 =	vsub.f32 v9, v45;
	[tilespmem:s16+$0x30] =	vst v13  }
0x1e7: {  	v13 =	vld [tilespmem:s8+$0x40]  }
0x1e8: {  	[tilespmem:s16+$0xFFFFFFB0] =	vst v9  }
0x1e9: {  	v9 =	vld [tilespmem:s8+$0xFFFFFFC0];
	_ =	sdelay $0x4  }
0x1ea: {  	v46 =	vld [tilespmem:s11+$0x10040]  }
0x1eb: {  	v13 =	vld.idx.msk [tilespmem:v13+s4+$0x0], $0xffff  }
0x1ec: {  	v47 =	vld [tilespmem:s11+$0x10040]  }
0x1ed: {  	v9 =	vld.idx.msk [tilespmem:v9+s4+$0x0], $0xffff  }
0x1ee: {  	v11 =	vsub.f32 v12, v11;
	_ =	sdelay $0x1  }
0x1ef: {  	[tilespmem:s21+$0xFFFFFFC0] =	vst v11;
	v13 =	vsub.f32 v13, v46  }
0x1f0: {  	v11 =	vld [tilespmem:s6+$0xFFFFFFD0]  }
0x1f1: {  	v9 =	vsub.f32 v9, v47;
	[tilespmem:s16+$0x40] =	vst v13  }
0x1f2: {  	v13 =	vld [tilespmem:s8+$0x50]  }
0x1f3: {  	[tilespmem:s16+$0xFFFFFFC0] =	vst v9  }
0x1f4: {  	v9 =	vld [tilespmem:s8+$0xFFFFFFD0]  }
0x1f5: {  	v10 =	vld.idx.msk [tilespmem:v10+s4+$0x0], $0xffff  }
0x1f6: {  	v48 =	vld [tilespmem:s11+$0x10050]  }
0x1f7: {  	v49 =	vld [tilespmem:s11+$0x10050]  }
0x1f8: {  	v11 =	vld.idx.msk [tilespmem:v11+s4+$0x0], $0xffff  }
0x1f9: {  	v51 =	vld [tilespmem:s11+$0x10050]  }
0x1fa: {  	v50 =	vld.idx.msk [tilespmem:v13+s4+$0x0], $0xffff  }
0x1fb: {  	v10 =	vsub.f32 v10, v48;
	v52 =	vld [tilespmem:s11+$0x10050]  }
0x1fc: {  	v9 =	vld.idx.msk [tilespmem:v9+s4+$0x0], $0xffff  }
0x1fd: {  	[tilespmem:s21+$0x50] =	vst v10;
	v11 =	vsub.f32 v11, v49  }
0x1fe: {  	v10 =	vld [tilespmem:s6+$0x60]  }
0x1ff: {  	[tilespmem:s21+$0xFFFFFFD0] =	vst v11;
	v12 =	vsub.f32 v50, v51  }
0x200: {  	v6 =	vsub.f32 v8, v6;
	v11 =	vld [tilespmem:s6+$0xFFFFFFE0]  }
0x201: {  	v9 =	vsub.f32 v9, v52;
	[tilespmem:s16+$0x50] =	vst v12  }
0x202: {  	[tilespmem:s14+$0xFFFFFFE0] =	vst v6;
	v12 =	vld [tilespmem:s8+$0x60]  }
0x203: {  	v57 =	vld [tilespmem:s15+$0xFFFFFFF0];
	[tilespmem:s16+$0xFFFFFFD0] =	vst v9  }
0x204: {  	v9 =	vld [tilespmem:s8+$0xFFFFFFE0]  }
0x205: {  	v53 =	vld [tilespmem:s11+$0x10060]  }
0x206: {  	v10 =	vld.idx.msk [tilespmem:v10+s4+$0x0], $0xffff  }
0x207: {  	v54 =	vld [tilespmem:s11+$0x10060]  }
0x208: {  	v55 =	vld.idx.msk [tilespmem:v11+s4+$0x0], $0xffff  }
0x209: {  	v6 =	vld [tilespmem:s11+$0x10060]  }
0x20a: {  	v56 =	vld.idx.msk [tilespmem:v12+s4+$0x0], $0xffff  }
0x20b: {  	v10 =	vsub.f32 v10, v53;
	v58 =	vld [tilespmem:s11+$0x10060]  }
0x20c: {  	v9 =	vld.idx.msk [tilespmem:v9+s4+$0x0], $0xffff  }
0x20d: {  	[tilespmem:s21+$0x60] =	vst v10;
	v8 =	vsub.f32 v55, v54  }
0x20e: {  	v10 =	vld [tilespmem:s6+$0x70]  }
0x20f: {  	[tilespmem:s21+$0xFFFFFFE0] =	vst v8;
	v6 =	vsub.f32 v56, v6  }
0x210: {  	v8 =	vld [tilespmem:s6+$0xFFFFFFF0]  }
0x211: {  	v61 =	vld [tilespmem:s11+$0x10070];
	v9 =	vsub.f32 v9, v58;
	[tilespmem:s16+$0x60] =	vst v6  }
0x212: {  	v6 =	vld [tilespmem:s8+$0x70]  }
0x213: {  	v59 =	vld.idx.msk [tilespmem:v57+s4+$0x0], $0xffff;
	[tilespmem:s16+$0xFFFFFFE0] =	vst v9  }
0x214: {  	v9 =	vld [tilespmem:s8+$0xFFFFFFF0]  }
0x215: {  	v60 =	vld [tilespmem:s11+$0x10070]  }
0x216: {  	v10 =	vld.idx.msk [tilespmem:v10+s4+$0x0], $0xffff  }
0x217: {  	v63 =	vld [tilespmem:s11+$0x10070]  }
0x218: {  	v8 =	vld.idx.msk [tilespmem:v8+s4+$0x0], $0xffff  }
0x219: {  	v62 =	vld [tilespmem:s11+$0x10070]  }
0x21a: {  	v6 =	vld.idx.msk [tilespmem:v6+s4+$0x0], $0xffff  }
0x21b: {  	v5 =	vsub.f32 v5, v7;
	v7 =	vld [tilespmem:s11+$0x10070]  }
0x21c: {  	v9 =	vld.idx.msk [tilespmem:v9+s4+$0x0], $0xffff  }
0x21d: {  	[tilespmem:s12+$0xFFFFFFF0] =	vst v5;
	v5 =	vsub.f32 v59, v61  }
0x21e: {  	v10 =	vsub.f32 v10, v60  }
.Ltmp7:
0x21f: {  	[tilespmem:s14+$0xFFFFFFF0] =	vst v5;
	v6 =	vsub.f32 v6, v62;
	(pc) =	sbr.rel @!p0 .LBB2_15-.Ltmp7, $4  }
.Ltmp8:
0x220: {  	[tilespmem:s21+$0x70] =	vst v10;
	v5 =	vsub.f32 v8, v63;
	(pc) =	sbr.rel @p0 .LBB2_16-.Ltmp8, $4  }
0x221: {  	[tilespmem:s16+$0x70] =	vst v6;
	v6 =	vsub.f32 v9, v7  }
0x222: {  	[tilespmem:s21+$0xFFFFFFF0] =	vst v5  }
0x223: {  	s6 =	smov.u32 s9;
	[tilespmem:s16+$0xFFFFFFF0] =	vst v6  }
0x224: {  	_ = 	snop  }
.LBB2_9:
0x225: {  	s17 =	simm.s32 @!p0 $0x10400  }
0x226: {  	v5 =	vld [tilespmem:s17+$0x0];
	_ =	sdelay $0x1  }
0x227: {  	v6 =	vld [tilespmem:s17+$0xFFFFFF80];
	_ =	sdelay $0x5  }
0x228: {  	v5 =	vld.idx.msk [tilespmem:v5+s4+$0x0], $0xffff;
	_ =	sdelay $0x1  }
0x229: {  	v6 =	vld.idx.msk [tilespmem:v6+s4+$0x0], $0xffff;
	_ =	sdelay $0x1  }
0x22a: {  	s6 =	simm.s32 @!p0 $0x12400  }
0x22b: {  	[tilespmem:s6+$0x0] =	vst v5  }
0x22c: {  	v5 =	vld [tilespmem:s17+$0x10]  }
0x22d: {  	[tilespmem:s6+$0xFFFFFF80] =	vst v6  }
0x22e: {  	v6 =	vld [tilespmem:s17+$0xFFFFFF90];
	_ =	sdelay $0x3  }
0x22f: {  	s11 =	simm.s32 $0x10500  }
0x230: {  	v7 =	vld [tilespmem:s11+$0x0]  }
0x231: {  	v5 =	vld.idx.msk [tilespmem:v5+s4+$0x0], $0xffff;
	_ =	sdelay $0x1  }
0x232: {  	v6 =	vld.idx.msk [tilespmem:v6+s4+$0x0], $0xffff;
	_ =	sdelay $0x2  }
0x233: {  	[tilespmem:s6+$0x10] =	vst v5  }
0x234: {  	v5 =	vld [tilespmem:s17+$0x20]  }
0x235: {  	[tilespmem:s6+$0xFFFFFF90] =	vst v6;
	v6 =	vld.idx.msk [tilespmem:v7+s4+$0x0], $0xffff  }
0x236: {  	v8 =	vld [tilespmem:s11+$0xFFFFFF80];
	_ =	sdelay $0x1  }
0x237: {  	v7 =	vld [tilespmem:s17+$0xFFFFFFA0]  }
0x238: {  	s8 =	simm.s32 $0x12500  }
0x239: {  	[tilespmem:s8+$0x0] =	vst v6  }
0x23a: {  	v6 =	vld [tilespmem:s11+$0x10]  }
0x23b: {  	v5 =	vld.idx.msk [tilespmem:v5+s4+$0x0], $0xffff;
	_ =	sdelay $0x1  }
0x23c: {  	v8 =	vld.idx.msk [tilespmem:v8+s4+$0x0], $0xffff;
	_ =	sdelay $0x1  }
0x23d: {  	v7 =	vld.idx.msk [tilespmem:v7+s4+$0x0], $0xffff  }
0x23e: {  	[tilespmem:s6+$0x20] =	vst v5  }
0x23f: {  	v5 =	vld [tilespmem:s17+$0x30]  }
0x240: {  	[tilespmem:s8+$0xFFFFFF80] =	vst v8;
	v6 =	vld.idx.msk [tilespmem:v6+s4+$0x0], $0xffff  }
0x241: {  	v8 =	vld [tilespmem:s11+$0xFFFFFF90]  }
0x242: {  	[tilespmem:s6+$0xFFFFFFA0] =	vst v7  }
0x243: {  	v7 =	vld [tilespmem:s17+$0xFFFFFFB0];
	_ =	sdelay $0x1  }
0x244: {  	[tilespmem:s8+$0x10] =	vst v6  }
0x245: {  	v6 =	vld [tilespmem:s11+$0x20]  }
0x246: {  	s12 =	simm.s32 $0x10600;
	v5 =	vld.idx.msk [tilespmem:v5+s4+$0x0], $0xffff  }
0x247: {  	v9 =	vld [tilespmem:s12+$0x0]  }
0x248: {  	v8 =	vld.idx.msk [tilespmem:v8+s4+$0x0], $0xffff  }
0x249: {  	v10 =	vld [tilespmem:s12+$0xFFFFFF80]  }
0x24a: {  	v7 =	vld.idx.msk [tilespmem:v7+s4+$0x0], $0xffff  }
0x24b: {  	[tilespmem:s6+$0x30] =	vst v5  }
0x24c: {  	v5 =	vld [tilespmem:s17+$0x40]  }
0x24d: {  	[tilespmem:s8+$0xFFFFFF90] =	vst v8;
	v6 =	vld.idx.msk [tilespmem:v6+s4+$0x0], $0xffff  }
0x24e: {  	v8 =	vld [tilespmem:s11+$0xFFFFFFA0]  }
0x24f: {  	v9 =	vld.idx.msk [tilespmem:v9+s4+$0x0], $0xffff;
	[tilespmem:s6+$0xFFFFFFB0] =	vst v7  }
0x250: {  	v7 =	vld [tilespmem:s17+$0xFFFFFFC0]  }
0x251: {  	s15 =	simm.s32 $0x10700;
	v10 =	vld.idx.msk [tilespmem:v10+s4+$0x0], $0xffff  }
0x252: {  	v11 =	vld [tilespmem:s15+$0x0];
	[tilespmem:s8+$0x20] =	vst v6  }
0x253: {  	s14 =	simm.s32 $0x12600;
	v6 =	vld [tilespmem:s11+$0x30]  }
0x254: {  	[tilespmem:s14+$0x0] =	vst v9;
	v5 =	vld.idx.msk [tilespmem:v5+s4+$0x0], $0xffff  }
0x255: {  	v9 =	vld [tilespmem:s12+$0x10]  }
0x256: {  	[tilespmem:s14+$0xFFFFFF80] =	vst v10;
	v8 =	vld.idx.msk [tilespmem:v8+s4+$0x0], $0xffff  }
0x257: {  	v10 =	vld [tilespmem:s12+$0xFFFFFF90]  }
0x258: {  	v7 =	vld.idx.msk [tilespmem:v7+s4+$0x0], $0xffff  }
0x259: {  	v12 =	vld [tilespmem:s15+$0xFFFFFF80];
	[tilespmem:s6+$0x40] =	vst v5  }
0x25a: {  	v5 =	vld [tilespmem:s17+$0x50]  }
0x25b: {  	[tilespmem:s8+$0xFFFFFFA0] =	vst v8;
	v6 =	vld.idx.msk [tilespmem:v6+s4+$0x0], $0xffff  }
0x25c: {  	v8 =	vld [tilespmem:s11+$0xFFFFFFB0]  }
0x25d: {  	v9 =	vld.idx.msk [tilespmem:v9+s4+$0x0], $0xffff;
	[tilespmem:s6+$0xFFFFFFC0] =	vst v7  }
0x25e: {  	v7 =	vld [tilespmem:s17+$0xFFFFFFD0]  }
0x25f: {  	v10 =	vld.idx.msk [tilespmem:v10+s4+$0x0], $0xffff  }
0x260: {  	v11 =	vld.idx.msk [tilespmem:v11+s4+$0x0], $0xffff;
	[tilespmem:s8+$0x30] =	vst v6  }
0x261: {  	v6 =	vld [tilespmem:s11+$0x40]  }
0x262: {  	[tilespmem:s14+$0x10] =	vst v9;
	v5 =	vld.idx.msk [tilespmem:v5+s4+$0x0], $0xffff  }
0x263: {  	v9 =	vld [tilespmem:s12+$0x20]  }
0x264: {  	[tilespmem:s14+$0xFFFFFF90] =	vst v10;
	v8 =	vld.idx.msk [tilespmem:v8+s4+$0x0], $0xffff  }
0x265: {  	v10 =	vld [tilespmem:s12+$0xFFFFFFA0]  }
0x266: {  	v7 =	vld.idx.msk [tilespmem:v7+s4+$0x0], $0xffff  }
0x267: {  	v12 =	vld.idx.msk [tilespmem:v12+s4+$0x0], $0xffff;
	[tilespmem:s6+$0x50] =	vst v5  }
0x268: {  	v5 =	vld [tilespmem:s17+$0x60]  }
0x269: {  	s16 =	simm.s32 $0x12700;
	[tilespmem:s8+$0xFFFFFFB0] =	vst v8;
	v6 =	vld.idx.msk [tilespmem:v6+s4+$0x0], $0xffff  }
0x26a: {  	[tilespmem:s16+$0x0] =	vst v11;
	v8 =	vld [tilespmem:s11+$0xFFFFFFC0]  }
0x26b: {  	[tilespmem:s6+$0xFFFFFFD0] =	vst v7;
	v7 =	vld.idx.msk [tilespmem:v9+s4+$0x0], $0xffff  }
0x26c: {  	v11 =	vld [tilespmem:s15+$0x10]  }
0x26d: {  	v9 =	vld [tilespmem:s17+$0xFFFFFFE0]  }
0x26e: {  	v10 =	vld.idx.msk [tilespmem:v10+s4+$0x0], $0xffff;
	[tilespmem:s8+$0x40] =	vst v6  }
0x26f: {  	v6 =	vld [tilespmem:s11+$0x50]  }
0x270: {  	[tilespmem:s14+$0x20] =	vst v7;
	v5 =	vld.idx.msk [tilespmem:v5+s4+$0x0], $0xffff  }
0x271: {  	v7 =	vld [tilespmem:s12+$0x30]  }
0x272: {  	[tilespmem:s16+$0xFFFFFF80] =	vst v12;
	v8 =	vld.idx.msk [tilespmem:v8+s4+$0x0], $0xffff  }
0x273: {  	v13 =	vld [tilespmem:s15+$0xFFFFFF90];
	[tilespmem:s14+$0xFFFFFFA0] =	vst v10  }
0x274: {  	v14 =	vld [tilespmem:s12+$0xFFFFFFB0]  }
0x275: {  	v9 =	vld.idx.msk [tilespmem:v9+s4+$0x0], $0xffff;
	[tilespmem:s6+$0x60] =	vst v5  }
0x276: {  	v5 =	vld [tilespmem:s17+$0x70]  }
0x277: {  	[tilespmem:s8+$0xFFFFFFC0] =	vst v8;
	v6 =	vld.idx.msk [tilespmem:v6+s4+$0x0], $0xffff  }
0x278: {  	v15 =	vld [tilespmem:s11+$0xFFFFFFD0]  }
0x279: {  	v7 =	vld.idx.msk [tilespmem:v7+s4+$0x0], $0xffff  }
0x27a: {  	[tilespmem:s6+$0xFFFFFFE0] =	vst v9;
	v9 =	vld.idx.msk [tilespmem:v11+s4+$0x0], $0xffff;
	_ =	sdelay $0x1  }
0x27b: {  	v10 =	vld.idx.msk [tilespmem:v13+s4+$0x0], $0xffff;
	[tilespmem:s8+$0x50] =	vst v6  }
0x27c: {  	v6 =	vld [tilespmem:s11+$0x60]  }
0x27d: {  	[tilespmem:s14+$0x30] =	vst v7;
	v63 =	vld.idx.msk [tilespmem:v5+s4+$0x0], $0xffff  }
0x27e: {  	[tilespmem:s16+$0x10] =	vst v9;
	v9 =	vld.idx.msk [tilespmem:v14+s4+$0x0], $0xffff  }
0x27f: {  	v8 =	vld [tilespmem:s12+$0x40]  }
0x280: {  	v7 =	vld.idx.msk [tilespmem:v15+s4+$0x0], $0xffff  }
0x281: {  	v11 =	vld [tilespmem:s15+$0x20]  }
0x282: {  	s21 =	simm.s32 $0x10800;
	v5 =	vld [tilespmem:s17+$0xFFFFFFF0];
	s17 =	simm.s32 $0x6;
	[tilespmem:s6+$0x70] =	vst v63  }
.LBB2_10:
0x283: {  	v12 =	vld [tilespmem:s21+$0x0];
	s17 =	sadd.s32 $0x2, s17;
	s23 =	smov.u32 s14;
	s14 =	smov.u32 s16  }
0x284: {  	v13 =	vld [tilespmem:s21+$0xFFFFFF80];
	p1 =	slt.u32 s17, $0x3E;
	[tilespmem:s16+$0xFFFFFF90] =	vst v10  }
0x285: {  	v6 =	vld.idx.msk [tilespmem:v6+s4+$0x0], $0xffff  }
0x286: {  	v10 =	vld [tilespmem:s15+$0xFFFFFFA0];
	[tilespmem:s23+$0xFFFFFFB0] =	vst v9  }
0x287: {  	v8 =	vld.idx.msk [tilespmem:v8+s4+$0x0], $0xffff  }
0x288: {  	v9 =	vld [tilespmem:s12+$0xFFFFFFC0];
	[tilespmem:s8+$0xFFFFFFD0] =	vst v7  }
0x289: {  	v7 =	vld.idx.msk [tilespmem:v11+s4+$0x0], $0xffff  }
0x28a: {  	v11 =	vld [tilespmem:s11+$0xFFFFFFE0]  }
0x28b: {  	v12 =	vld.idx.msk [tilespmem:v12+s4+$0x0], $0xffff;
	[tilespmem:s8+$0x60] =	vst v6  }
0x28c: {  	v6 =	vld [tilespmem:s11+$0x70]  }
0x28d: {  	v13 =	vld.idx.msk [tilespmem:v13+s4+$0x0], $0xffff;
	[tilespmem:s23+$0x40] =	vst v8  }
0x28e: {  	v8 =	vld [tilespmem:s12+$0x50]  }
0x28f: {  	v10 =	vld.idx.msk [tilespmem:v10+s4+$0x0], $0xffff;
	[tilespmem:s16+$0x20] =	vst v7  }
0x290: {  	s16 =	sadd.s32 $0x100, s16;
	v7 =	vld [tilespmem:s15+$0x30]  }
0x291: {  	[tilespmem:s16+$0x0] =	vst v12;
	v9 =	vld.idx.msk [tilespmem:v9+s4+$0x0], $0xffff  }
0x292: {  	v12 =	vld [tilespmem:s21+$0x10]  }
0x293: {  	[tilespmem:s16+$0xFFFFFF80] =	vst v13;
	v11 =	vld.idx.msk [tilespmem:v11+s4+$0x0], $0xffff  }
0x294: {  	v6 =	vld.idx.msk [tilespmem:v6+s4+$0x0], $0xffff  }
0x295: {  	v13 =	vld [tilespmem:s21+$0xFFFFFF90];
	[tilespmem:s14+$0xFFFFFFA0] =	vst v10  }
0x296: {  	v8 =	vld.idx.msk [tilespmem:v8+s4+$0x0], $0xffff  }
0x297: {  	v14 =	vld [tilespmem:s15+$0xFFFFFFB0];
	[tilespmem:s23+$0xFFFFFFC0] =	vst v9  }
0x298: {  	v7 =	vld.idx.msk [tilespmem:v7+s4+$0x0], $0xffff  }
0x299: {  	v15 =	vld [tilespmem:s12+$0xFFFFFFD0];
	[tilespmem:s8+$0xFFFFFFE0] =	vst v11  }
0x29a: {  	v9 =	vld.idx.msk [tilespmem:v12+s4+$0x0], $0xffff;
	[tilespmem:s8+$0x70] =	vst v6  }
0x29b: {  	v11 =	vld [tilespmem:s11+$0xFFFFFFF0];
	s11 =	smov.u32 s12;
	s12 =	smov.u32 s15;
	s15 =	smov.u32 s21  }
0x29c: {  	[tilespmem:s23+$0x50] =	vst v8;
	v12 =	vld.idx.msk [tilespmem:v5+s4+$0x0], $0xffff  }
0x29d: {  	v6 =	vld [tilespmem:s11+$0x60]  }
.Ltmp9:
0x29e: {  	v10 =	vld.idx.msk [tilespmem:v13+s4+$0x0], $0xffff;
	[tilespmem:s14+$0x30] =	vst v7;
	(pc) =	sbr.rel @p1 .LBB2_10-.Ltmp9, $4  }
0x29f: {  	v8 =	vld [tilespmem:s12+$0x40]  }
0x2a0: {  	[tilespmem:s16+$0x10] =	vst v9;
	v9 =	vld.idx.msk [tilespmem:v14+s4+$0x0], $0xffff;
	v5 =	vmov v11  }
0x2a1: {  	v11 =	vld [tilespmem:s21+$0x20]  }
0x2a2: {  	s21 =	sadd.s32 $0x100, s21;
	v7 =	vld.idx.msk [tilespmem:v15+s4+$0x0], $0xffff;
	[tilespmem:s6+$0xFFFFFFF0] =	vst v12;
	s6 =	smov.u32 s8;
	s8 =	smov.u32 s23  }
0x2a3: {  	[tilespmem:s16+$0xFFFFFF90] =	vst v10  }
0x2a4: {  	v10 =	vld [tilespmem:s15+$0xFFFFFFA0];
	_ =	sdelay $0x6  }
0x2a5: {  	v11 =	vld.idx.msk [tilespmem:v11+s4+$0x0], $0xffff  }
0x2a6: {  	v10 =	vld.idx.msk [tilespmem:v10+s4+$0x0], $0xffff;
	_ =	sdelay $0x3  }
0x2a7: {  	[tilespmem:s16+$0x20] =	vst v11  }
0x2a8: {  	v11 =	vld [tilespmem:s15+$0x30];
	[tilespmem:s16+$0xFFFFFFA0] =	vst v10  }
0x2a9: {  	v10 =	vld [tilespmem:s15+$0xFFFFFFB0];
	_ =	sdelay $0x6  }
0x2aa: {  	v11 =	vld.idx.msk [tilespmem:v11+s4+$0x0], $0xffff  }
0x2ab: {  	v10 =	vld.idx.msk [tilespmem:v10+s4+$0x0], $0xffff;
	_ =	sdelay $0x2  }
0x2ac: {  	[tilespmem:s14+$0xFFFFFFB0] =	vst v9  }
0x2ad: {  	v62 =	vld [tilespmem:s12+$0xFFFFFFC0];
	[tilespmem:s16+$0x30] =	vst v11  }
0x2ae: {  	v61 =	vld [tilespmem:s15+$0x40];
	[tilespmem:s16+$0xFFFFFFB0] =	vst v10  }
0x2af: {  	v10 =	vld [tilespmem:s15+$0xFFFFFFC0];
	_ =	sdelay $0x4  }
0x2b0: {  	v8 =	vld.idx.msk [tilespmem:v8+s4+$0x0], $0xffff  }
0x2b1: {  	v11 =	vld.idx.msk [tilespmem:v62+s4+$0x0], $0xffff  }
0x2b2: {  	v9 =	vld.idx.msk [tilespmem:v61+s4+$0x0], $0xffff  }
0x2b3: {  	v10 =	vld.idx.msk [tilespmem:v10+s4+$0x0], $0xffff;
	_ =	sdelay $0x1  }
0x2b4: {  	[tilespmem:s14+$0x40] =	vst v8  }
0x2b5: {  	v8 =	vld [tilespmem:s12+$0x50];
	[tilespmem:s14+$0xFFFFFFC0] =	vst v11  }
0x2b6: {  	v11 =	vld [tilespmem:s12+$0xFFFFFFD0];
	[tilespmem:s16+$0x40] =	vst v9  }
0x2b7: {  	v9 =	vld [tilespmem:s15+$0x50];
	[tilespmem:s16+$0xFFFFFFC0] =	vst v10  }
0x2b8: {  	v10 =	vld [tilespmem:s15+$0xFFFFFFD0];
	_ =	sdelay $0x4  }
0x2b9: {  	v8 =	vld.idx.msk [tilespmem:v8+s4+$0x0], $0xffff  }
0x2ba: {  	v11 =	vld.idx.msk [tilespmem:v11+s4+$0x0], $0xffff  }
0x2bb: {  	v9 =	vld.idx.msk [tilespmem:v9+s4+$0x0], $0xffff  }
0x2bc: {  	v10 =	vld.idx.msk [tilespmem:v10+s4+$0x0], $0xffff  }
0x2bd: {  	v6 =	vld.idx.msk [tilespmem:v6+s4+$0x0], $0xffff;
	[tilespmem:s8+$0xFFFFFFD0] =	vst v7  }
0x2be: {  	v63 =	vld [tilespmem:s11+$0xFFFFFFE0];
	[tilespmem:s14+$0x50] =	vst v8  }
0x2bf: {  	v7 =	vld [tilespmem:s12+$0x60];
	[tilespmem:s14+$0xFFFFFFD0] =	vst v11  }
0x2c0: {  	v11 =	vld [tilespmem:s12+$0xFFFFFFE0];
	[tilespmem:s16+$0x50] =	vst v9  }
0x2c1: {  	v9 =	vld [tilespmem:s15+$0x60];
	[tilespmem:s16+$0xFFFFFFD0] =	vst v10  }
0x2c2: {  	v10 =	vld [tilespmem:s15+$0xFFFFFFE0];
	_ =	sdelay $0x1  }
0x2c3: {  	[tilespmem:s8+$0x60] =	vst v6  }
0x2c4: {  	v6 =	vld [tilespmem:s11+$0x70]  }
0x2c5: {  	v8 =	vld.idx.msk [tilespmem:v63+s4+$0x0], $0xffff  }
0x2c6: {  	v7 =	vld.idx.msk [tilespmem:v7+s4+$0x0], $0xffff  }
0x2c7: {  	v11 =	vld.idx.msk [tilespmem:v11+s4+$0x0], $0xffff  }
0x2c8: {  	v9 =	vld.idx.msk [tilespmem:v9+s4+$0x0], $0xffff  }
0x2c9: {  	v10 =	vld.idx.msk [tilespmem:v10+s4+$0x0], $0xffff  }
0x2ca: {  	[tilespmem:s8+$0xFFFFFFE0] =	vst v8  }
0x2cb: {  	v8 =	vld [tilespmem:s11+$0xFFFFFFF0];
	[tilespmem:s14+$0x60] =	vst v7  }
0x2cc: {  	v7 =	vld [tilespmem:s12+$0x70];
	[tilespmem:s14+$0xFFFFFFE0] =	vst v11  }
0x2cd: {  	v11 =	vld [tilespmem:s12+$0xFFFFFFF0];
	[tilespmem:s16+$0x60] =	vst v9  }
0x2ce: {  	v9 =	vld [tilespmem:s15+$0x70];
	[tilespmem:s16+$0xFFFFFFE0] =	vst v10  }
0x2cf: {  	v10 =	vld [tilespmem:s15+$0xFFFFFFF0]  }
0x2d0: {  	v6 =	vld.idx.msk [tilespmem:v6+s4+$0x0], $0xffff;
	_ =	sdelay $0x1  }
0x2d1: {  	v5 =	vld.idx.msk [tilespmem:v5+s4+$0x0], $0xffff  }
0x2d2: {  	v8 =	vld.idx.msk [tilespmem:v8+s4+$0x0], $0xffff  }
0x2d3: {  	v7 =	vld.idx.msk [tilespmem:v7+s4+$0x0], $0xffff  }
0x2d4: {  	[tilespmem:s8+$0x70] =	vst v6;
	v6 =	vld.idx.msk [tilespmem:v11+s4+$0x0], $0xffff  }
0x2d5: {  	v9 =	vld.idx.msk [tilespmem:v9+s4+$0x0], $0xffff  }
0x2d6: {  	[tilespmem:s6+$0xFFFFFFF0] =	vst v5;
	v5 =	vld.idx.msk [tilespmem:v10+s4+$0x0], $0xffff  }
0x2d7: {  	[tilespmem:s8+$0xFFFFFFF0] =	vst v8  }
0x2d8: {  	[tilespmem:s14+$0x70] =	vst v7  }
0x2d9: {  	[tilespmem:s14+$0xFFFFFFF0] =	vst v6  }
0x2da: {  	[tilespmem:s16+$0x70] =	vst v9  }
0x2db: {  	[tilespmem:s16+$0xFFFFFFF0] =	vst v5  }
.LBB2_15:
0x2dc: {  	s0 =	sadd.s32 $0xFFFFFFFF, s10  }
0x2dd: {  	s1 =	sshll.u32 s0, $0xE  }
0x2de: {  	s0 =	sshll.u32 s0, $0x7;
	s1 =	sand.u32 $0x7FFE0000, s1  }
0x2df: {  	s0 =	sand.u32 $0x380, s0;
	s1 =	sadd.s32 s13, s1  }
0x2e0: {  	s0 =	sor.u32 s0, s1  }
0x2e1: {  	s0 =	sshrl.u32 s0, $0x3  }
0x2e2: {  	s6 =	sadd.s32 s2, s0  }
.LBB2_16:
0x2e3: {  	[tilespmem:s4], [sflag:$0x1] =	stream.strided.gather [hbm4b:s6+s28], $0x4000, s19, s28, $0x200038;
	[tilespmem:$0x16400] =	vst v63  }
0x2e4: {  	s0 =	sshll.u32 s24, $0x11  }
0x2e5: {  	s0 =	sadd.s32 s7, s0  }
0x2e6: {  	s0 =	sshrl.u32 s0, $0x3  }
0x2e7: {  	s23 =	simm.s32 $0x2;
	s10 =	sor.u32 $0x1, s10;
	s0 =	sadd.s32 s3, s0  }
0x2e8: {  	[hbm4b:s0+s19] =	stream.strided.scatter [tilespmem:s31], [sflag:$0x3], $0x2000, s30, s19, $0x200038;
	[tilespmem:$0x16400] =	vst v63  }
0x2e9: {  	p1 =	sgt.u32 s10, $0x2;
	_ =	swait.ge [sflag:s23], $0x4000  }
.Ltmp10:
0x2ea: {  	[sflag:s23] =	ssyncset.done $0x0;
	(pc) =	sbr.rel @p1 .LBB2_20-.Ltmp10, $4  }
0x2eb: {  	s0 =	simm.s32 @!p0 $0x4;
	[sflag:s23] =	ssyncadd.s32 $0xFFFFC000  }
0x2ec: {  	_ =	swait.ge @!p0 [sflag:s0], $0x2000  }
0x2ed: {  	[sflag:s0] =	ssyncset.done @!p0 $0x0  }
0x2ee: {  	[sflag:s0] =	ssyncadd.s32 @!p0 $0xFFFFE000  }
0x2ef: {  	s16 =	simm.s32 $0x10400  }
0x2f0: {  	v5 =	vld [tilespmem:s16+$0x0];
	_ =	sdelay $0x3  }
0x2f1: {  	v7 =	vld [tilespmem:s16+$0xFFFFFF80]  }
0x2f2: {  	s0 =	sshll.u32 s10, $0x7  }
0x2f3: {  	s11 =	sand.u32 $0x3FFFFF80, s0  }
0x2f4: {  	v6 =	vld [tilespmem:s11+$0x10000]  }
0x2f5: {  	v5 =	vld.idx.msk [tilespmem:v5+s20+$0x0], $0xffff;
	_ =	sdelay $0x3  }
0x2f6: {  	v7 =	vld.idx.msk [tilespmem:v7+s20+$0x0], $0xffff  }
0x2f7: {  	v5 =	vsub.f32 v5, v6  }
0x2f8: {  	s12 =	simm.s32 $0x14400  }
0x2f9: {  	[tilespmem:s12+$0x0] =	vst v5  }
0x2fa: {  	v5 =	vld [tilespmem:s16+$0x10]  }
0x2fb: {  	v6 =	vsub.f32 v7, v6;
	_ =	sdelay $0x1  }
0x2fc: {  	[tilespmem:s12+$0xFFFFFF80] =	vst v6  }
0x2fd: {  	v6 =	vld [tilespmem:s16+$0xFFFFFF90];
	_ =	sdelay $0x2  }
0x2fe: {  	v8 =	vld [tilespmem:s11+$0x10010]  }
0x2ff: {  	v5 =	vld.idx.msk [tilespmem:v5+s20+$0x0], $0xffff;
	_ =	sdelay $0x2  }
0x300: {  	v7 =	vld [tilespmem:s11+$0x10010]  }
0x301: {  	v6 =	vld.idx.msk [tilespmem:v6+s20+$0x0], $0xffff  }
0x302: {  	v5 =	vsub.f32 v5, v8;
	_ =	sdelay $0x1  }
0x303: {  	[tilespmem:s12+$0x10] =	vst v5  }
0x304: {  	v5 =	vld [tilespmem:s16+$0x20]  }
0x305: {  	v6 =	vsub.f32 v6, v7;
	_ =	sdelay $0x1  }
0x306: {  	[tilespmem:s12+$0xFFFFFF90] =	vst v6  }
0x307: {  	s15 =	simm.s32 $0x10500;
	v6 =	vld [tilespmem:s16+$0xFFFFFFA0]  }
0x308: {  	v9 =	vld [tilespmem:s15+$0x0];
	_ =	sdelay $0x1  }
0x309: {  	v8 =	vld [tilespmem:s11+$0x10020]  }
0x30a: {  	v5 =	vld.idx.msk [tilespmem:v5+s20+$0x0], $0xffff;
	_ =	sdelay $0x1  }
0x30b: {  	v7 =	vld [tilespmem:s15+$0xFFFFFF80]  }
0x30c: {  	v10 =	vld [tilespmem:s11+$0x10020]  }
0x30d: {  	v6 =	vld.idx.msk [tilespmem:v6+s20+$0x0], $0xffff  }
0x30e: {  	v5 =	vsub.f32 v5, v8;
	v8 =	vld.idx.msk [tilespmem:v9+s20+$0x0], $0xffff  }
0x30f: {  	v9 =	vld [tilespmem:s11+$0x10000];
	_ =	sdelay $0x1  }
0x310: {  	[tilespmem:s12+$0x20] =	vst v5  }
0x311: {  	v5 =	vld [tilespmem:s16+$0x30]  }
0x312: {  	v6 =	vsub.f32 v6, v10  }
0x313: {  	v7 =	vld.idx.msk [tilespmem:v7+s20+$0x0], $0xffff;
	v8 =	vsub.f32 v8, v9  }
0x314: {  	s14 =	simm.s32 $0x14500;
	[tilespmem:s12+$0xFFFFFFA0] =	vst v6  }
0x315: {  	v6 =	vld [tilespmem:s16+$0xFFFFFFB0];
	[tilespmem:s14+$0x0] =	vst v8  }
0x316: {  	v8 =	vld [tilespmem:s15+$0x10];
	_ =	sdelay $0x1  }
0x317: {  	v11 =	vld [tilespmem:s11+$0x10030];
	v7 =	vsub.f32 v7, v9  }
0x318: {  	v5 =	vld.idx.msk [tilespmem:v5+s20+$0x0], $0xffff  }
0x319: {  	v10 =	vld [tilespmem:s11+$0x10030];
	[tilespmem:s14+$0xFFFFFF80] =	vst v7  }
0x31a: {  	v7 =	vld [tilespmem:s15+$0xFFFFFF90]  }
0x31b: {  	v9 =	vld [tilespmem:s11+$0x10010]  }
0x31c: {  	v6 =	vld.idx.msk [tilespmem:v6+s20+$0x0], $0xffff  }
0x31d: {  	v5 =	vsub.f32 v5, v11;
	v8 =	vld.idx.msk [tilespmem:v8+s20+$0x0], $0xffff;
	_ =	sdelay $0x1  }
0x31e: {  	[tilespmem:s12+$0x30] =	vst v5  }
0x31f: {  	v5 =	vld [tilespmem:s16+$0x40]  }
0x320: {  	v6 =	vsub.f32 v6, v10  }
0x321: {  	v11 =	vld [tilespmem:s11+$0x10010];
	v8 =	vsub.f32 v8, v9  }
0x322: {  	v7 =	vld.idx.msk [tilespmem:v7+s20+$0x0], $0xffff;
	[tilespmem:s12+$0xFFFFFFB0] =	vst v6  }
0x323: {  	v6 =	vld [tilespmem:s16+$0xFFFFFFC0];
	[tilespmem:s14+$0x10] =	vst v8  }
0x324: {  	v8 =	vld [tilespmem:s15+$0x20];
	_ =	sdelay $0x1  }
0x325: {  	v9 =	vld [tilespmem:s11+$0x10040]  }
0x326: {  	v7 =	vsub.f32 v7, v11;
	v5 =	vld.idx.msk [tilespmem:v5+s20+$0x0], $0xffff;
	_ =	sdelay $0x1  }
0x327: {  	v10 =	vld [tilespmem:s11+$0x10040];
	[tilespmem:s14+$0xFFFFFF90] =	vst v7  }
0x328: {  	v7 =	vld [tilespmem:s15+$0xFFFFFFA0]  }
0x329: {  	v6 =	vld.idx.msk [tilespmem:v6+s20+$0x0], $0xffff  }
0x32a: {  	v5 =	vsub.f32 v5, v9;
	v8 =	vld.idx.msk [tilespmem:v8+s20+$0x0], $0xffff  }
0x32b: {  	v9 =	vld [tilespmem:s11+$0x10020]  }
0x32c: {  	[tilespmem:s12+$0x40] =	vst v5  }
0x32d: {  	s21 =	simm.s32 $0x10600;
	v5 =	vld [tilespmem:s16+$0x50]  }
0x32e: {  	v11 =	vld [tilespmem:s21+$0x0];
	_ =	sdelay $0x1  }
0x32f: {  	v6 =	vsub.f32 v6, v10;
	v10 =	vld [tilespmem:s21+$0xFFFFFF80];
	v8 =	vsub.f32 v8, v9  }
0x330: {  	v7 =	vld.idx.msk [tilespmem:v7+s20+$0x0], $0xffff  }
0x331: {  	v9 =	vld [tilespmem:s11+$0x10020];
	[tilespmem:s14+$0x20] =	vst v8  }
0x332: {  	v8 =	vld [tilespmem:s15+$0x30]  }
0x333: {  	v12 =	vld [tilespmem:s11+$0x10050]  }
0x334: {  	v5 =	vld.idx.msk [tilespmem:v5+s20+$0x0], $0xffff  }
0x335: {  	v11 =	vld.idx.msk [tilespmem:v11+s20+$0x0], $0xffff;
	[tilespmem:s12+$0xFFFFFFC0] =	vst v6  }
0x336: {  	v6 =	vld [tilespmem:s16+$0xFFFFFFD0]  }
0x337: {  	v7 =	vsub.f32 v7, v9;
	v9 =	vld.idx.msk [tilespmem:v10+s20+$0x0], $0xffff  }
0x338: {  	v10 =	vld [tilespmem:s11+$0x10030]  }
0x339: {  	v5 =	vsub.f32 v5, v12;
	v12 =	vld [tilespmem:s11+$0x10000]  }
0x33a: {  	v8 =	vld.idx.msk [tilespmem:v8+s20+$0x0], $0xffff  }
0x33b: {  	[tilespmem:s12+$0x50] =	vst v5  }
0x33c: {  	s8 =	simm.s32 $0x10700;
	v5 =	vld [tilespmem:s16+$0x60]  }
0x33d: {  	v16 =	vld [tilespmem:s8+$0x0]  }
0x33e: {  	v13 =	vld [tilespmem:s11+$0x10050];
	[tilespmem:s14+$0xFFFFFFA0] =	vst v7;
	v7 =	vsub.f32 v11, v12  }
0x33f: {  	s6 =	simm.s32 $0x14600;
	v6 =	vld.idx.msk [tilespmem:v6+s20+$0x0], $0xffff;
	v8 =	vsub.f32 v8, v10  }
0x340: {  	v11 =	vld [tilespmem:s15+$0xFFFFFFB0];
	[tilespmem:s6+$0x0] =	vst v7  }
0x341: {  	v7 =	vsub.f32 v9, v12;
	[tilespmem:s14+$0x30] =	vst v8;
	v9 =	vld [tilespmem:s21+$0x10]  }
0x342: {  	v8 =	vld [tilespmem:s15+$0x40]  }
0x343: {  	[tilespmem:s6+$0xFFFFFF80] =	vst v7;
	v7 =	vld [tilespmem:s11+$0x10060]  }
0x344: {  	v5 =	vld.idx.msk [tilespmem:v5+s20+$0x0], $0xffff  }
0x345: {  	v10 =	vld [tilespmem:s21+$0xFFFFFF90]  }
0x346: {  	v14 =	vld [tilespmem:s11+$0x10030]  }
0x347: {  	v12 =	vld [tilespmem:s11+$0x10010]  }
0x348: {  	v11 =	vld.idx.msk [tilespmem:v11+s20+$0x0], $0xffff  }
0x349: {  	v5 =	vsub.f32 v5, v7;
	v7 =	vld.idx.msk [tilespmem:v9+s20+$0x0], $0xffff  }
0x34a: {  	v9 =	vld [tilespmem:s11+$0x10010]  }
0x34b: {  	v6 =	vsub.f32 v6, v13;
	v8 =	vld.idx.msk [tilespmem:v8+s20+$0x0], $0xffff;
	[tilespmem:s12+$0x60] =	vst v5  }
0x34c: {  	v5 =	vld [tilespmem:s16+$0x70]  }
0x34d: {  	[tilespmem:s12+$0xFFFFFFD0] =	vst v6;
	v6 =	vld.idx.msk [tilespmem:v10+s20+$0x0], $0xffff  }
0x34e: {  	v10 =	vld [tilespmem:s16+$0xFFFFFFE0];
	v11 =	vsub.f32 v11, v14  }
0x34f: {  	v7 =	vsub.f32 v7, v9;
	v9 =	vld [tilespmem:s11+$0x10040]  }
0x350: {  	v14 =	vld [tilespmem:s11+$0x10070];
	[tilespmem:s14+$0xFFFFFFB0] =	vst v11  }
0x351: {  	[tilespmem:s6+$0x10] =	vst v7;
	v7 =	vld [tilespmem:s15+$0xFFFFFFC0]  }
0x352: {  	v11 =	vld [tilespmem:s11+$0x10060];
	v6 =	vsub.f32 v6, v12  }
0x353: {  	v12 =	vld [tilespmem:s21+$0x20]  }
0x354: {  	[tilespmem:s6+$0xFFFFFF90] =	vst v6;
	v13 =	vld.idx.msk [tilespmem:v5+s20+$0x0], $0xffff;
	v5 =	vsub.f32 v8, v9  }
0x355: {  	v6 =	vld [tilespmem:s21+$0xFFFFFFA0]  }
0x356: {  	v15 =	vld [tilespmem:s11+$0x10020];
	[tilespmem:s14+$0x40] =	vst v5  }
0x357: {  	v5 =	vld [tilespmem:s15+$0x50]  }
0x358: {  	v9 =	vld [tilespmem:s11+$0x10040]  }
0x359: {  	v7 =	vld.idx.msk [tilespmem:v7+s20+$0x0], $0xffff  }
0x35a: {  	v10 =	vld.idx.msk [tilespmem:v10+s20+$0x0], $0xffff  }
0x35b: {  	v8 =	vld [tilespmem:s11+$0x10020]  }
0x35c: {  	v12 =	vld.idx.msk [tilespmem:v12+s20+$0x0], $0xffff  }
0x35d: {  	v6 =	vld.idx.msk [tilespmem:v6+s20+$0x0], $0xffff  }
0x35e: {  	v7 =	vsub.f32 v7, v9;
	v9 =	vld [tilespmem:s11+$0x10050]  }
0x35f: {  	v5 =	vld.idx.msk [tilespmem:v5+s20+$0x0], $0xffff  }
0x360: {  	[tilespmem:s14+$0xFFFFFFC0] =	vst v7;
	v7 =	vld [tilespmem:s8+$0xFFFFFF80]  }
0x361: {  	v12 =	vsub.f32 v12, v15;
	v15 =	vld.idx.msk [tilespmem:v16+s20+$0x0], $0xffff  }
0x362: {  	v10 =	vsub.f32 v10, v11;
	v11 =	vld [tilespmem:s15+$0xFFFFFFD0]  }
0x363: {  	[tilespmem:s6+$0x20] =	vst v12;
	v12 =	vld [tilespmem:s11+$0x10050]  }
0x364: {  	[tilespmem:s12+$0xFFFFFFE0] =	vst v10;
	v10 =	vld [tilespmem:s21+$0x30];
	v5 =	vsub.f32 v5, v9  }
0x365: {  	v6 =	vsub.f32 v6, v8;
	v8 =	vld [tilespmem:s11+$0x10000]  }
0x366: {  	v17 =	vld [tilespmem:s11+$0x10030];
	[tilespmem:s14+$0x50] =	vst v5  }
0x367: {  	v5 =	vld [tilespmem:s15+$0x60]  }
0x368: {  	[tilespmem:s6+$0xFFFFFFA0] =	vst v6;
	v6 =	vld.idx.msk [tilespmem:v7+s20+$0x0], $0xffff  }
0x369: {  	v7 =	vld [tilespmem:s21+$0xFFFFFFB0]  }
0x36a: {  	v16 =	vld [tilespmem:s11+$0x10030]  }
0x36b: {  	v9 =	vld [tilespmem:s16+$0xFFFFFFF0];
	v15 =	vsub.f32 v15, v8  }
0x36c: {  	s16 =	simm.s32 $0x14700;
	v10 =	vld.idx.msk [tilespmem:v10+s20+$0x0], $0xffff  }
0x36d: {  	[tilespmem:s16+$0x0] =	vst v15;
	v11 =	vld.idx.msk [tilespmem:v11+s20+$0x0], $0xffff;
	v6 =	vsub.f32 v6, v8  }
0x36e: {  	v8 =	vld [tilespmem:s8+$0x10]  }
0x36f: {  	[tilespmem:s16+$0xFFFFFF80] =	vst v6;
	v6 =	vld [tilespmem:s11+$0x10060]  }
0x370: {  	v5 =	vld.idx.msk [tilespmem:v5+s20+$0x0], $0xffff  }
0x371: {  	v10 =	vsub.f32 v10, v17;
	v7 =	vld.idx.msk [tilespmem:v7+s20+$0x0], $0xffff  }
0x372: {  	v15 =	vld [tilespmem:s8+$0xFFFFFF90]  }
0x373: {  	v17 =	vld [tilespmem:s11+$0x10010];
	[tilespmem:s6+$0x30] =	vst v10  }
0x374: {  	v10 =	vld [tilespmem:s21+$0x40]  }
0x375: {  	v6 =	vsub.f32 v5, v6;
	v5 =	vld.idx.msk [tilespmem:v9+s20+$0x0], $0xffff  }
0x376: {  	v8 =	vld.idx.msk [tilespmem:v8+s20+$0x0], $0xffff;
	v7 =	vsub.f32 v7, v16  }
0x377: {  	v9 =	vsub.f32 v11, v12;
	v11 =	vld [tilespmem:s11+$0x10010];
	[tilespmem:s14+$0x60] =	vst v6  }
0x378: {  	[tilespmem:s6+$0xFFFFFFB0] =	vst v7;
	v7 =	vld [tilespmem:s11+$0x10040]  }
0x379: {  	v12 =	vld [tilespmem:s15+$0x70]  }
0x37a: {  	[tilespmem:s14+$0xFFFFFFD0] =	vst v9;
	v9 =	vld.idx.msk [tilespmem:v15+s20+$0x0], $0xffff  }
0x37b: {  	v15 =	vld [tilespmem:s15+$0xFFFFFFE0]  }
0x37c: {  	v6 =	vld [tilespmem:s11+$0x10060]  }
0x37d: {  	v8 =	vsub.f32 v8, v11;
	v10 =	vld.idx.msk [tilespmem:v10+s20+$0x0], $0xffff  }
0x37e: {  	v18 =	vld [tilespmem:s11+$0x10070]  }
0x37f: {  	[tilespmem:s16+$0x10] =	vst v8;
	v8 =	vld [tilespmem:s21+$0xFFFFFFC0]  }
0x380: {  	v11 =	vld [tilespmem:s11+$0x10040];
	v9 =	vsub.f32 v9, v17  }
0x381: {  	v16 =	vld [tilespmem:s8+$0x20]  }
0x382: {  	[tilespmem:s16+$0xFFFFFF90] =	vst v9;
	v7 =	vsub.f32 v10, v7;
	v17 =	vld.idx.msk [tilespmem:v12+s20+$0x0], $0xffff  }
0x383: {  	v19 =	vld [tilespmem:s8+$0xFFFFFFA0]  }
0x384: {  	v9 =	vld [tilespmem:s11+$0x10020];
	[tilespmem:s6+$0x40] =	vst v7  }
0x385: {  	v10 =	vld [tilespmem:s21+$0x50]  }
0x386: {  	v7 =	vld [tilespmem:s11+$0x10070]  }
0x387: {  	v12 =	vld.idx.msk [tilespmem:v8+s20+$0x0], $0xffff  }
0x388: {  	v13 =	vsub.f32 v13, v14;
	v8 =	vld.idx.msk [tilespmem:v15+s20+$0x0], $0xffff  }
0x389: {  	v15 =	vld [tilespmem:s11+$0x10020];
	v17 =	vsub.f32 v17, v18  }
0x38a: {  	[tilespmem:s12+$0x70] =	vst v13;
	v14 =	vld.idx.msk [tilespmem:v16+s20+$0x0], $0xffff  }
0x38b: {  	s23 =	simm.s32 $0x6;
	s17 =	simm.s32 $0x10800;
	[tilespmem:s14+$0x70] =	vst v17;
	v13 =	vld.idx.msk [tilespmem:v19+s20+$0x0], $0xffff  }
.LBB2_18:
0x38c: {  	v16 =	vld [tilespmem:s17+$0x0];
	v11 =	vsub.f32 v12, v11  }
0x38d: {  	v6 =	vsub.f32 v8, v6;
	v10 =	vld.idx.msk [tilespmem:v10+s20+$0x0], $0xffff;
	v5 =	vsub.f32 v5, v7  }
0x38e: {  	s23 =	sadd.s32 $0x2, s23;
	[tilespmem:s6+$0xFFFFFFC0] =	vst v11;
	v7 =	vld [tilespmem:s11+$0x10050]  }
0x38f: {  	p1 =	slt.u32 s23, $0x3E;
	v8 =	vld [tilespmem:s17+$0xFFFFFF80];
	v11 =	vsub.f32 v14, v15;
	[tilespmem:s14+$0xFFFFFFE0] =	vst v6  }
0x390: {  	v6 =	vld [tilespmem:s21+$0xFFFFFFD0];
	[tilespmem:s12+$0xFFFFFFF0] =	vst v5;
	s12 =	smov.u32 s14;
	s14 =	smov.u32 s6;
	s6 =	smov.u32 s16  }
0x391: {  	v5 =	vsub.f32 v13, v9;
	[tilespmem:s16+$0x20] =	vst v11;
	v9 =	vld [tilespmem:s11+$0x10050]  }
0x392: {  	v11 =	vld [tilespmem:s8+$0x30]  }
0x393: {  	[tilespmem:s16+$0xFFFFFFA0] =	vst v5;
	v5 =	vsub.f32 v10, v7;
	v7 =	vld [tilespmem:s15+$0xFFFFFFF0];
	s15 =	smov.u32 s21;
	s21 =	smov.u32 s8;
	s8 =	smov.u32 s17  }
0x394: {  	v10 =	vld.idx.msk [tilespmem:v16+s20+$0x0], $0xffff  }
0x395: {  	v12 =	vld [tilespmem:s11+$0x10000];
	[tilespmem:s14+$0x50] =	vst v5  }
0x396: {  	v5 =	vld [tilespmem:s15+$0x60]  }
0x397: {  	v8 =	vld.idx.msk [tilespmem:v8+s20+$0x0], $0xffff  }
0x398: {  	v13 =	vld [tilespmem:s21+$0xFFFFFFB0]  }
0x399: {  	v14 =	vld [tilespmem:s11+$0x10030]  }
0x39a: {  	v10 =	vsub.f32 v10, v12;
	v11 =	vld.idx.msk [tilespmem:v11+s20+$0x0], $0xffff  }
0x39b: {  	s16 =	sadd.s32 $0x100, s16;
	v15 =	vld [tilespmem:s11+$0x10030]  }
0x39c: {  	[tilespmem:s16+$0x0] =	vst v10;
	v6 =	vld.idx.msk [tilespmem:v6+s20+$0x0], $0xffff  }
0x39d: {  	v8 =	vsub.f32 v8, v12;
	v10 =	vld [tilespmem:s17+$0x10]  }
0x39e: {  	v5 =	vld.idx.msk [tilespmem:v5+s20+$0x0], $0xffff  }
0x39f: {  	[tilespmem:s16+$0xFFFFFF80] =	vst v8;
	v8 =	vld [tilespmem:s11+$0x10060]  }
0x3a0: {  	v12 =	vld [tilespmem:s17+$0xFFFFFF90];
	v11 =	vsub.f32 v11, v15  }
0x3a1: {  	v15 =	vld [tilespmem:s11+$0x10010]  }
0x3a2: {  	v6 =	vsub.f32 v6, v9;
	v13 =	vld.idx.msk [tilespmem:v13+s20+$0x0], $0xffff;
	[tilespmem:s6+$0x30] =	vst v11  }
0x3a3: {  	v9 =	vld [tilespmem:s21+$0x40]  }
0x3a4: {  	[tilespmem:s14+$0xFFFFFFD0] =	vst v6;
	v6 =	vsub.f32 v5, v8;
	v5 =	vld.idx.msk [tilespmem:v7+s20+$0x0], $0xffff  }
0x3a5: {  	v7 =	vld.idx.msk [tilespmem:v10+s20+$0x0], $0xffff  }
0x3a6: {  	v8 =	vld [tilespmem:s11+$0x10010];
	[tilespmem:s14+$0x60] =	vst v6  }
0x3a7: {  	v10 =	vld [tilespmem:s15+$0x70]  }
0x3a8: {  	v6 =	vsub.f32 v13, v14;
	v11 =	vld.idx.msk [tilespmem:v12+s20+$0x0], $0xffff  }
0x3a9: {  	v13 =	vld [tilespmem:s15+$0xFFFFFFE0]  }
0x3aa: {  	[tilespmem:s6+$0xFFFFFFB0] =	vst v6;
	v6 =	vld [tilespmem:s11+$0x10060]  }
0x3ab: {  	v7 =	vsub.f32 v7, v8;
	v8 =	vld.idx.msk [tilespmem:v9+s20+$0x0], $0xffff  }
0x3ac: {  	v9 =	vld [tilespmem:s11+$0x10040]  }
0x3ad: {  	[tilespmem:s16+$0x10] =	vst v7;
	v7 =	vld [tilespmem:s21+$0xFFFFFFC0]  }
0x3ae: {  	v11 =	vsub.f32 v11, v15;
	v14 =	vld [tilespmem:s17+$0x20]  }
0x3af: {  	v15 =	vld.idx.msk [tilespmem:v10+s20+$0x0], $0xffff  }
0x3b0: {  	[tilespmem:s16+$0xFFFFFF90] =	vst v11;
	v16 =	vld [tilespmem:s11+$0x10070]  }
0x3b1: {  	v17 =	vld [tilespmem:s17+$0xFFFFFFA0];
	v8 =	vsub.f32 v8, v9  }
0x3b2: {  	v9 =	vld [tilespmem:s11+$0x10020]  }
0x3b3: {  	v11 =	vld [tilespmem:s11+$0x10040];
	[tilespmem:s6+$0x40] =	vst v8  }
0x3b4: {  	v10 =	vld [tilespmem:s21+$0x50]  }
0x3b5: {  	v12 =	vld.idx.msk [tilespmem:v7+s20+$0x0], $0xffff;
	v7 =	vsub.f32 v15, v16  }
.Ltmp11:
0x3b6: {  	v8 =	vld.idx.msk [tilespmem:v13+s20+$0x0], $0xffff;
	(pc) =	sbr.rel @p1 .LBB2_18-.Ltmp11, $4  }
0x3b7: {  	[tilespmem:s14+$0x70] =	vst v7;
	v7 =	vld [tilespmem:s11+$0x10070]  }
0x3b8: {  	v14 =	vld.idx.msk [tilespmem:v14+s20+$0x0], $0xffff  }
0x3b9: {  	v15 =	vld [tilespmem:s11+$0x10020]  }
0x3ba: {  	s17 =	sadd.s32 $0x100, s17;
	v13 =	vld.idx.msk [tilespmem:v17+s20+$0x0], $0xffff  }
0x3bb: {  	_ =	sdelay $0x2  }
0x3bc: {  	v14 =	vsub.f32 v14, v15;
	_ =	sdelay $0x1  }
0x3bd: {  	v9 =	vsub.f32 v13, v9;
	[tilespmem:s16+$0x20] =	vst v14  }
0x3be: {  	v14 =	vld [tilespmem:s8+$0x30]  }
0x3bf: {  	[tilespmem:s16+$0xFFFFFFA0] =	vst v9  }
0x3c0: {  	v9 =	vld [tilespmem:s8+$0xFFFFFFB0];
	_ =	sdelay $0x4  }
0x3c1: {  	v44 =	vld [tilespmem:s11+$0x10030]  }
0x3c2: {  	v43 =	vld.idx.msk [tilespmem:v14+s20+$0x0], $0xffff  }
0x3c3: {  	v45 =	vld [tilespmem:s11+$0x10030]  }
0x3c4: {  	v9 =	vld.idx.msk [tilespmem:v9+s20+$0x0], $0xffff;
	_ =	sdelay $0x2  }
0x3c5: {  	v13 =	vsub.f32 v43, v44;
	_ =	sdelay $0x1  }
0x3c6: {  	v9 =	vsub.f32 v9, v45;
	[tilespmem:s16+$0x30] =	vst v13  }
0x3c7: {  	v13 =	vld [tilespmem:s8+$0x40]  }
0x3c8: {  	[tilespmem:s16+$0xFFFFFFB0] =	vst v9  }
0x3c9: {  	v9 =	vld [tilespmem:s8+$0xFFFFFFC0];
	_ =	sdelay $0x4  }
0x3ca: {  	v46 =	vld [tilespmem:s11+$0x10040]  }
0x3cb: {  	v13 =	vld.idx.msk [tilespmem:v13+s20+$0x0], $0xffff  }
0x3cc: {  	v47 =	vld [tilespmem:s11+$0x10040]  }
0x3cd: {  	v9 =	vld.idx.msk [tilespmem:v9+s20+$0x0], $0xffff  }
0x3ce: {  	v11 =	vsub.f32 v12, v11;
	_ =	sdelay $0x1  }
0x3cf: {  	[tilespmem:s6+$0xFFFFFFC0] =	vst v11;
	v13 =	vsub.f32 v13, v46  }
0x3d0: {  	v11 =	vld [tilespmem:s21+$0xFFFFFFD0]  }
0x3d1: {  	v9 =	vsub.f32 v9, v47;
	[tilespmem:s16+$0x40] =	vst v13  }
0x3d2: {  	v13 =	vld [tilespmem:s8+$0x50]  }
0x3d3: {  	[tilespmem:s16+$0xFFFFFFC0] =	vst v9  }
0x3d4: {  	v9 =	vld [tilespmem:s8+$0xFFFFFFD0]  }
0x3d5: {  	v10 =	vld.idx.msk [tilespmem:v10+s20+$0x0], $0xffff  }
0x3d6: {  	v48 =	vld [tilespmem:s11+$0x10050]  }
0x3d7: {  	v49 =	vld [tilespmem:s11+$0x10050]  }
0x3d8: {  	v11 =	vld.idx.msk [tilespmem:v11+s20+$0x0], $0xffff  }
0x3d9: {  	v51 =	vld [tilespmem:s11+$0x10050]  }
0x3da: {  	v50 =	vld.idx.msk [tilespmem:v13+s20+$0x0], $0xffff  }
0x3db: {  	v10 =	vsub.f32 v10, v48;
	v52 =	vld [tilespmem:s11+$0x10050]  }
0x3dc: {  	v9 =	vld.idx.msk [tilespmem:v9+s20+$0x0], $0xffff  }
0x3dd: {  	[tilespmem:s6+$0x50] =	vst v10;
	v11 =	vsub.f32 v11, v49  }
0x3de: {  	v10 =	vld [tilespmem:s21+$0x60]  }
0x3df: {  	[tilespmem:s6+$0xFFFFFFD0] =	vst v11;
	v12 =	vsub.f32 v50, v51  }
0x3e0: {  	v6 =	vsub.f32 v8, v6;
	v11 =	vld [tilespmem:s21+$0xFFFFFFE0]  }
0x3e1: {  	v9 =	vsub.f32 v9, v52;
	[tilespmem:s16+$0x50] =	vst v12  }
0x3e2: {  	[tilespmem:s14+$0xFFFFFFE0] =	vst v6;
	v12 =	vld [tilespmem:s8+$0x60]  }
0x3e3: {  	v57 =	vld [tilespmem:s15+$0xFFFFFFF0];
	[tilespmem:s16+$0xFFFFFFD0] =	vst v9  }
0x3e4: {  	v9 =	vld [tilespmem:s8+$0xFFFFFFE0]  }
0x3e5: {  	v53 =	vld [tilespmem:s11+$0x10060]  }
0x3e6: {  	v10 =	vld.idx.msk [tilespmem:v10+s20+$0x0], $0xffff  }
0x3e7: {  	v54 =	vld [tilespmem:s11+$0x10060]  }
0x3e8: {  	v55 =	vld.idx.msk [tilespmem:v11+s20+$0x0], $0xffff  }
0x3e9: {  	v6 =	vld [tilespmem:s11+$0x10060]  }
0x3ea: {  	v56 =	vld.idx.msk [tilespmem:v12+s20+$0x0], $0xffff  }
0x3eb: {  	v10 =	vsub.f32 v10, v53;
	v58 =	vld [tilespmem:s11+$0x10060]  }
0x3ec: {  	v9 =	vld.idx.msk [tilespmem:v9+s20+$0x0], $0xffff  }
0x3ed: {  	[tilespmem:s6+$0x60] =	vst v10;
	v8 =	vsub.f32 v55, v54  }
0x3ee: {  	v10 =	vld [tilespmem:s21+$0x70]  }
0x3ef: {  	[tilespmem:s6+$0xFFFFFFE0] =	vst v8;
	v6 =	vsub.f32 v56, v6  }
0x3f0: {  	v8 =	vld [tilespmem:s21+$0xFFFFFFF0]  }
0x3f1: {  	v61 =	vld [tilespmem:s11+$0x10070];
	v9 =	vsub.f32 v9, v58;
	[tilespmem:s16+$0x60] =	vst v6  }
0x3f2: {  	v6 =	vld [tilespmem:s8+$0x70]  }
0x3f3: {  	v59 =	vld.idx.msk [tilespmem:v57+s20+$0x0], $0xffff;
	[tilespmem:s16+$0xFFFFFFE0] =	vst v9  }
0x3f4: {  	v9 =	vld [tilespmem:s8+$0xFFFFFFF0]  }
0x3f5: {  	v60 =	vld [tilespmem:s11+$0x10070]  }
0x3f6: {  	v10 =	vld.idx.msk [tilespmem:v10+s20+$0x0], $0xffff  }
0x3f7: {  	v63 =	vld [tilespmem:s11+$0x10070]  }
0x3f8: {  	v8 =	vld.idx.msk [tilespmem:v8+s20+$0x0], $0xffff  }
0x3f9: {  	v62 =	vld [tilespmem:s11+$0x10070]  }
0x3fa: {  	v6 =	vld.idx.msk [tilespmem:v6+s20+$0x0], $0xffff  }
0x3fb: {  	v5 =	vsub.f32 v5, v7;
	v7 =	vld [tilespmem:s11+$0x10070]  }
0x3fc: {  	v9 =	vld.idx.msk [tilespmem:v9+s20+$0x0], $0xffff  }
0x3fd: {  	[tilespmem:s12+$0xFFFFFFF0] =	vst v5;
	v5 =	vsub.f32 v59, v61  }
0x3fe: {  	v10 =	vsub.f32 v10, v60  }
0x3ff: {  	[tilespmem:s14+$0xFFFFFFF0] =	vst v5;
	v6 =	vsub.f32 v6, v62  }
0x400: {  	[tilespmem:s6+$0x70] =	vst v10;
	v5 =	vsub.f32 v8, v63  }
0x401: {  	[tilespmem:s16+$0x70] =	vst v6;
	v6 =	vsub.f32 v9, v7  }
0x402: {  	[tilespmem:s6+$0xFFFFFFF0] =	vst v5  }
0x403: {  	[tilespmem:s16+$0xFFFFFFF0] =	vst v6  }
.LBB2_20:
.Ltmp12:
0x404: {  	(pc) =	sbr.rel @p0 .LBB2_24-.Ltmp12, $1  }
0x405: {  	_ =	sdelay $0x3  }
0x406: {  	s17 =	simm.s32 $0x10400  }
0x407: {  	v5 =	vld [tilespmem:s17+$0x0];
	_ =	sdelay $0x1  }
0x408: {  	v6 =	vld [tilespmem:s17+$0xFFFFFF80];
	_ =	sdelay $0x5  }
0x409: {  	v5 =	vld.idx.msk [tilespmem:v5+s20+$0x0], $0xffff;
	_ =	sdelay $0x1  }
0x40a: {  	v6 =	vld.idx.msk [tilespmem:v6+s20+$0x0], $0xffff;
	_ =	sdelay $0x1  }
0x40b: {  	s6 =	simm.s32 $0x14400  }
0x40c: {  	[tilespmem:s6+$0x0] =	vst v5  }
0x40d: {  	v5 =	vld [tilespmem:s17+$0x10]  }
0x40e: {  	[tilespmem:s6+$0xFFFFFF80] =	vst v6  }
0x40f: {  	v6 =	vld [tilespmem:s17+$0xFFFFFF90];
	_ =	sdelay $0x3  }
0x410: {  	s11 =	simm.s32 $0x10500  }
0x411: {  	v7 =	vld [tilespmem:s11+$0x0]  }
0x412: {  	v5 =	vld.idx.msk [tilespmem:v5+s20+$0x0], $0xffff;
	_ =	sdelay $0x1  }
0x413: {  	v6 =	vld.idx.msk [tilespmem:v6+s20+$0x0], $0xffff;
	_ =	sdelay $0x2  }
0x414: {  	[tilespmem:s6+$0x10] =	vst v5  }
0x415: {  	v5 =	vld [tilespmem:s17+$0x20]  }
0x416: {  	[tilespmem:s6+$0xFFFFFF90] =	vst v6;
	v6 =	vld.idx.msk [tilespmem:v7+s20+$0x0], $0xffff  }
0x417: {  	v8 =	vld [tilespmem:s11+$0xFFFFFF80];
	_ =	sdelay $0x1  }
0x418: {  	v7 =	vld [tilespmem:s17+$0xFFFFFFA0]  }
0x419: {  	s8 =	simm.s32 $0x14500  }
0x41a: {  	[tilespmem:s8+$0x0] =	vst v6  }
0x41b: {  	v6 =	vld [tilespmem:s11+$0x10]  }
0x41c: {  	v5 =	vld.idx.msk [tilespmem:v5+s20+$0x0], $0xffff;
	_ =	sdelay $0x1  }
0x41d: {  	v8 =	vld.idx.msk [tilespmem:v8+s20+$0x0], $0xffff;
	_ =	sdelay $0x1  }
0x41e: {  	v7 =	vld.idx.msk [tilespmem:v7+s20+$0x0], $0xffff  }
0x41f: {  	[tilespmem:s6+$0x20] =	vst v5  }
0x420: {  	v5 =	vld [tilespmem:s17+$0x30]  }
0x421: {  	[tilespmem:s8+$0xFFFFFF80] =	vst v8;
	v6 =	vld.idx.msk [tilespmem:v6+s20+$0x0], $0xffff  }
0x422: {  	v8 =	vld [tilespmem:s11+$0xFFFFFF90]  }
0x423: {  	[tilespmem:s6+$0xFFFFFFA0] =	vst v7  }
0x424: {  	v7 =	vld [tilespmem:s17+$0xFFFFFFB0];
	_ =	sdelay $0x1  }
0x425: {  	[tilespmem:s8+$0x10] =	vst v6  }
0x426: {  	v6 =	vld [tilespmem:s11+$0x20]  }
0x427: {  	s12 =	simm.s32 $0x10600;
	v5 =	vld.idx.msk [tilespmem:v5+s20+$0x0], $0xffff  }
0x428: {  	v9 =	vld [tilespmem:s12+$0x0]  }
0x429: {  	v8 =	vld.idx.msk [tilespmem:v8+s20+$0x0], $0xffff  }
0x42a: {  	v10 =	vld [tilespmem:s12+$0xFFFFFF80]  }
0x42b: {  	v7 =	vld.idx.msk [tilespmem:v7+s20+$0x0], $0xffff  }
0x42c: {  	[tilespmem:s6+$0x30] =	vst v5  }
0x42d: {  	v5 =	vld [tilespmem:s17+$0x40]  }
0x42e: {  	[tilespmem:s8+$0xFFFFFF90] =	vst v8;
	v6 =	vld.idx.msk [tilespmem:v6+s20+$0x0], $0xffff  }
0x42f: {  	v8 =	vld [tilespmem:s11+$0xFFFFFFA0]  }
0x430: {  	v9 =	vld.idx.msk [tilespmem:v9+s20+$0x0], $0xffff;
	[tilespmem:s6+$0xFFFFFFB0] =	vst v7  }
0x431: {  	v7 =	vld [tilespmem:s17+$0xFFFFFFC0]  }
0x432: {  	s15 =	simm.s32 $0x10700;
	v10 =	vld.idx.msk [tilespmem:v10+s20+$0x0], $0xffff  }
0x433: {  	v11 =	vld [tilespmem:s15+$0x0];
	[tilespmem:s8+$0x20] =	vst v6  }
0x434: {  	s14 =	simm.s32 $0x14600;
	v6 =	vld [tilespmem:s11+$0x30]  }
0x435: {  	[tilespmem:s14+$0x0] =	vst v9;
	v5 =	vld.idx.msk [tilespmem:v5+s20+$0x0], $0xffff  }
0x436: {  	v9 =	vld [tilespmem:s12+$0x10]  }
0x437: {  	[tilespmem:s14+$0xFFFFFF80] =	vst v10;
	v8 =	vld.idx.msk [tilespmem:v8+s20+$0x0], $0xffff  }
0x438: {  	v10 =	vld [tilespmem:s12+$0xFFFFFF90]  }
0x439: {  	v7 =	vld.idx.msk [tilespmem:v7+s20+$0x0], $0xffff  }
0x43a: {  	v12 =	vld [tilespmem:s15+$0xFFFFFF80];
	[tilespmem:s6+$0x40] =	vst v5  }
0x43b: {  	v5 =	vld [tilespmem:s17+$0x50]  }
0x43c: {  	[tilespmem:s8+$0xFFFFFFA0] =	vst v8;
	v6 =	vld.idx.msk [tilespmem:v6+s20+$0x0], $0xffff  }
0x43d: {  	v8 =	vld [tilespmem:s11+$0xFFFFFFB0]  }
0x43e: {  	v9 =	vld.idx.msk [tilespmem:v9+s20+$0x0], $0xffff;
	[tilespmem:s6+$0xFFFFFFC0] =	vst v7  }
0x43f: {  	v7 =	vld [tilespmem:s17+$0xFFFFFFD0]  }
0x440: {  	v10 =	vld.idx.msk [tilespmem:v10+s20+$0x0], $0xffff  }
0x441: {  	v11 =	vld.idx.msk [tilespmem:v11+s20+$0x0], $0xffff;
	[tilespmem:s8+$0x30] =	vst v6  }
0x442: {  	v6 =	vld [tilespmem:s11+$0x40]  }
0x443: {  	[tilespmem:s14+$0x10] =	vst v9;
	v5 =	vld.idx.msk [tilespmem:v5+s20+$0x0], $0xffff  }
0x444: {  	v9 =	vld [tilespmem:s12+$0x20]  }
0x445: {  	[tilespmem:s14+$0xFFFFFF90] =	vst v10;
	v8 =	vld.idx.msk [tilespmem:v8+s20+$0x0], $0xffff  }
0x446: {  	v10 =	vld [tilespmem:s12+$0xFFFFFFA0]  }
0x447: {  	v7 =	vld.idx.msk [tilespmem:v7+s20+$0x0], $0xffff  }
0x448: {  	v12 =	vld.idx.msk [tilespmem:v12+s20+$0x0], $0xffff;
	[tilespmem:s6+$0x50] =	vst v5  }
0x449: {  	v5 =	vld [tilespmem:s17+$0x60]  }
0x44a: {  	s16 =	simm.s32 $0x14700;
	[tilespmem:s8+$0xFFFFFFB0] =	vst v8;
	v6 =	vld.idx.msk [tilespmem:v6+s20+$0x0], $0xffff  }
0x44b: {  	[tilespmem:s16+$0x0] =	vst v11;
	v8 =	vld [tilespmem:s11+$0xFFFFFFC0]  }
0x44c: {  	[tilespmem:s6+$0xFFFFFFD0] =	vst v7;
	v7 =	vld.idx.msk [tilespmem:v9+s20+$0x0], $0xffff  }
0x44d: {  	v11 =	vld [tilespmem:s15+$0x10]  }
0x44e: {  	v9 =	vld [tilespmem:s17+$0xFFFFFFE0]  }
0x44f: {  	v10 =	vld.idx.msk [tilespmem:v10+s20+$0x0], $0xffff;
	[tilespmem:s8+$0x40] =	vst v6  }
0x450: {  	v6 =	vld [tilespmem:s11+$0x50]  }
0x451: {  	[tilespmem:s14+$0x20] =	vst v7;
	v5 =	vld.idx.msk [tilespmem:v5+s20+$0x0], $0xffff  }
0x452: {  	v7 =	vld [tilespmem:s12+$0x30]  }
0x453: {  	[tilespmem:s16+$0xFFFFFF80] =	vst v12;
	v8 =	vld.idx.msk [tilespmem:v8+s20+$0x0], $0xffff  }
0x454: {  	v13 =	vld [tilespmem:s15+$0xFFFFFF90];
	[tilespmem:s14+$0xFFFFFFA0] =	vst v10  }
0x455: {  	v14 =	vld [tilespmem:s12+$0xFFFFFFB0]  }
0x456: {  	v9 =	vld.idx.msk [tilespmem:v9+s20+$0x0], $0xffff;
	[tilespmem:s6+$0x60] =	vst v5  }
0x457: {  	v5 =	vld [tilespmem:s17+$0x70]  }
0x458: {  	[tilespmem:s8+$0xFFFFFFC0] =	vst v8;
	v6 =	vld.idx.msk [tilespmem:v6+s20+$0x0], $0xffff  }
0x459: {  	v15 =	vld [tilespmem:s11+$0xFFFFFFD0]  }
0x45a: {  	v7 =	vld.idx.msk [tilespmem:v7+s20+$0x0], $0xffff  }
0x45b: {  	[tilespmem:s6+$0xFFFFFFE0] =	vst v9;
	v9 =	vld.idx.msk [tilespmem:v11+s20+$0x0], $0xffff;
	_ =	sdelay $0x1  }
0x45c: {  	v10 =	vld.idx.msk [tilespmem:v13+s20+$0x0], $0xffff;
	[tilespmem:s8+$0x50] =	vst v6  }
0x45d: {  	v6 =	vld [tilespmem:s11+$0x60]  }
0x45e: {  	[tilespmem:s14+$0x30] =	vst v7;
	v63 =	vld.idx.msk [tilespmem:v5+s20+$0x0], $0xffff  }
0x45f: {  	[tilespmem:s16+$0x10] =	vst v9;
	v9 =	vld.idx.msk [tilespmem:v14+s20+$0x0], $0xffff  }
0x460: {  	v8 =	vld [tilespmem:s12+$0x40]  }
0x461: {  	v7 =	vld.idx.msk [tilespmem:v15+s20+$0x0], $0xffff  }
0x462: {  	v11 =	vld [tilespmem:s15+$0x20]  }
0x463: {  	s21 =	simm.s32 $0x10800;
	v5 =	vld [tilespmem:s17+$0xFFFFFFF0];
	s17 =	simm.s32 $0x6;
	[tilespmem:s6+$0x70] =	vst v63  }
.LBB2_22:
0x464: {  	v12 =	vld [tilespmem:s21+$0x0];
	s17 =	sadd.s32 $0x2, s17;
	s23 =	smov.u32 s14;
	s14 =	smov.u32 s16  }
0x465: {  	v13 =	vld [tilespmem:s21+$0xFFFFFF80];
	p0 =	slt.u32 s17, $0x3E;
	[tilespmem:s16+$0xFFFFFF90] =	vst v10  }
0x466: {  	v6 =	vld.idx.msk [tilespmem:v6+s20+$0x0], $0xffff  }
0x467: {  	v10 =	vld [tilespmem:s15+$0xFFFFFFA0];
	[tilespmem:s23+$0xFFFFFFB0] =	vst v9  }
0x468: {  	v8 =	vld.idx.msk [tilespmem:v8+s20+$0x0], $0xffff  }
0x469: {  	v9 =	vld [tilespmem:s12+$0xFFFFFFC0];
	[tilespmem:s8+$0xFFFFFFD0] =	vst v7  }
0x46a: {  	v7 =	vld.idx.msk [tilespmem:v11+s20+$0x0], $0xffff  }
0x46b: {  	v11 =	vld [tilespmem:s11+$0xFFFFFFE0]  }
0x46c: {  	v12 =	vld.idx.msk [tilespmem:v12+s20+$0x0], $0xffff;
	[tilespmem:s8+$0x60] =	vst v6  }
0x46d: {  	v6 =	vld [tilespmem:s11+$0x70]  }
0x46e: {  	v13 =	vld.idx.msk [tilespmem:v13+s20+$0x0], $0xffff;
	[tilespmem:s23+$0x40] =	vst v8  }
0x46f: {  	v8 =	vld [tilespmem:s12+$0x50]  }
0x470: {  	v10 =	vld.idx.msk [tilespmem:v10+s20+$0x0], $0xffff;
	[tilespmem:s16+$0x20] =	vst v7  }
0x471: {  	s16 =	sadd.s32 $0x100, s16;
	v7 =	vld [tilespmem:s15+$0x30]  }
0x472: {  	[tilespmem:s16+$0x0] =	vst v12;
	v9 =	vld.idx.msk [tilespmem:v9+s20+$0x0], $0xffff  }
0x473: {  	v12 =	vld [tilespmem:s21+$0x10]  }
0x474: {  	[tilespmem:s16+$0xFFFFFF80] =	vst v13;
	v11 =	vld.idx.msk [tilespmem:v11+s20+$0x0], $0xffff  }
0x475: {  	v6 =	vld.idx.msk [tilespmem:v6+s20+$0x0], $0xffff  }
0x476: {  	v13 =	vld [tilespmem:s21+$0xFFFFFF90];
	[tilespmem:s14+$0xFFFFFFA0] =	vst v10  }
0x477: {  	v8 =	vld.idx.msk [tilespmem:v8+s20+$0x0], $0xffff  }
0x478: {  	v14 =	vld [tilespmem:s15+$0xFFFFFFB0];
	[tilespmem:s23+$0xFFFFFFC0] =	vst v9  }
0x479: {  	v7 =	vld.idx.msk [tilespmem:v7+s20+$0x0], $0xffff  }
0x47a: {  	v15 =	vld [tilespmem:s12+$0xFFFFFFD0];
	[tilespmem:s8+$0xFFFFFFE0] =	vst v11  }
0x47b: {  	v9 =	vld.idx.msk [tilespmem:v12+s20+$0x0], $0xffff;
	[tilespmem:s8+$0x70] =	vst v6  }
0x47c: {  	v11 =	vld [tilespmem:s11+$0xFFFFFFF0];
	s11 =	smov.u32 s12;
	s12 =	smov.u32 s15;
	s15 =	smov.u32 s21  }
0x47d: {  	[tilespmem:s23+$0x50] =	vst v8;
	v12 =	vld.idx.msk [tilespmem:v5+s20+$0x0], $0xffff  }
0x47e: {  	v6 =	vld [tilespmem:s11+$0x60]  }
.Ltmp13:
0x47f: {  	v10 =	vld.idx.msk [tilespmem:v13+s20+$0x0], $0xffff;
	[tilespmem:s14+$0x30] =	vst v7;
	(pc) =	sbr.rel @p0 .LBB2_22-.Ltmp13, $4  }
0x480: {  	v8 =	vld [tilespmem:s12+$0x40]  }
0x481: {  	[tilespmem:s16+$0x10] =	vst v9;
	v9 =	vld.idx.msk [tilespmem:v14+s20+$0x0], $0xffff;
	v5 =	vmov v11  }
0x482: {  	v11 =	vld [tilespmem:s21+$0x20]  }
0x483: {  	s21 =	sadd.s32 $0x100, s21;
	v7 =	vld.idx.msk [tilespmem:v15+s20+$0x0], $0xffff;
	[tilespmem:s6+$0xFFFFFFF0] =	vst v12;
	s6 =	smov.u32 s8;
	s8 =	smov.u32 s23  }
0x484: {  	[tilespmem:s16+$0xFFFFFF90] =	vst v10  }
0x485: {  	v10 =	vld [tilespmem:s15+$0xFFFFFFA0];
	_ =	sdelay $0x6  }
0x486: {  	v11 =	vld.idx.msk [tilespmem:v11+s20+$0x0], $0xffff  }
0x487: {  	v10 =	vld.idx.msk [tilespmem:v10+s20+$0x0], $0xffff;
	_ =	sdelay $0x3  }
0x488: {  	[tilespmem:s16+$0x20] =	vst v11  }
0x489: {  	v11 =	vld [tilespmem:s15+$0x30];
	[tilespmem:s16+$0xFFFFFFA0] =	vst v10  }
0x48a: {  	v10 =	vld [tilespmem:s15+$0xFFFFFFB0];
	_ =	sdelay $0x6  }
0x48b: {  	v11 =	vld.idx.msk [tilespmem:v11+s20+$0x0], $0xffff  }
0x48c: {  	v10 =	vld.idx.msk [tilespmem:v10+s20+$0x0], $0xffff;
	_ =	sdelay $0x2  }
0x48d: {  	[tilespmem:s14+$0xFFFFFFB0] =	vst v9  }
0x48e: {  	v62 =	vld [tilespmem:s12+$0xFFFFFFC0];
	[tilespmem:s16+$0x30] =	vst v11  }
0x48f: {  	v61 =	vld [tilespmem:s15+$0x40];
	[tilespmem:s16+$0xFFFFFFB0] =	vst v10  }
0x490: {  	v10 =	vld [tilespmem:s15+$0xFFFFFFC0];
	_ =	sdelay $0x4  }
0x491: {  	v8 =	vld.idx.msk [tilespmem:v8+s20+$0x0], $0xffff  }
0x492: {  	v11 =	vld.idx.msk [tilespmem:v62+s20+$0x0], $0xffff  }
0x493: {  	v9 =	vld.idx.msk [tilespmem:v61+s20+$0x0], $0xffff  }
0x494: {  	v10 =	vld.idx.msk [tilespmem:v10+s20+$0x0], $0xffff;
	_ =	sdelay $0x1  }
0x495: {  	[tilespmem:s14+$0x40] =	vst v8  }
0x496: {  	v8 =	vld [tilespmem:s12+$0x50];
	[tilespmem:s14+$0xFFFFFFC0] =	vst v11  }
0x497: {  	v11 =	vld [tilespmem:s12+$0xFFFFFFD0];
	[tilespmem:s16+$0x40] =	vst v9  }
0x498: {  	v9 =	vld [tilespmem:s15+$0x50];
	[tilespmem:s16+$0xFFFFFFC0] =	vst v10  }
0x499: {  	v10 =	vld [tilespmem:s15+$0xFFFFFFD0];
	_ =	sdelay $0x4  }
0x49a: {  	v8 =	vld.idx.msk [tilespmem:v8+s20+$0x0], $0xffff  }
0x49b: {  	v11 =	vld.idx.msk [tilespmem:v11+s20+$0x0], $0xffff  }
0x49c: {  	v9 =	vld.idx.msk [tilespmem:v9+s20+$0x0], $0xffff  }
0x49d: {  	v10 =	vld.idx.msk [tilespmem:v10+s20+$0x0], $0xffff  }
0x49e: {  	v6 =	vld.idx.msk [tilespmem:v6+s20+$0x0], $0xffff;
	[tilespmem:s8+$0xFFFFFFD0] =	vst v7  }
0x49f: {  	v63 =	vld [tilespmem:s11+$0xFFFFFFE0];
	[tilespmem:s14+$0x50] =	vst v8  }
0x4a0: {  	v7 =	vld [tilespmem:s12+$0x60];
	[tilespmem:s14+$0xFFFFFFD0] =	vst v11  }
0x4a1: {  	v11 =	vld [tilespmem:s12+$0xFFFFFFE0];
	[tilespmem:s16+$0x50] =	vst v9  }
0x4a2: {  	v9 =	vld [tilespmem:s15+$0x60];
	[tilespmem:s16+$0xFFFFFFD0] =	vst v10  }
0x4a3: {  	v10 =	vld [tilespmem:s15+$0xFFFFFFE0];
	_ =	sdelay $0x1  }
0x4a4: {  	[tilespmem:s8+$0x60] =	vst v6  }
0x4a5: {  	v6 =	vld [tilespmem:s11+$0x70]  }
0x4a6: {  	v8 =	vld.idx.msk [tilespmem:v63+s20+$0x0], $0xffff  }
0x4a7: {  	v7 =	vld.idx.msk [tilespmem:v7+s20+$0x0], $0xffff  }
0x4a8: {  	v11 =	vld.idx.msk [tilespmem:v11+s20+$0x0], $0xffff  }
0x4a9: {  	v9 =	vld.idx.msk [tilespmem:v9+s20+$0x0], $0xffff  }
0x4aa: {  	v10 =	vld.idx.msk [tilespmem:v10+s20+$0x0], $0xffff  }
0x4ab: {  	[tilespmem:s8+$0xFFFFFFE0] =	vst v8  }
0x4ac: {  	v8 =	vld [tilespmem:s11+$0xFFFFFFF0];
	[tilespmem:s14+$0x60] =	vst v7  }
0x4ad: {  	v7 =	vld [tilespmem:s12+$0x70];
	[tilespmem:s14+$0xFFFFFFE0] =	vst v11  }
0x4ae: {  	v11 =	vld [tilespmem:s12+$0xFFFFFFF0];
	[tilespmem:s16+$0x60] =	vst v9  }
0x4af: {  	v9 =	vld [tilespmem:s15+$0x70];
	[tilespmem:s16+$0xFFFFFFE0] =	vst v10  }
0x4b0: {  	v10 =	vld [tilespmem:s15+$0xFFFFFFF0]  }
0x4b1: {  	v6 =	vld.idx.msk [tilespmem:v6+s20+$0x0], $0xffff;
	_ =	sdelay $0x1  }
0x4b2: {  	v5 =	vld.idx.msk [tilespmem:v5+s20+$0x0], $0xffff  }
0x4b3: {  	v8 =	vld.idx.msk [tilespmem:v8+s20+$0x0], $0xffff  }
0x4b4: {  	v7 =	vld.idx.msk [tilespmem:v7+s20+$0x0], $0xffff  }
0x4b5: {  	[tilespmem:s8+$0x70] =	vst v6;
	v6 =	vld.idx.msk [tilespmem:v11+s20+$0x0], $0xffff  }
0x4b6: {  	v9 =	vld.idx.msk [tilespmem:v9+s20+$0x0], $0xffff  }
0x4b7: {  	p0 =	seq.s32 s24, $0x40;
	[tilespmem:s6+$0xFFFFFFF0] =	vst v5;
	v5 =	vld.idx.msk [tilespmem:v10+s20+$0x0], $0xffff  }
.Ltmp14:
0x4b8: {  	[tilespmem:s8+$0xFFFFFFF0] =	vst v8;
	(pc) =	sbr.rel @p0 .LBB2_25-.Ltmp14, $4  }
.Ltmp15:
0x4b9: {  	[tilespmem:s14+$0x70] =	vst v7;
	(pc) =	sbr.rel @!p0 .LBB2_24-.Ltmp15, $4  }
0x4ba: {  	[tilespmem:s14+$0xFFFFFFF0] =	vst v6  }
0x4bb: {  	[tilespmem:s16+$0x70] =	vst v9  }
0x4bc: {  	[tilespmem:s16+$0xFFFFFFF0] =	vst v5  }
0x4bd: {  	_ = 	snop  }
.LBB2_26:
0x4be: {  	_ =	swait.ge [sflag:s29], $0x4000  }
0x4bf: {  	[sflag:s29] =	ssyncset.done $0x0  }
0x4c0: {  	s1 =	simm.s32 $0x3;
	[sflag:s29] =	ssyncadd.s32 $0xFFFFC000  }
0x4c1: {  	_ =	swait.ge [sflag:s1], $0x2000  }
0x4c2: {  	[sflag:s1] =	ssyncset.done $0x0  }
0x4c3: {  	s15 =	simm.s32 $0x10400;
	[sflag:s1] =	ssyncadd.s32 $0xFFFFE000  }
0x4c4: {  	v5 =	vld [tilespmem:s15+$0x0];
	_ =	sdelay $0x1  }
0x4c5: {  	v6 =	vld [tilespmem:s15+$0xFFFFFF80];
	_ =	sdelay $0x5  }
0x4c6: {  	v5 =	vld.idx.msk [tilespmem:v5+s4+$0x0], $0xffff;
	_ =	sdelay $0x1  }
0x4c7: {  	v6 =	vld.idx.msk [tilespmem:v6+s4+$0x0], $0xffff;
	_ =	sdelay $0x1  }
0x4c8: {  	s5 =	simm.s32 $0x12400  }
0x4c9: {  	[tilespmem:s5+$0x0] =	vst v5  }
0x4ca: {  	v5 =	vld [tilespmem:s15+$0x10]  }
0x4cb: {  	[tilespmem:s5+$0xFFFFFF80] =	vst v6  }
0x4cc: {  	v6 =	vld [tilespmem:s15+$0xFFFFFF90];
	_ =	sdelay $0x3  }
0x4cd: {  	s8 =	simm.s32 $0x10500  }
0x4ce: {  	v7 =	vld [tilespmem:s8+$0x0]  }
0x4cf: {  	v5 =	vld.idx.msk [tilespmem:v5+s4+$0x0], $0xffff;
	_ =	sdelay $0x1  }
0x4d0: {  	v6 =	vld.idx.msk [tilespmem:v6+s4+$0x0], $0xffff;
	_ =	sdelay $0x2  }
0x4d1: {  	[tilespmem:s5+$0x10] =	vst v5  }
0x4d2: {  	v5 =	vld [tilespmem:s15+$0x20]  }
0x4d3: {  	[tilespmem:s5+$0xFFFFFF90] =	vst v6;
	v6 =	vld.idx.msk [tilespmem:v7+s4+$0x0], $0xffff  }
0x4d4: {  	v8 =	vld [tilespmem:s8+$0xFFFFFF80];
	_ =	sdelay $0x1  }
0x4d5: {  	v7 =	vld [tilespmem:s15+$0xFFFFFFA0]  }
0x4d6: {  	s6 =	simm.s32 $0x12500  }
0x4d7: {  	[tilespmem:s6+$0x0] =	vst v6  }
0x4d8: {  	v6 =	vld [tilespmem:s8+$0x10]  }
0x4d9: {  	v5 =	vld.idx.msk [tilespmem:v5+s4+$0x0], $0xffff;
	_ =	sdelay $0x1  }
0x4da: {  	v8 =	vld.idx.msk [tilespmem:v8+s4+$0x0], $0xffff;
	_ =	sdelay $0x1  }
0x4db: {  	v7 =	vld.idx.msk [tilespmem:v7+s4+$0x0], $0xffff  }
0x4dc: {  	[tilespmem:s5+$0x20] =	vst v5  }
0x4dd: {  	v5 =	vld [tilespmem:s15+$0x30]  }
0x4de: {  	[tilespmem:s6+$0xFFFFFF80] =	vst v8;
	v6 =	vld.idx.msk [tilespmem:v6+s4+$0x0], $0xffff  }
0x4df: {  	v8 =	vld [tilespmem:s8+$0xFFFFFF90]  }
0x4e0: {  	[tilespmem:s5+$0xFFFFFFA0] =	vst v7  }
0x4e1: {  	v7 =	vld [tilespmem:s15+$0xFFFFFFB0];
	_ =	sdelay $0x1  }
0x4e2: {  	[tilespmem:s6+$0x10] =	vst v6  }
0x4e3: {  	v6 =	vld [tilespmem:s8+$0x20]  }
0x4e4: {  	s10 =	simm.s32 $0x10600;
	v5 =	vld.idx.msk [tilespmem:v5+s4+$0x0], $0xffff  }
0x4e5: {  	v9 =	vld [tilespmem:s10+$0x0]  }
0x4e6: {  	v8 =	vld.idx.msk [tilespmem:v8+s4+$0x0], $0xffff  }
0x4e7: {  	v10 =	vld [tilespmem:s10+$0xFFFFFF80]  }
0x4e8: {  	v7 =	vld.idx.msk [tilespmem:v7+s4+$0x0], $0xffff  }
0x4e9: {  	[tilespmem:s5+$0x30] =	vst v5  }
0x4ea: {  	v5 =	vld [tilespmem:s15+$0x40]  }
0x4eb: {  	[tilespmem:s6+$0xFFFFFF90] =	vst v8;
	v6 =	vld.idx.msk [tilespmem:v6+s4+$0x0], $0xffff  }
0x4ec: {  	v8 =	vld [tilespmem:s8+$0xFFFFFFA0]  }
0x4ed: {  	v9 =	vld.idx.msk [tilespmem:v9+s4+$0x0], $0xffff;
	[tilespmem:s5+$0xFFFFFFB0] =	vst v7  }
0x4ee: {  	v7 =	vld [tilespmem:s15+$0xFFFFFFC0]  }
0x4ef: {  	s12 =	simm.s32 $0x10700;
	v10 =	vld.idx.msk [tilespmem:v10+s4+$0x0], $0xffff  }
0x4f0: {  	v11 =	vld [tilespmem:s12+$0x0];
	[tilespmem:s6+$0x20] =	vst v6  }
0x4f1: {  	s11 =	simm.s32 $0x12600;
	v6 =	vld [tilespmem:s8+$0x30]  }
0x4f2: {  	[tilespmem:s11+$0x0] =	vst v9;
	v5 =	vld.idx.msk [tilespmem:v5+s4+$0x0], $0xffff  }
0x4f3: {  	v9 =	vld [tilespmem:s10+$0x10]  }
0x4f4: {  	[tilespmem:s11+$0xFFFFFF80] =	vst v10;
	v8 =	vld.idx.msk [tilespmem:v8+s4+$0x0], $0xffff  }
0x4f5: {  	v10 =	vld [tilespmem:s10+$0xFFFFFF90]  }
0x4f6: {  	v7 =	vld.idx.msk [tilespmem:v7+s4+$0x0], $0xffff  }
0x4f7: {  	v12 =	vld [tilespmem:s12+$0xFFFFFF80];
	[tilespmem:s5+$0x40] =	vst v5  }
0x4f8: {  	v5 =	vld [tilespmem:s15+$0x50]  }
0x4f9: {  	[tilespmem:s6+$0xFFFFFFA0] =	vst v8;
	v6 =	vld.idx.msk [tilespmem:v6+s4+$0x0], $0xffff  }
0x4fa: {  	v8 =	vld [tilespmem:s8+$0xFFFFFFB0]  }
0x4fb: {  	v9 =	vld.idx.msk [tilespmem:v9+s4+$0x0], $0xffff;
	[tilespmem:s5+$0xFFFFFFC0] =	vst v7  }
0x4fc: {  	v7 =	vld [tilespmem:s15+$0xFFFFFFD0]  }
0x4fd: {  	v10 =	vld.idx.msk [tilespmem:v10+s4+$0x0], $0xffff  }
0x4fe: {  	v11 =	vld.idx.msk [tilespmem:v11+s4+$0x0], $0xffff;
	[tilespmem:s6+$0x30] =	vst v6  }
0x4ff: {  	v6 =	vld [tilespmem:s8+$0x40]  }
0x500: {  	[tilespmem:s11+$0x10] =	vst v9;
	v5 =	vld.idx.msk [tilespmem:v5+s4+$0x0], $0xffff  }
0x501: {  	v9 =	vld [tilespmem:s10+$0x20]  }
0x502: {  	[tilespmem:s11+$0xFFFFFF90] =	vst v10;
	v8 =	vld.idx.msk [tilespmem:v8+s4+$0x0], $0xffff  }
0x503: {  	v10 =	vld [tilespmem:s10+$0xFFFFFFA0]  }
0x504: {  	v7 =	vld.idx.msk [tilespmem:v7+s4+$0x0], $0xffff  }
0x505: {  	v12 =	vld.idx.msk [tilespmem:v12+s4+$0x0], $0xffff;
	[tilespmem:s5+$0x50] =	vst v5  }
0x506: {  	v5 =	vld [tilespmem:s15+$0x60]  }
0x507: {  	s14 =	simm.s32 $0x12700;
	[tilespmem:s6+$0xFFFFFFB0] =	vst v8;
	v6 =	vld.idx.msk [tilespmem:v6+s4+$0x0], $0xffff  }
0x508: {  	[tilespmem:s14+$0x0] =	vst v11;
	v8 =	vld [tilespmem:s8+$0xFFFFFFC0]  }
0x509: {  	[tilespmem:s5+$0xFFFFFFD0] =	vst v7;
	v7 =	vld.idx.msk [tilespmem:v9+s4+$0x0], $0xffff  }
0x50a: {  	v11 =	vld [tilespmem:s12+$0x10]  }
0x50b: {  	v9 =	vld [tilespmem:s15+$0xFFFFFFE0]  }
0x50c: {  	v10 =	vld.idx.msk [tilespmem:v10+s4+$0x0], $0xffff;
	[tilespmem:s6+$0x40] =	vst v6  }
0x50d: {  	v6 =	vld [tilespmem:s8+$0x50]  }
0x50e: {  	[tilespmem:s11+$0x20] =	vst v7;
	v5 =	vld.idx.msk [tilespmem:v5+s4+$0x0], $0xffff  }
0x50f: {  	v7 =	vld [tilespmem:s10+$0x30]  }
0x510: {  	[tilespmem:s14+$0xFFFFFF80] =	vst v12;
	v8 =	vld.idx.msk [tilespmem:v8+s4+$0x0], $0xffff  }
0x511: {  	v13 =	vld [tilespmem:s12+$0xFFFFFF90];
	[tilespmem:s11+$0xFFFFFFA0] =	vst v10  }
0x512: {  	v14 =	vld [tilespmem:s10+$0xFFFFFFB0]  }
0x513: {  	v9 =	vld.idx.msk [tilespmem:v9+s4+$0x0], $0xffff;
	[tilespmem:s5+$0x60] =	vst v5  }
0x514: {  	v5 =	vld [tilespmem:s15+$0x70]  }
0x515: {  	[tilespmem:s6+$0xFFFFFFC0] =	vst v8;
	v6 =	vld.idx.msk [tilespmem:v6+s4+$0x0], $0xffff  }
0x516: {  	v15 =	vld [tilespmem:s8+$0xFFFFFFD0]  }
0x517: {  	v7 =	vld.idx.msk [tilespmem:v7+s4+$0x0], $0xffff  }
0x518: {  	[tilespmem:s5+$0xFFFFFFE0] =	vst v9;
	v9 =	vld.idx.msk [tilespmem:v11+s4+$0x0], $0xffff;
	_ =	sdelay $0x1  }
0x519: {  	v10 =	vld.idx.msk [tilespmem:v13+s4+$0x0], $0xffff;
	[tilespmem:s6+$0x50] =	vst v6  }
0x51a: {  	v6 =	vld [tilespmem:s8+$0x60]  }
0x51b: {  	[tilespmem:s11+$0x30] =	vst v7;
	v63 =	vld.idx.msk [tilespmem:v5+s4+$0x0], $0xffff  }
0x51c: {  	[tilespmem:s14+$0x10] =	vst v9;
	v9 =	vld.idx.msk [tilespmem:v14+s4+$0x0], $0xffff  }
0x51d: {  	v8 =	vld [tilespmem:s10+$0x40]  }
0x51e: {  	v7 =	vld.idx.msk [tilespmem:v15+s4+$0x0], $0xffff  }
0x51f: {  	v11 =	vld [tilespmem:s12+$0x20]  }
0x520: {  	s16 =	simm.s32 $0x10800;
	v5 =	vld [tilespmem:s15+$0xFFFFFFF0];
	s15 =	simm.s32 $0x6;
	[tilespmem:s5+$0x70] =	vst v63  }
.LBB2_27:
0x521: {  	v12 =	vld [tilespmem:s16+$0x0];
	s15 =	sadd.s32 $0x2, s15;
	s17 =	smov.u32 s11;
	s11 =	smov.u32 s14  }
0x522: {  	v13 =	vld [tilespmem:s16+$0xFFFFFF80];
	p0 =	slt.u32 s15, $0x3E;
	[tilespmem:s14+$0xFFFFFF90] =	vst v10  }
0x523: {  	v6 =	vld.idx.msk [tilespmem:v6+s4+$0x0], $0xffff  }
0x524: {  	v10 =	vld [tilespmem:s12+$0xFFFFFFA0];
	[tilespmem:s17+$0xFFFFFFB0] =	vst v9  }
0x525: {  	v8 =	vld.idx.msk [tilespmem:v8+s4+$0x0], $0xffff  }
0x526: {  	v9 =	vld [tilespmem:s10+$0xFFFFFFC0];
	[tilespmem:s6+$0xFFFFFFD0] =	vst v7  }
0x527: {  	v7 =	vld.idx.msk [tilespmem:v11+s4+$0x0], $0xffff  }
0x528: {  	v11 =	vld [tilespmem:s8+$0xFFFFFFE0]  }
0x529: {  	v12 =	vld.idx.msk [tilespmem:v12+s4+$0x0], $0xffff;
	[tilespmem:s6+$0x60] =	vst v6  }
0x52a: {  	v6 =	vld [tilespmem:s8+$0x70]  }
0x52b: {  	v13 =	vld.idx.msk [tilespmem:v13+s4+$0x0], $0xffff;
	[tilespmem:s17+$0x40] =	vst v8  }
0x52c: {  	v8 =	vld [tilespmem:s10+$0x50]  }
0x52d: {  	v10 =	vld.idx.msk [tilespmem:v10+s4+$0x0], $0xffff;
	[tilespmem:s14+$0x20] =	vst v7  }
0x52e: {  	s14 =	sadd.s32 $0x100, s14;
	v7 =	vld [tilespmem:s12+$0x30]  }
0x52f: {  	[tilespmem:s14+$0x0] =	vst v12;
	v9 =	vld.idx.msk [tilespmem:v9+s4+$0x0], $0xffff  }
0x530: {  	v12 =	vld [tilespmem:s16+$0x10]  }
0x531: {  	[tilespmem:s14+$0xFFFFFF80] =	vst v13;
	v11 =	vld.idx.msk [tilespmem:v11+s4+$0x0], $0xffff  }
0x532: {  	v6 =	vld.idx.msk [tilespmem:v6+s4+$0x0], $0xffff  }
0x533: {  	v13 =	vld [tilespmem:s16+$0xFFFFFF90];
	[tilespmem:s11+$0xFFFFFFA0] =	vst v10  }
0x534: {  	v8 =	vld.idx.msk [tilespmem:v8+s4+$0x0], $0xffff  }
0x535: {  	v14 =	vld [tilespmem:s12+$0xFFFFFFB0];
	[tilespmem:s17+$0xFFFFFFC0] =	vst v9  }
0x536: {  	v7 =	vld.idx.msk [tilespmem:v7+s4+$0x0], $0xffff  }
0x537: {  	v15 =	vld [tilespmem:s10+$0xFFFFFFD0];
	[tilespmem:s6+$0xFFFFFFE0] =	vst v11  }
0x538: {  	v9 =	vld.idx.msk [tilespmem:v12+s4+$0x0], $0xffff;
	[tilespmem:s6+$0x70] =	vst v6  }
0x539: {  	v11 =	vld [tilespmem:s8+$0xFFFFFFF0];
	s8 =	smov.u32 s10;
	s10 =	smov.u32 s12;
	s12 =	smov.u32 s16  }
0x53a: {  	[tilespmem:s17+$0x50] =	vst v8;
	v12 =	vld.idx.msk [tilespmem:v5+s4+$0x0], $0xffff  }
0x53b: {  	v6 =	vld [tilespmem:s8+$0x60]  }
.Ltmp16:
0x53c: {  	v10 =	vld.idx.msk [tilespmem:v13+s4+$0x0], $0xffff;
	[tilespmem:s11+$0x30] =	vst v7;
	(pc) =	sbr.rel @p0 .LBB2_27-.Ltmp16, $4  }
0x53d: {  	v8 =	vld [tilespmem:s10+$0x40]  }
0x53e: {  	[tilespmem:s14+$0x10] =	vst v9;
	v9 =	vld.idx.msk [tilespmem:v14+s4+$0x0], $0xffff;
	v5 =	vmov v11  }
0x53f: {  	v11 =	vld [tilespmem:s16+$0x20]  }
0x540: {  	s16 =	sadd.s32 $0x100, s16;
	v7 =	vld.idx.msk [tilespmem:v15+s4+$0x0], $0xffff;
	[tilespmem:s5+$0xFFFFFFF0] =	vst v12;
	s5 =	smov.u32 s6;
	s6 =	smov.u32 s17  }
0x541: {  	[tilespmem:s14+$0xFFFFFF90] =	vst v10  }
0x542: {  	v10 =	vld [tilespmem:s12+$0xFFFFFFA0];
	_ =	sdelay $0x6  }
0x543: {  	v11 =	vld.idx.msk [tilespmem:v11+s4+$0x0], $0xffff  }
0x544: {  	v10 =	vld.idx.msk [tilespmem:v10+s4+$0x0], $0xffff;
	_ =	sdelay $0x3  }
0x545: {  	[tilespmem:s14+$0x20] =	vst v11  }
0x546: {  	v11 =	vld [tilespmem:s12+$0x30];
	[tilespmem:s14+$0xFFFFFFA0] =	vst v10  }
0x547: {  	v10 =	vld [tilespmem:s12+$0xFFFFFFB0];
	_ =	sdelay $0x6  }
0x548: {  	v11 =	vld.idx.msk [tilespmem:v11+s4+$0x0], $0xffff  }
0x549: {  	v10 =	vld.idx.msk [tilespmem:v10+s4+$0x0], $0xffff;
	_ =	sdelay $0x2  }
0x54a: {  	[tilespmem:s11+$0xFFFFFFB0] =	vst v9  }
0x54b: {  	v62 =	vld [tilespmem:s10+$0xFFFFFFC0];
	[tilespmem:s14+$0x30] =	vst v11  }
0x54c: {  	v61 =	vld [tilespmem:s12+$0x40];
	[tilespmem:s14+$0xFFFFFFB0] =	vst v10  }
0x54d: {  	v10 =	vld [tilespmem:s12+$0xFFFFFFC0];
	_ =	sdelay $0x4  }
0x54e: {  	v8 =	vld.idx.msk [tilespmem:v8+s4+$0x0], $0xffff  }
0x54f: {  	v11 =	vld.idx.msk [tilespmem:v62+s4+$0x0], $0xffff  }
0x550: {  	v9 =	vld.idx.msk [tilespmem:v61+s4+$0x0], $0xffff  }
0x551: {  	v10 =	vld.idx.msk [tilespmem:v10+s4+$0x0], $0xffff;
	_ =	sdelay $0x1  }
0x552: {  	[tilespmem:s11+$0x40] =	vst v8  }
0x553: {  	v8 =	vld [tilespmem:s10+$0x50];
	[tilespmem:s11+$0xFFFFFFC0] =	vst v11  }
0x554: {  	v11 =	vld [tilespmem:s10+$0xFFFFFFD0];
	[tilespmem:s14+$0x40] =	vst v9  }
0x555: {  	v9 =	vld [tilespmem:s12+$0x50];
	[tilespmem:s14+$0xFFFFFFC0] =	vst v10  }
0x556: {  	v10 =	vld [tilespmem:s12+$0xFFFFFFD0];
	_ =	sdelay $0x4  }
0x557: {  	v8 =	vld.idx.msk [tilespmem:v8+s4+$0x0], $0xffff  }
0x558: {  	v11 =	vld.idx.msk [tilespmem:v11+s4+$0x0], $0xffff  }
0x559: {  	v9 =	vld.idx.msk [tilespmem:v9+s4+$0x0], $0xffff  }
0x55a: {  	v10 =	vld.idx.msk [tilespmem:v10+s4+$0x0], $0xffff  }
0x55b: {  	v6 =	vld.idx.msk [tilespmem:v6+s4+$0x0], $0xffff;
	[tilespmem:s6+$0xFFFFFFD0] =	vst v7  }
0x55c: {  	v63 =	vld [tilespmem:s8+$0xFFFFFFE0];
	[tilespmem:s11+$0x50] =	vst v8  }
0x55d: {  	v7 =	vld [tilespmem:s10+$0x60];
	[tilespmem:s11+$0xFFFFFFD0] =	vst v11  }
0x55e: {  	v11 =	vld [tilespmem:s10+$0xFFFFFFE0];
	[tilespmem:s14+$0x50] =	vst v9  }
0x55f: {  	v9 =	vld [tilespmem:s12+$0x60];
	[tilespmem:s14+$0xFFFFFFD0] =	vst v10  }
0x560: {  	v10 =	vld [tilespmem:s12+$0xFFFFFFE0];
	_ =	sdelay $0x1  }
0x561: {  	[tilespmem:s6+$0x60] =	vst v6  }
0x562: {  	v6 =	vld [tilespmem:s8+$0x70]  }
0x563: {  	v8 =	vld.idx.msk [tilespmem:v63+s4+$0x0], $0xffff  }
0x564: {  	v7 =	vld.idx.msk [tilespmem:v7+s4+$0x0], $0xffff  }
0x565: {  	v11 =	vld.idx.msk [tilespmem:v11+s4+$0x0], $0xffff  }
0x566: {  	v9 =	vld.idx.msk [tilespmem:v9+s4+$0x0], $0xffff  }
0x567: {  	v10 =	vld.idx.msk [tilespmem:v10+s4+$0x0], $0xffff  }
0x568: {  	[tilespmem:s6+$0xFFFFFFE0] =	vst v8  }
0x569: {  	v8 =	vld [tilespmem:s8+$0xFFFFFFF0];
	[tilespmem:s11+$0x60] =	vst v7  }
0x56a: {  	v7 =	vld [tilespmem:s10+$0x70];
	[tilespmem:s11+$0xFFFFFFE0] =	vst v11  }
0x56b: {  	v11 =	vld [tilespmem:s10+$0xFFFFFFF0];
	[tilespmem:s14+$0x60] =	vst v9  }
0x56c: {  	v9 =	vld [tilespmem:s12+$0x70];
	[tilespmem:s14+$0xFFFFFFE0] =	vst v10  }
0x56d: {  	v10 =	vld [tilespmem:s12+$0xFFFFFFF0]  }
0x56e: {  	v6 =	vld.idx.msk [tilespmem:v6+s4+$0x0], $0xffff;
	_ =	sdelay $0x1  }
0x56f: {  	v5 =	vld.idx.msk [tilespmem:v5+s4+$0x0], $0xffff  }
0x570: {  	v8 =	vld.idx.msk [tilespmem:v8+s4+$0x0], $0xffff  }
0x571: {  	v7 =	vld.idx.msk [tilespmem:v7+s4+$0x0], $0xffff  }
0x572: {  	[tilespmem:s6+$0x70] =	vst v6;
	v6 =	vld.idx.msk [tilespmem:v11+s4+$0x0], $0xffff  }
0x573: {  	v9 =	vld.idx.msk [tilespmem:v9+s4+$0x0], $0xffff  }
0x574: {  	[tilespmem:s5+$0xFFFFFFF0] =	vst v5;
	v5 =	vld.idx.msk [tilespmem:v10+s4+$0x0], $0xffff  }
0x575: {  	[tilespmem:s6+$0xFFFFFFF0] =	vst v8  }
0x576: {  	[tilespmem:s11+$0x70] =	vst v7  }
0x577: {  	[tilespmem:s11+$0xFFFFFFF0] =	vst v6  }
0x578: {  	[tilespmem:s14+$0x70] =	vst v9  }
0x579: {  	[tilespmem:s14+$0xFFFFFFF0] =	vst v5  }
0x57a: {  	s0 =	rddreg [dreg:$0xc]  }
0x57b: {  	[hbm4b:s0+s19] =	stream.strided.scatter [tilespmem:s31], [sflag:$0x3], $0x2000, s30, s19, $0x200038;
	[tilespmem:$0x16400] =	vst v63  }
0x57c: {  	s30 =	simm.s32 $0x4  }
0x57d: {  	_ =	swait.ge [sflag:s30], $0x2000  }
0x57e: {  	[sflag:s30] =	ssyncset.done $0x0  }
0x57f: {  	[sflag:s30] =	ssyncadd.s32 $0xFFFFE000  }
0x580: {  	_ =	swait.ge [sflag:s1], $0x2000  }
0x581: {  	s2 =	rddreg [dreg:$0xe]  }
0x582: {  	s31 =	rddreg [dreg:$0xd];
	s2 =	sadd.s32 $0x1, s2  }
0x583: {  	p0 =	sne.s32 s2, s31  }
.Ltmp17:
0x584: {  	_ = 	snop;
	(pc) =	sbr.rel @p0 .LBB2_1-.Ltmp17, $4  }
0x585: {  	_ = 	snop  }
0x586: {  	[sflag:s1] =	ssyncset.done $0x0  }
0x587: {  	[sflag:s1] =	ssyncadd.s32 $0xFFFFE000  }
0x588: {  	_ =	strace $0x90000049  }
0x589: {  	_ =	sfence.sel $0x180000  }
0x58a: {  	[bflag:$0x0] =	sbarrier.arrive $0xFFFF  }
0x58b: {  	_ =	strace $0x90000047  }
0x58c: {  	s0 =	stileid.u32;
	[bflag:$0x2] =	sbarrier.arrive $0xFFFF  }
0x58d: {  	p0 =	sne.s32 s0, $0x0;
	s0 =	rddreg [dreg:$0x3]  }
0x58e: {  	s0 =	sadd.s32 @!p0 $0x100000, s0  }
0x58f: {  	[sflag:s0] =	ssyncadd.tile.s32 @!p0 $0x1;
	_ =	shalt  }
.Lfunc_end2:
_tile_overlayer_lowered:
.L_overlay_start_2:
0x590: {  	(tag) =	ssettag $0x2  }
0x591: {  	s0 =	rddreg [dreg:$0x0];
	s2 =	stileid.u32  }
0x592: {  	s1 =	rddreg [dreg:$0x1];
	p0 =	sne.s32 s2, $0x0  }
0x593: {  	s3 =	rddreg [dreg:$0x2];
	[bflag:$0x3] =	sbarrier.arrive $0xFFFF;
	s2 =	simm.s32 @!p0 $0x1C05  }
0x594: {  	[timem:s3], [sflag:s2] =	dma.local @!p0 [hbm:s0], s1  }
0x595: {  	s0 =	simm.s32 @!p0 $0x5  }
0x596: {  	_ =	swait.ge @!p0 [sflag:s0], s1  }
0x597: {  	s1 =	ssub.s32 @!p0 $0x0, s1;
	[sflag:s0] =	ssyncset.done @!p0 $0x0  }
0x598: {  	[sflag:s0] =	ssyncadd.s32 @!p0 s1  }
0x599: {  	[bflag:$0x3] =	sbarrier.arrive $0xFFFF  }
0x59a: {  	_ =	shalt  }

</sc_bundles>
